<compile_context>
chip_gen: v7x
topology: tpu7x:2x2x1
jax: 0.10.2.dev20260603
libtpu: 0.0.44.dev20260713+nightly
codegen_flags: <defaults>
</compile_context>

<pallas_src>
import functools

import jax
import jax.numpy as jnp
from jax import lax
from jax.experimental import pallas as pl
from jax.experimental.pallas import tpu as pltpu
from jax.experimental.pallas import tpu_sc as plsc

_NC = 2
_NS = 16
_NW = _NC * _NS
_L = 16


def _sc_expand(x2, w_bin, w_pos, n, d, p_rows, bin_size, e_types):
    rows = x2.shape[0]
    rpw = rows // _NW
    nj = n // _L
    mesh = plsc.VectorSubcoreMesh(
        core_axis_name="c", subcore_axis_name="s",
        num_cores=_NC, num_subcores=_NS)

    @functools.partial(
        pl.kernel,
        out_type=jax.ShapeDtypeStruct((rows, n * d), jnp.float32),
        mesh=mesh,
        compiler_params=pltpu.CompilerParams(
            use_tc_tiling_on_sc=True, needs_layout_passes=False),
        scratch_types=[
            pltpu.VMEM((e_types, d), jnp.float32),
            pltpu.VMEM((p_rows, d), jnp.float32),
            pltpu.VMEM((e_types * p_rows * d,), jnp.float32),
            pltpu.VMEM((rpw, n), jnp.int32),
            pltpu.VMEM((n * d,), jnp.float32),
            pltpu.VMEM((n * d,), jnp.float32),
            pltpu.SemaphoreType.DMA,
            pltpu.SemaphoreType.DMA,
        ],
    )
    def run(x_hbm, wb_hbm, wp_hbm, out_hbm,
            wb_v, wp_v, t_v, x_v, stga, stgb, sema, semb):
        wid = lax.axis_index("s") * _NC + lax.axis_index("c")
        base = wid * rpw
        pltpu.sync_copy(wb_hbm, wb_v)
        pltpu.sync_copy(wp_hbm, wp_v)
        pltpu.sync_copy(x_hbm.at[pl.ds(base, rpw)], x_v)

        io_lo = lax.iota(jnp.int32, _L)
        io_hi = io_lo + _L
        lane_of = [jnp.full((_L,), u, jnp.int32) for u in range(_L)]

        def lane_take(vec, idx):
            return lax.gather(
                vec, idx[:, None],
                lax.GatherDimensionNumbers(
                    offset_dims=(), collapsed_slice_dims=(0,),
                    start_index_map=(0,)),
                slice_sizes=(1,),
                mode=lax.GatherScatterMode.PROMISE_IN_BOUNDS)

        for e in range(e_types):
            wb_lo = wb_v[e, pl.ds(0, _L)]
            wb_hi = wb_v[e, pl.ds(_L, _L)]

            def table_body(p, carry, e=e, wb_lo=wb_lo, wb_hi=wb_hi):
                t_v[pl.ds((e * p_rows + p) * d, _L)] = (
                    wp_v[p, pl.ds(0, _L)] + wb_lo)
                t_v[pl.ds((e * p_rows + p) * d + _L, _L)] = (
                    wp_v[p, pl.ds(_L, _L)] + wb_hi)
                return carry

            lax.fori_loop(0, p_rows, table_body, 0)

        def compute_row(r, stg):
            i = lax.rem(base + r, n)

            @plsc.parallel_loop(0, nj, unroll=4)
            def chunk(cc):
                xv = x_v[r, pl.ds(cc * _L, _L)]
                rel = (cc * _L + io_lo) - i
                p = jnp.minimum(jnp.maximum(rel, -bin_size), bin_size)
                cvec = (xv * p_rows + (p + bin_size)) * d
                for u in range(_L):
                    bc = lane_take(cvec, lane_of[u])
                    j = cc * _L + u
                    stg[pl.ds(j * d, _L)] = plsc.load_gather(t_v, [bc + io_lo])
                    stg[pl.ds(j * d + _L, _L)] = plsc.load_gather(t_v, [bc + io_hi])

        def pair(q, carry):
            ra = 2 * q
            rb = ra + 1

            @pl.when(q > 0)
            def _wait_a():
                pltpu.make_async_copy(stga, out_hbm.at[base], sema).wait()

            compute_row(ra, stga)
            pltpu.async_copy(stga, out_hbm.at[base + ra], sema)

            @pl.when(q > 0)
            def _wait_b():
                pltpu.make_async_copy(stgb, out_hbm.at[base], semb).wait()

            compute_row(rb, stgb)
            pltpu.async_copy(stgb, out_hbm.at[base + rb], semb)
            return carry

        lax.fori_loop(0, rpw // 2, pair, 0)
        pltpu.make_async_copy(stga, out_hbm.at[base], sema).wait()
        pltpu.make_async_copy(stgb, out_hbm.at[base], semb).wait()

    return run(x2, w_bin, w_pos)


def kernel(x, W_bin, W_pos):
    b, n = x.shape[0], x.shape[1]
    e_types, d = W_bin.shape
    p_rows = W_pos.shape[0]
    bin_size = (p_rows - 1) // 2

    x2 = x.reshape(b * n, n).astype(jnp.int32)
    out = _sc_expand(x2, W_bin.astype(jnp.float32), W_pos.astype(jnp.float32),
                     n, d, p_rows, bin_size, e_types)
    return out.reshape(b, n, n, d)

# --- scband reference (transcript-rebuilt; emitter-appended) ---
"""Pipeline reference for scband-embedder-30322469109967 (READ-ONLY COPY).

The authoritative reference and input builder live on the scoring server;
editing this copy changes nothing except your own understanding.
"""

import jax, jax.numpy as jnp
import numpy as np

N = 512
EMBEDD_SIZE = 32
EDGE_TYPES = 4
BIN_SIZE = 64
BATCH = 4

def setup_inputs(seed: int = 0) -> dict:
    key = jax.random.key(seed)
    k1, k2, k3 = jax.random.split(key, 3)
    x = jax.random.randint(k1, (BATCH, N, N), 0, EDGE_TYPES, dtype=jnp.int64 if jax.config.jax_enable_x64 else jnp.int32)
    W_bin = jax.random.normal(k2, (EDGE_TYPES, EMBEDD_SIZE), dtype=jnp.float32)
    W_pos = jax.random.normal(k3, (2 * BIN_SIZE + 1, EMBEDD_SIZE), dtype=jnp.float32)
    return {"x": x, "W_bin": W_bin, "W_pos": W_pos}

def reference(x, W_bin, W_pos):
    n = x.shape[1]
    bin_size = (W_pos.shape[0] - 1) // 2
    indices = jnp.arange(n)
    relative_positions = indices[None, :] - indices[:, None]
    positional_encode = jnp.clip(relative_positions, -bin_size, bin_size) + bin_size
    binary_embedd = jnp.take(W_bin, x, axis=0)              # (B, N, N, D)
    positional_embedd = jnp.take(W_pos, positional_encode, axis=0)  # (N, N, D)
    out = binary_embedd + positional_embedd[None, :, :, :]
    return out

if __name__ == "__main__":
    import jax
    _d = setup_inputs()
    print(jax.jit(kernel)(*tuple(_d.values())))

</pallas_src>

<mosaic_0001>
#map = affine_map<(d0, d1) -> (0, 0)>
module attributes {stable_mosaic.version = 14 : i64} {
  func.func @run(%arg0: i32, %arg1: i32, %arg2: memref<2048x512xi32, #tpu.memory_space<hbm>>, %arg3: memref<4x32xf32, #tpu.memory_space<hbm>>, %arg4: memref<129x32xf32, #tpu.memory_space<hbm>>, %arg5: memref<2048x16384xf32, #tpu.memory_space<hbm>>, %arg6: memref<4x32xf32, #tpu.memory_space<vmem>>, %arg7: memref<129x32xf32, #tpu.memory_space<vmem>>, %arg8: memref<16512xf32, #tpu.memory_space<vmem>>, %arg9: memref<64x512xi32, #tpu.memory_space<vmem>>, %arg10: memref<16384xf32, #tpu.memory_space<vmem>>, %arg11: memref<16384xf32, #tpu.memory_space<vmem>>, %arg12: memref<!tpu.dma_semaphore, #tpu.memory_space<semaphore_mem>>, %arg13: memref<!tpu.dma_semaphore, #tpu.memory_space<semaphore_mem>>) attributes {dimension_semantics = [#tpu.dimension_semantics<core_parallel>, #tpu.dimension_semantics<subcore_parallel>], iteration_bounds = array<i64: 2, 16>, scalar_prefetch = 0 : i64, scratch_operands = 8 : i64, tpu.core_type = #tpu.core_type<sc_vector_subcore>, window_params = [{transform_indices = #map}, {transform_indices = #map}, {transform_indices = #map}, {transform_indices = #map}]} {
    %mul3A = arith.constant 2 : i32
    %mul3A_0 = arith.muli %arg1, %mul3A : i32
    %add3A = arith.addi %mul3A_0, %arg0 : i32
    %mul3A_1 = arith.constant 64 : i32
    %mul3A_2 = arith.muli %add3A, %mul3A_1 : i32
    "tpu.region"() ({
      %run_scoped3A = tpu.sem_alloc : memref<!tpu.dma_semaphore, #tpu.memory_space<semaphore_mem>>
      tpu.enqueue_dma source(%arg3 : memref<4x32xf32, #tpu.memory_space<hbm>>) target(%arg6 : memref<4x32xf32, #tpu.memory_space<vmem>>) target_semaphore(%run_scoped3A : memref<!tpu.dma_semaphore, #tpu.memory_space<semaphore_mem>>)
      tpu.wait_dma2 semaphore(%run_scoped3A : memref<!tpu.dma_semaphore, #tpu.memory_space<semaphore_mem>>) src(%arg3 : memref<4x32xf32, #tpu.memory_space<hbm>>) dst(%arg6 : memref<4x32xf32, #tpu.memory_space<vmem>>)
      tpu.yield
    }) : () -> ()
    "tpu.region"() ({
      %run_scoped3A = tpu.sem_alloc : memref<!tpu.dma_semaphore, #tpu.memory_space<semaphore_mem>>
      tpu.enqueue_dma source(%arg4 : memref<129x32xf32, #tpu.memory_space<hbm>>) target(%arg7 : memref<129x32xf32, #tpu.memory_space<vmem>>) target_semaphore(%run_scoped3A : memref<!tpu.dma_semaphore, #tpu.memory_space<semaphore_mem>>)
      tpu.wait_dma2 semaphore(%run_scoped3A : memref<!tpu.dma_semaphore, #tpu.memory_space<semaphore_mem>>) src(%arg4 : memref<129x32xf32, #tpu.memory_space<hbm>>) dst(%arg7 : memref<129x32xf32, #tpu.memory_space<vmem>>)
      tpu.yield
    }) : () -> ()
    "tpu.region"() ({
      %run_scoped3A = tpu.sem_alloc : memref<!tpu.dma_semaphore, #tpu.memory_space<semaphore_mem>>
      %dma_start3A = arith.constant 0 : i32
      %dma_start3A_108 = tpu.memref_slice %arg2[%mul3A_2, %dma_start3A] : memref<2048x512xi32, #tpu.memory_space<hbm>> -> memref<64x512xi32, #tpu.memory_space<hbm>>
      %dma_start3A_109 = arith.constant 0 : i32
      %dma_start3A_110 = tpu.memref_slice %arg2[%mul3A_2, %dma_start3A_109] : memref<2048x512xi32, #tpu.memory_space<hbm>> -> memref<64x512xi32, #tpu.memory_space<hbm>>
      tpu.enqueue_dma source(%dma_start3A_110 : memref<64x512xi32, #tpu.memory_space<hbm>>) target(%arg9 : memref<64x512xi32, #tpu.memory_space<vmem>>) target_semaphore(%run_scoped3A : memref<!tpu.dma_semaphore, #tpu.memory_space<semaphore_mem>>)
      %dma_wait3A_111 = arith.constant 0 : i32
      %dma_wait3A_112 = tpu.memref_slice %arg2[%mul3A_2, %dma_wait3A_111] : memref<2048x512xi32, #tpu.memory_space<hbm>> -> memref<64x512xi32, #tpu.memory_space<hbm>>
      %dma_wait3A_113 = arith.constant 0 : i32
      %dma_wait3A_114 = tpu.memref_slice %arg2[%mul3A_2, %dma_wait3A_113] : memref<2048x512xi32, #tpu.memory_space<hbm>> -> memref<64x512xi32, #tpu.memory_space<hbm>>
      tpu.wait_dma2 semaphore(%run_scoped3A : memref<!tpu.dma_semaphore, #tpu.memory_space<semaphore_mem>>) src(%dma_wait3A_114 : memref<64x512xi32, #tpu.memory_space<hbm>>) dst(%arg9 : memref<64x512xi32, #tpu.memory_space<vmem>>)
      tpu.yield
    }) : () -> ()
    %iota3A = tpu.iota {dimensions = array<i32: 0>} : vector<16xi32>
    %add3A_3 = arith.constant 16 : i32
    %add3A_4 = vector.broadcast %add3A_3 : i32 to vector<16xi32>
    %add3A_5 = arith.addi %iota3A, %add3A_4 : vector<16xi32>
    %broadcast_in_dim3A = arith.constant 0 : i32
    %broadcast_in_dim3A_6 = vector.broadcast %broadcast_in_dim3A : i32 to vector<16xi32>
    %broadcast_in_dim3A_7 = arith.constant 1 : i32
    %broadcast_in_dim3A_8 = vector.broadcast %broadcast_in_dim3A_7 : i32 to vector<16xi32>
    %broadcast_in_dim3A_9 = arith.constant 2 : i32
    %broadcast_in_dim3A_10 = vector.broadcast %broadcast_in_dim3A_9 : i32 to vector<16xi32>
    %broadcast_in_dim3A_11 = arith.constant 3 : i32
    %broadcast_in_dim3A_12 = vector.broadcast %broadcast_in_dim3A_11 : i32 to vector<16xi32>
    %broadcast_in_dim3A_13 = arith.constant 4 : i32
    %broadcast_in_dim3A_14 = vector.broadcast %broadcast_in_dim3A_13 : i32 to vector<16xi32>
    %broadcast_in_dim3A_15 = arith.constant 5 : i32
    %broadcast_in_dim3A_16 = vector.broadcast %broadcast_in_dim3A_15 : i32 to vector<16xi32>
    %broadcast_in_dim3A_17 = arith.constant 6 : i32
    %broadcast_in_dim3A_18 = vector.broadcast %broadcast_in_dim3A_17 : i32 to vector<16xi32>
    %broadcast_in_dim3A_19 = arith.constant 7 : i32
    %broadcast_in_dim3A_20 = vector.broadcast %broadcast_in_dim3A_19 : i32 to vector<16xi32>
    %broadcast_in_dim3A_21 = arith.constant 8 : i32
    %broadcast_in_dim3A_22 = vector.broadcast %broadcast_in_dim3A_21 : i32 to vector<16xi32>
    %broadcast_in_dim3A_23 = arith.constant 9 : i32
    %broadcast_in_dim3A_24 = vector.broadcast %broadcast_in_dim3A_23 : i32 to vector<16xi32>
    %broadcast_in_dim3A_25 = arith.constant 10 : i32
    %broadcast_in_dim3A_26 = vector.broadcast %broadcast_in_dim3A_25 : i32 to vector<16xi32>
    %broadcast_in_dim3A_27 = arith.constant 11 : i32
    %broadcast_in_dim3A_28 = vector.broadcast %broadcast_in_dim3A_27 : i32 to vector<16xi32>
    %broadcast_in_dim3A_29 = arith.constant 12 : i32
    %broadcast_in_dim3A_30 = vector.broadcast %broadcast_in_dim3A_29 : i32 to vector<16xi32>
    %broadcast_in_dim3A_31 = arith.constant 13 : i32
    %broadcast_in_dim3A_32 = vector.broadcast %broadcast_in_dim3A_31 : i32 to vector<16xi32>
    %broadcast_in_dim3A_33 = arith.constant 14 : i32
    %broadcast_in_dim3A_34 = vector.broadcast %broadcast_in_dim3A_33 : i32 to vector<16xi32>
    %broadcast_in_dim3A_35 = arith.constant 15 : i32
    %broadcast_in_dim3A_36 = vector.broadcast %broadcast_in_dim3A_35 : i32 to vector<16xi32>
    %get3A = arith.constant 0 : i32
    %get3A_37 = arith.index_cast %get3A : i32 to index
    %get3A_38 = arith.constant 0 : index
    %get3A_39 = tpu.vector_load %arg6[%get3A_37, %get3A_38] {strides = array<i32>} : memref<4x32xf32, #tpu.memory_space<vmem>>, vector<16xf32>,
    %get3A_40 = arith.constant 0 : i32
    %get3A_41 = arith.index_cast %get3A_40 : i32 to index
    %get3A_42 = arith.constant 16 : index
    %get3A_43 = tpu.vector_load %arg6[%get3A_41, %get3A_42] {strides = array<i32>} : memref<4x32xf32, #tpu.memory_space<vmem>>, vector<16xf32>,
    %scan3A = arith.constant 0 : i32
    %scan3A_44 = arith.constant 0 : i32
    %scan3A_45 = arith.constant 129 : i32
    %scan3A_46 = arith.addi %scan3A_44, %scan3A_45 : i32
    %scan3A_47 = arith.constant 1 : i32
    scf.for %scan3A_108 = %scan3A_44 to %scan3A_46 step %scan3A_47  : i32 {
      %get3A_109 = arith.index_cast %scan3A_108 : i32 to index
      %get3A_110 = arith.constant 0 : index
      %get3A_111 = tpu.vector_load %arg7[%get3A_109, %get3A_110] {strides = array<i32>} : memref<129x32xf32, #tpu.memory_space<vmem>>, vector<16xf32>,
      %add3A_112 = arith.addf %get3A_111, %get3A_39 : vector<16xf32>
      %add3A_113 = arith.constant 0 : i32
      %add3A_114 = arith.addi %add3A_113, %scan3A_108 : i32
      %mul3A_115 = arith.constant 32 : i32
      %mul3A_116 = arith.muli %add3A_114, %mul3A_115 : i32
      %swap3A = arith.index_cast %mul3A_116 : i32 to index
      %swap3A_117 = tpu.vector_load %arg8[%swap3A] {strides = array<i32>} : memref<16512xf32, #tpu.memory_space<vmem>>, vector<16xf32>,
      tpu.vector_store %arg8[%swap3A], %add3A_112 {strides = array<i32>} : memref<16512xf32, #tpu.memory_space<vmem>>, vector<16xf32>,
      %get3A_118 = arith.index_cast %scan3A_108 : i32 to index
      %get3A_119 = arith.constant 16 : index
      %get3A_120 = tpu.vector_load %arg7[%get3A_118, %get3A_119] {strides = array<i32>} : memref<129x32xf32, #tpu.memory_space<vmem>>, vector<16xf32>,
      %add3A_121 = arith.addf %get3A_120, %get3A_43 : vector<16xf32>
      %add3A_122 = arith.constant 0 : i32
      %add3A_123 = arith.addi %add3A_122, %scan3A_108 : i32
      %mul3A_124 = arith.constant 32 : i32
      %mul3A_125 = arith.muli %add3A_123, %mul3A_124 : i32
      %add3A_126 = arith.constant 16 : i32
      %add3A_127 = arith.addi %mul3A_125, %add3A_126 : i32
      %swap3A_128 = arith.index_cast %add3A_127 : i32 to index
      %swap3A_129 = tpu.vector_load %arg8[%swap3A_128] {strides = array<i32>} : memref<16512xf32, #tpu.memory_space<vmem>>, vector<16xf32>,
      tpu.vector_store %arg8[%swap3A_128], %add3A_121 {strides = array<i32>} : memref<16512xf32, #tpu.memory_space<vmem>>, vector<16xf32>,
    }
    %scan3A_48 = arith.constant 129 : i32
    %get3A_49 = arith.constant 1 : i32
    %get3A_50 = arith.index_cast %get3A_49 : i32 to index
    %get3A_51 = arith.constant 0 : index
    %get3A_52 = tpu.vector_load %arg6[%get3A_50, %get3A_51] {strides = array<i32>} : memref<4x32xf32, #tpu.memory_space<vmem>>, vector<16xf32>,
    %get3A_53 = arith.constant 1 : i32
    %get3A_54 = arith.index_cast %get3A_53 : i32 to index
    %get3A_55 = arith.constant 16 : index
    %get3A_56 = tpu.vector_load %arg6[%get3A_54, %get3A_55] {strides = array<i32>} : memref<4x32xf32, #tpu.memory_space<vmem>>, vector<16xf32>,
    %scan3A_57 = arith.constant 0 : i32
    %scan3A_58 = arith.constant 0 : i32
    %scan3A_59 = arith.constant 129 : i32
    %scan3A_60 = arith.addi %scan3A_58, %scan3A_59 : i32
    %scan3A_61 = arith.constant 1 : i32
    scf.for %scan3A_108 = %scan3A_58 to %scan3A_60 step %scan3A_61  : i32 {
      %get3A_109 = arith.index_cast %scan3A_108 : i32 to index
      %get3A_110 = arith.constant 0 : index
      %get3A_111 = tpu.vector_load %arg7[%get3A_109, %get3A_110] {strides = array<i32>} : memref<129x32xf32, #tpu.memory_space<vmem>>, vector<16xf32>,
      %add3A_112 = arith.addf %get3A_111, %get3A_52 : vector<16xf32>
      %add3A_113 = arith.constant 129 : i32
      %add3A_114 = arith.addi %add3A_113, %scan3A_108 : i32
      %mul3A_115 = arith.constant 32 : i32
      %mul3A_116 = arith.muli %add3A_114, %mul3A_115 : i32
      %swap3A = arith.index_cast %mul3A_116 : i32 to index
      %swap3A_117 = tpu.vector_load %arg8[%swap3A] {strides = array<i32>} : memref<16512xf32, #tpu.memory_space<vmem>>, vector<16xf32>,
      tpu.vector_store %arg8[%swap3A], %add3A_112 {strides = array<i32>} : memref<16512xf32, #tpu.memory_space<vmem>>, vector<16xf32>,
      %get3A_118 = arith.index_cast %scan3A_108 : i32 to index
      %get3A_119 = arith.constant 16 : index
      %get3A_120 = tpu.vector_load %arg7[%get3A_118, %get3A_119] {strides = array<i32>} : memref<129x32xf32, #tpu.memory_space<vmem>>, vector<16xf32>,
      %add3A_121 = arith.addf %get3A_120, %get3A_56 : vector<16xf32>
      %add3A_122 = arith.constant 129 : i32
      %add3A_123 = arith.addi %add3A_122, %scan3A_108 : i32
      %mul3A_124 = arith.constant 32 : i32
      %mul3A_125 = arith.muli %add3A_123, %mul3A_124 : i32
      %add3A_126 = arith.constant 16 : i32
      %add3A_127 = arith.addi %mul3A_125, %add3A_126 : i32
      %swap3A_128 = arith.index_cast %add3A_127 : i32 to index
      %swap3A_129 = tpu.vector_load %arg8[%swap3A_128] {strides = array<i32>} : memref<16512xf32, #tpu.memory_space<vmem>>, vector<16xf32>,
      tpu.vector_store %arg8[%swap3A_128], %add3A_121 {strides = array<i32>} : memref<16512xf32, #tpu.memory_space<vmem>>, vector<16xf32>,
    }
    %scan3A_62 = arith.constant 129 : i32
    %get3A_63 = arith.constant 2 : i32
    %get3A_64 = arith.index_cast %get3A_63 : i32 to index
    %get3A_65 = arith.constant 0 : index
    %get3A_66 = tpu.vector_load %arg6[%get3A_64, %get3A_65] {strides = array<i32>} : memref<4x32xf32, #tpu.memory_space<vmem>>, vector<16xf32>,
    %get3A_67 = arith.constant 2 : i32
    %get3A_68 = arith.index_cast %get3A_67 : i32 to index
    %get3A_69 = arith.constant 16 : index
    %get3A_70 = tpu.vector_load %arg6[%get3A_68, %get3A_69] {strides = array<i32>} : memref<4x32xf32, #tpu.memory_space<vmem>>, vector<16xf32>,
    %scan3A_71 = arith.constant 0 : i32
    %scan3A_72 = arith.constant 0 : i32
    %scan3A_73 = arith.constant 129 : i32
    %scan3A_74 = arith.addi %scan3A_72, %scan3A_73 : i32
    %scan3A_75 = arith.constant 1 : i32
    scf.for %scan3A_108 = %scan3A_72 to %scan3A_74 step %scan3A_75  : i32 {
      %get3A_109 = arith.index_cast %scan3A_108 : i32 to index
      %get3A_110 = arith.constant 0 : index
      %get3A_111 = tpu.vector_load %arg7[%get3A_109, %get3A_110] {strides = array<i32>} : memref<129x32xf32, #tpu.memory_space<vmem>>, vector<16xf32>,
      %add3A_112 = arith.addf %get3A_111, %get3A_66 : vector<16xf32>
      %add3A_113 = arith.constant 258 : i32
      %add3A_114 = arith.addi %add3A_113, %scan3A_108 : i32
      %mul3A_115 = arith.constant 32 : i32
      %mul3A_116 = arith.muli %add3A_114, %mul3A_115 : i32
      %swap3A = arith.index_cast %mul3A_116 : i32 to index
      %swap3A_117 = tpu.vector_load %arg8[%swap3A] {strides = array<i32>} : memref<16512xf32, #tpu.memory_space<vmem>>, vector<16xf32>,
      tpu.vector_store %arg8[%swap3A], %add3A_112 {strides = array<i32>} : memref<16512xf32, #tpu.memory_space<vmem>>, vector<16xf32>,
      %get3A_118 = arith.index_cast %scan3A_108 : i32 to index
      %get3A_119 = arith.constant 16 : index
      %get3A_120 = tpu.vector_load %arg7[%get3A_118, %get3A_119] {strides = array<i32>} : memref<129x32xf32, #tpu.memory_space<vmem>>, vector<16xf32>,
      %add3A_121 = arith.addf %get3A_120, %get3A_70 : vector<16xf32>
      %add3A_122 = arith.constant 258 : i32
      %add3A_123 = arith.addi %add3A_122, %scan3A_108 : i32
      %mul3A_124 = arith.constant 32 : i32
      %mul3A_125 = arith.muli %add3A_123, %mul3A_124 : i32
      %add3A_126 = arith.constant 16 : i32
      %add3A_127 = arith.addi %mul3A_125, %add3A_126 : i32
      %swap3A_128 = arith.index_cast %add3A_127 : i32 to index
      %swap3A_129 = tpu.vector_load %arg8[%swap3A_128] {strides = array<i32>} : memref<16512xf32, #tpu.memory_space<vmem>>, vector<16xf32>,
      tpu.vector_store %arg8[%swap3A_128], %add3A_121 {strides = array<i32>} : memref<16512xf32, #tpu.memory_space<vmem>>, vector<16xf32>,
    }
    %scan3A_76 = arith.constant 129 : i32
    %get3A_77 = arith.constant 3 : i32
    %get3A_78 = arith.index_cast %get3A_77 : i32 to index
    %get3A_79 = arith.constant 0 : index
    %get3A_80 = tpu.vector_load %arg6[%get3A_78, %get3A_79] {strides = array<i32>} : memref<4x32xf32, #tpu.memory_space<vmem>>, vector<16xf32>,
    %get3A_81 = arith.constant 3 : i32
    %get3A_82 = arith.index_cast %get3A_81 : i32 to index
    %get3A_83 = arith.constant 16 : index
    %get3A_84 = tpu.vector_load %arg6[%get3A_82, %get3A_83] {strides = array<i32>} : memref<4x32xf32, #tpu.memory_space<vmem>>, vector<16xf32>,
    %scan3A_85 = arith.constant 0 : i32
    %scan3A_86 = arith.constant 0 : i32
    %scan3A_87 = arith.constant 129 : i32
    %scan3A_88 = arith.addi %scan3A_86, %scan3A_87 : i32
    %scan3A_89 = arith.constant 1 : i32
    scf.for %scan3A_108 = %scan3A_86 to %scan3A_88 step %scan3A_89  : i32 {
      %get3A_109 = arith.index_cast %scan3A_108 : i32 to index
      %get3A_110 = arith.constant 0 : index
      %get3A_111 = tpu.vector_load %arg7[%get3A_109, %get3A_110] {strides = array<i32>} : memref<129x32xf32, #tpu.memory_space<vmem>>, vector<16xf32>,
      %add3A_112 = arith.addf %get3A_111, %get3A_80 : vector<16xf32>
      %add3A_113 = arith.constant 387 : i32
      %add3A_114 = arith.addi %add3A_113, %scan3A_108 : i32
      %mul3A_115 = arith.constant 32 : i32
      %mul3A_116 = arith.muli %add3A_114, %mul3A_115 : i32
      %swap3A = arith.index_cast %mul3A_116 : i32 to index
      %swap3A_117 = tpu.vector_load %arg8[%swap3A] {strides = array<i32>} : memref<16512xf32, #tpu.memory_space<vmem>>, vector<16xf32>,
      tpu.vector_store %arg8[%swap3A], %add3A_112 {strides = array<i32>} : memref<16512xf32, #tpu.memory_space<vmem>>, vector<16xf32>,
      %get3A_118 = arith.index_cast %scan3A_108 : i32 to index
      %get3A_119 = arith.constant 16 : index
      %get3A_120 = tpu.vector_load %arg7[%get3A_118, %get3A_119] {strides = array<i32>} : memref<129x32xf32, #tpu.memory_space<vmem>>, vector<16xf32>,
      %add3A_121 = arith.addf %get3A_120, %get3A_84 : vector<16xf32>
      %add3A_122 = arith.constant 387 : i32
      %add3A_123 = arith.addi %add3A_122, %scan3A_108 : i32
      %mul3A_124 = arith.constant 32 : i32
      %mul3A_125 = arith.muli %add3A_123, %mul3A_124 : i32
      %add3A_126 = arith.constant 16 : i32
      %add3A_127 = arith.addi %mul3A_125, %add3A_126 : i32
      %swap3A_128 = arith.index_cast %add3A_127 : i32 to index
      %swap3A_129 = tpu.vector_load %arg8[%swap3A_128] {strides = array<i32>} : memref<16512xf32, #tpu.memory_space<vmem>>, vector<16xf32>,
      tpu.vector_store %arg8[%swap3A_128], %add3A_121 {strides = array<i32>} : memref<16512xf32, #tpu.memory_space<vmem>>, vector<16xf32>,
    }
    %scan3A_90 = arith.constant 129 : i32
    %scan3A_91 = arith.constant 0 : i32
    %scan3A_92 = arith.constant 0 : i32
    %scan3A_93 = arith.constant 32 : i32
    %scan3A_94 = arith.addi %scan3A_92, %scan3A_93 : i32
    %scan3A_95 = arith.constant 1 : i32
    scf.for %scan3A_108 = %scan3A_92 to %scan3A_94 step %scan3A_95  : i32 {
      %mul3A_109 = arith.constant 2 : i32
      %mul3A_110 = arith.muli %mul3A_109, %scan3A_108 : i32
      %add3A_111 = arith.constant 1 : i32
      %add3A_112 = arith.addi %mul3A_110, %add3A_111 : i32
      %gt3A = arith.constant 0 : i32
      %gt3A_113 = arith.cmpi sgt, %scan3A_108, %gt3A : i32
      %convert_element_type3A = arith.extui %gt3A_113 : i1 to i32
      %cond3A = arith.constant 0 : i32
      %cond3A_114 = arith.cmpi ne, %convert_element_type3A, %cond3A : i32
      scf.if %cond3A_114 {
        %dma_wait3A_143 = arith.constant 0 : i32
        %dma_wait3A_144 = tpu.memref_slice %arg5[%mul3A_2, %dma_wait3A_143] : memref<2048x16384xf32, #tpu.memory_space<hbm>> -> memref<1x16384xf32, #tpu.memory_space<hbm>>
        %dma_wait3A_145 = tpu.memref_squeeze %dma_wait3A_144 : memref<1x16384xf32, #tpu.memory_space<hbm>> -> memref<16384xf32, #tpu.memory_space<hbm>>
        %dma_wait3A_146 = arith.constant 0 : i32
        %dma_wait3A_147 = tpu.memref_slice %arg5[%mul3A_2, %dma_wait3A_146] : memref<2048x16384xf32, #tpu.memory_space<hbm>> -> memref<1x16384xf32, #tpu.memory_space<hbm>>
        %dma_wait3A_148 = tpu.memref_squeeze %dma_wait3A_147 : memref<1x16384xf32, #tpu.memory_space<hbm>> -> memref<16384xf32, #tpu.memory_space<hbm>>
        tpu.wait_dma2 semaphore(%arg12 : memref<!tpu.dma_semaphore, #tpu.memory_space<semaphore_mem>>) src(%arg10 : memref<16384xf32, #tpu.memory_space<vmem>>) dst(%dma_wait3A_148 : memref<16384xf32, #tpu.memory_space<hbm>>)
      } else {
      }
      %add3A_115 = arith.addi %mul3A_2, %mul3A_110 : i32
      %rem3A = arith.constant 512 : i32
      %rem3A_116 = arith.remsi %add3A_115, %rem3A : i32
      %parallel_loop3A = arith.constant 0 : i32
      %parallel_loop3A_117 = arith.constant 32 : i32
      %parallel_loop3A_118 = arith.constant 1 : i32
      scf.for %parallel_loop3A_143 = %parallel_loop3A to %parallel_loop3A_117 step %parallel_loop3A_118  : i32 {
        %parallel_loop3A_144 = arith.constant 16 : i32
        %parallel_loop3A_145 = arith.muli %parallel_loop3A_143, %parallel_loop3A_144 : i32
        %parallel_loop3A_146 = arith.index_cast %mul3A_110 : i32 to index
        %parallel_loop3A_147 = arith.index_cast %parallel_loop3A_145 : i32 to index
        %parallel_loop3A_148 = tpu.vector_load %arg9[%parallel_loop3A_146, %parallel_loop3A_147] {strides = array<i32>} : memref<64x512xi32, #tpu.memory_space<vmem>>, vector<16xi32>,
        %parallel_loop3A_149 = arith.constant 16 : i32
        %parallel_loop3A_150 = arith.muli %parallel_loop3A_143, %parallel_loop3A_149 : i32
        %parallel_loop3A_151 = vector.broadcast %parallel_loop3A_150 : i32 to vector<16xi32>
        %parallel_loop3A_152 = arith.addi %parallel_loop3A_151, %iota3A : vector<16xi32>
        %parallel_loop3A_153 = vector.broadcast %rem3A_116 : i32 to vector<16xi32>
        %parallel_loop3A_154 = arith.subi %parallel_loop3A_152, %parallel_loop3A_153 : vector<16xi32>
        %parallel_loop3A_155 = arith.constant -64 : i32
        %parallel_loop3A_156 = vector.broadcast %parallel_loop3A_155 : i32 to vector<16xi32>
        %parallel_loop3A_157 = arith.maxsi %parallel_loop3A_154, %parallel_loop3A_156 : vector<16xi32>
        %parallel_loop3A_158 = arith.constant 64 : i32
        %parallel_loop3A_159 = vector.broadcast %parallel_loop3A_158 : i32 to vector<16xi32>
        %parallel_loop3A_160 = arith.minsi %parallel_loop3A_157, %parallel_loop3A_159 : vector<16xi32>
        %parallel_loop3A_161 = arith.constant 129 : i32
        %parallel_loop3A_162 = vector.broadcast %parallel_loop3A_161 : i32 to vector<16xi32>
        %parallel_loop3A_163 = arith.muli %parallel_loop3A_148, %parallel_loop3A_162 : vector<16xi32>
        %parallel_loop3A_164 = arith.constant 64 : i32
        %parallel_loop3A_165 = vector.broadcast %parallel_loop3A_164 : i32 to vector<16xi32>
        %parallel_loop3A_166 = arith.addi %parallel_loop3A_160, %parallel_loop3A_165 : vector<16xi32>
        %parallel_loop3A_167 = arith.addi %parallel_loop3A_163, %parallel_loop3A_166 : vector<16xi32>
        %parallel_loop3A_168 = arith.constant 32 : i32
        %parallel_loop3A_169 = vector.broadcast %parallel_loop3A_168 : i32 to vector<16xi32>
        %parallel_loop3A_170 = arith.muli %parallel_loop3A_167, %parallel_loop3A_169 : vector<16xi32>
        %parallel_loop3A_171 = vector.shape_cast %broadcast_in_dim3A_6 : vector<16xi32> to vector<16x1xi32>
        %parallel_loop3A_172 = vector.shape_cast %parallel_loop3A_171 : vector<16x1xi32> to vector<16xi32>
        %parallel_loop3A_173 = tpu.dynamic_gather %parallel_loop3A_170[%parallel_loop3A_172] in [0] : vector<16xi32>, vector<16xi32> -> vector<16xi32>
        %parallel_loop3A_174 = arith.constant 16 : i32
        %parallel_loop3A_175 = arith.muli %parallel_loop3A_143, %parallel_loop3A_174 : i32
        %parallel_loop3A_176 = arith.constant 0 : i32
        %parallel_loop3A_177 = arith.addi %parallel_loop3A_175, %parallel_loop3A_176 : i32
        %parallel_loop3A_178 = arith.addi %parallel_loop3A_173, %iota3A : vector<16xi32>
        %parallel_loop3A_179 = tpu.vector_load_idx %arg8[%parallel_loop3A_178] : memref<16512xf32, #tpu.memory_space<vmem>>[vector<16xi32>], vector<16xf32>,
        %parallel_loop3A_180 = arith.constant 32 : i32
        %parallel_loop3A_181 = arith.muli %parallel_loop3A_177, %parallel_loop3A_180 : i32
        %parallel_loop3A_182 = arith.index_cast %parallel_loop3A_181 : i32 to index
        %parallel_loop3A_183 = tpu.vector_load %arg10[%parallel_loop3A_182] {strides = array<i32>} : memref<16384xf32, #tpu.memory_space<vmem>>, vector<16xf32>,
        tpu.vector_store %arg10[%parallel_loop3A_182], %parallel_loop3A_179 {strides = array<i32>} : memref<16384xf32, #tpu.memory_space<vmem>>, vector<16xf32>,
        %parallel_loop3A_184 = arith.addi %parallel_loop3A_173, %add3A_5 : vector<16xi32>
        %parallel_loop3A_185 = tpu.vector_load_idx %arg8[%parallel_loop3A_184] : memref<16512xf32, #tpu.memory_space<vmem>>[vector<16xi32>], vector<16xf32>,
        %parallel_loop3A_186 = arith.constant 32 : i32
        %parallel_loop3A_187 = arith.muli %parallel_loop3A_177, %parallel_loop3A_186 : i32
        %parallel_loop3A_188 = arith.constant 16 : i32
        %parallel_loop3A_189 = arith.addi %parallel_loop3A_187, %parallel_loop3A_188 : i32
        %parallel_loop3A_190 = arith.index_cast %parallel_loop3A_189 : i32 to index
        %parallel_loop3A_191 = tpu.vector_load %arg10[%parallel_loop3A_190] {strides = array<i32>} : memref<16384xf32, #tpu.memory_space<vmem>>, vector<16xf32>,
        tpu.vector_store %arg10[%parallel_loop3A_190], %parallel_loop3A_185 {strides = array<i32>} : memref<16384xf32, #tpu.memory_space<vmem>>, vector<16xf32>,
        %parallel_loop3A_192 = vector.shape_cast %broadcast_in_dim3A_8 : vector<16xi32> to vector<16x1xi32>
        %parallel_loop3A_193 = vector.shape_cast %parallel_loop3A_192 : vector<16x1xi32> to vector<16xi32>
        %parallel_loop3A_194 = tpu.dynamic_gather %parallel_loop3A_170[%parallel_loop3A_193] in [0] : vector<16xi32>, vector<16xi32> -> vector<16xi32>
        %parallel_loop3A_195 = arith.constant 16 : i32
        %parallel_loop3A_196 = arith.muli %parallel_loop3A_143, %parallel_loop3A_195 : i32
        %parallel_loop3A_197 = arith.constant 1 : i32
        %parallel_loop3A_198 = arith.addi %parallel_loop3A_196, %parallel_loop3A_197 : i32
        %parallel_loop3A_199 = arith.addi %parallel_loop3A_194, %iota3A : vector<16xi32>
        %parallel_loop3A_200 = tpu.vector_load_idx %arg8[%parallel_loop3A_199] : memref<16512xf32, #tpu.memory_space<vmem>>[vector<16xi32>], vector<16xf32>,
        %parallel_loop3A_201 = arith.constant 32 : i32
        %parallel_loop3A_202 = arith.muli %parallel_loop3A_198, %parallel_loop3A_201 : i32
        %parallel_loop3A_203 = arith.index_cast %parallel_loop3A_202 : i32 to index
        %parallel_loop3A_204 = tpu.vector_load %arg10[%parallel_loop3A_203] {strides = array<i32>} : memref<16384xf32, #tpu.memory_space<vmem>>, vector<16xf32>,
        tpu.vector_store %arg10[%parallel_loop3A_203], %parallel_loop3A_200 {strides = array<i32>} : memref<16384xf32, #tpu.memory_space<vmem>>, vector<16xf32>,
        %parallel_loop3A_205 = arith.addi %parallel_loop3A_194, %add3A_5 : vector<16xi32>
        %parallel_loop3A_206 = tpu.vector_load_idx %arg8[%parallel_loop3A_205] : memref<16512xf32, #tpu.memory_space<vmem>>[vector<16xi32>], vector<16xf32>,
        %parallel_loop3A_207 = arith.constant 32 : i32
        %parallel_loop3A_208 = arith.muli %parallel_loop3A_198, %parallel_loop3A_207 : i32
        %parallel_loop3A_209 = arith.constant 16 : i32
        %parallel_loop3A_210 = arith.addi %parallel_loop3A_208, %parallel_loop3A_209 : i32
        %parallel_loop3A_211 = arith.index_cast %parallel_loop3A_210 : i32 to index
        %parallel_loop3A_212 = tpu.vector_load %arg10[%parallel_loop3A_211] {strides = array<i32>} : memref<16384xf32, #tpu.memory_space<vmem>>, vector<16xf32>,
        tpu.vector_store %arg10[%parallel_loop3A_211], %parallel_loop3A_206 {strides = array<i32>} : memref<16384xf32, #tpu.memory_space<vmem>>, vector<16xf32>,
        %parallel_loop3A_213 = vector.shape_cast %broadcast_in_dim3A_10 : vector<16xi32> to vector<16x1xi32>
        %parallel_loop3A_214 = vector.shape_cast %parallel_loop3A_213 : vector<16x1xi32> to vector<16xi32>
        %parallel_loop3A_215 = tpu.dynamic_gather %parallel_loop3A_170[%parallel_loop3A_214] in [0] : vector<16xi32>, vector<16xi32> -> vector<16xi32>
        %parallel_loop3A_216 = arith.constant 16 : i32
        %parallel_loop3A_217 = arith.muli %parallel_loop3A_143, %parallel_loop3A_216 : i32
        %parallel_loop3A_218 = arith.constant 2 : i32
        %parallel_loop3A_219 = arith.addi %parallel_loop3A_217, %parallel_loop3A_218 : i32
        %parallel_loop3A_220 = arith.addi %parallel_loop3A_215, %iota3A : vector<16xi32>
        %parallel_loop3A_221 = tpu.vector_load_idx %arg8[%parallel_loop3A_220] : memref<16512xf32, #tpu.memory_space<vmem>>[vector<16xi32>], vector<16xf32>,
        %parallel_loop3A_222 = arith.constant 32 : i32
        %parallel_loop3A_223 = arith.muli %parallel_loop3A_219, %parallel_loop3A_222 : i32
        %parallel_loop3A_224 = arith.index_cast %parallel_loop3A_223 : i32 to index
        %parallel_loop3A_225 = tpu.vector_load %arg10[%parallel_loop3A_224] {strides = array<i32>} : memref<16384xf32, #tpu.memory_space<vmem>>, vector<16xf32>,
        tpu.vector_store %arg10[%parallel_loop3A_224], %parallel_loop3A_221 {strides = array<i32>} : memref<16384xf32, #tpu.memory_space<vmem>>, vector<16xf32>,
        %parallel_loop3A_226 = arith.addi %parallel_loop3A_215, %add3A_5 : vector<16xi32>
        %parallel_loop3A_227 = tpu.vector_load_idx %arg8[%parallel_loop3A_226] : memref<16512xf32, #tpu.memory_space<vmem>>[vector<16xi32>], vector<16xf32>,
        %parallel_loop3A_228 = arith.constant 32 : i32
        %parallel_loop3A_229 = arith.muli %parallel_loop3A_219, %parallel_loop3A_228 : i32
        %parallel_loop3A_230 = arith.constant 16 : i32
        %parallel_loop3A_231 = arith.addi %parallel_loop3A_229, %parallel_loop3A_230 : i32
        %parallel_loop3A_232 = arith.index_cast %parallel_loop3A_231 : i32 to index
        %parallel_loop3A_233 = tpu.vector_load %arg10[%parallel_loop3A_232] {strides = array<i32>} : memref<16384xf32, #tpu.memory_space<vmem>>, vector<16xf32>,
        tpu.vector_store %arg10[%parallel_loop3A_232], %parallel_loop3A_227 {strides = array<i32>} : memref<16384xf32, #tpu.memory_space<vmem>>, vector<16xf32>,
        %parallel_loop3A_234 = vector.shape_cast %broadcast_in_dim3A_12 : vector<16xi32> to vector<16x1xi32>
        %parallel_loop3A_235 = vector.shape_cast %parallel_loop3A_234 : vector<16x1xi32> to vector<16xi32>
        %parallel_loop3A_236 = tpu.dynamic_gather %parallel_loop3A_170[%parallel_loop3A_235] in [0] : vector<16xi32>, vector<16xi32> -> vector<16xi32>
        %parallel_loop3A_237 = arith.constant 16 : i32
        %parallel_loop3A_238 = arith.muli %parallel_loop3A_143, %parallel_loop3A_237 : i32
        %parallel_loop3A_239 = arith.constant 3 : i32
        %parallel_loop3A_240 = arith.addi %parallel_loop3A_238, %parallel_loop3A_239 : i32
        %parallel_loop3A_241 = arith.addi %parallel_loop3A_236, %iota3A : vector<16xi32>
        %parallel_loop3A_242 = tpu.vector_load_idx %arg8[%parallel_loop3A_241] : memref<16512xf32, #tpu.memory_space<vmem>>[vector<16xi32>], vector<16xf32>,
        %parallel_loop3A_243 = arith.constant 32 : i32
        %parallel_loop3A_244 = arith.muli %parallel_loop3A_240, %parallel_loop3A_243 : i32
        %parallel_loop3A_245 = arith.index_cast %parallel_loop3A_244 : i32 to index
        %parallel_loop3A_246 = tpu.vector_load %arg10[%parallel_loop3A_245] {strides = array<i32>} : memref<16384xf32, #tpu.memory_space<vmem>>, vector<16xf32>,
        tpu.vector_store %arg10[%parallel_loop3A_245], %parallel_loop3A_242 {strides = array<i32>} : memref<16384xf32, #tpu.memory_space<vmem>>, vector<16xf32>,
        %parallel_loop3A_247 = arith.addi %parallel_loop3A_236, %add3A_5 : vector<16xi32>
        %parallel_loop3A_248 = tpu.vector_load_idx %arg8[%parallel_loop3A_247] : memref<16512xf32, #tpu.memory_space<vmem>>[vector<16xi32>], vector<16xf32>,
        %parallel_loop3A_249 = arith.constant 32 : i32
        %parallel_loop3A_250 = arith.muli %parallel_loop3A_240, %parallel_loop3A_249 : i32
        %parallel_loop3A_251 = arith.constant 16 : i32
        %parallel_loop3A_252 = arith.addi %parallel_loop3A_250, %parallel_loop3A_251 : i32
        %parallel_loop3A_253 = arith.index_cast %parallel_loop3A_252 : i32 to index
        %parallel_loop3A_254 = tpu.vector_load %arg10[%parallel_loop3A_253] {strides = array<i32>} : memref<16384xf32, #tpu.memory_space<vmem>>, vector<16xf32>,
        tpu.vector_store %arg10[%parallel_loop3A_253], %parallel_loop3A_248 {strides = array<i32>} : memref<16384xf32, #tpu.memory_space<vmem>>, vector<16xf32>,
        %parallel_loop3A_255 = vector.shape_cast %broadcast_in_dim3A_14 : vector<16xi32> to vector<16x1xi32>
        %parallel_loop3A_256 = vector.shape_cast %parallel_loop3A_255 : vector<16x1xi32> to vector<16xi32>
        %parallel_loop3A_257 = tpu.dynamic_gather %parallel_loop3A_170[%parallel_loop3A_256] in [0] : vector<16xi32>, vector<16xi32> -> vector<16xi32>
        %parallel_loop3A_258 = arith.constant 16 : i32
        %parallel_loop3A_259 = arith.muli %parallel_loop3A_143, %parallel_loop3A_258 : i32
        %parallel_loop3A_260 = arith.constant 4 : i32
        %parallel_loop3A_261 = arith.addi %parallel_loop3A_259, %parallel_loop3A_260 : i32
        %parallel_loop3A_262 = arith.addi %parallel_loop3A_257, %iota3A : vector<16xi32>
        %parallel_loop3A_263 = tpu.vector_load_idx %arg8[%parallel_loop3A_262] : memref<16512xf32, #tpu.memory_space<vmem>>[vector<16xi32>], vector<16xf32>,
        %parallel_loop3A_264 = arith.constant 32 : i32
        %parallel_loop3A_265 = arith.muli %parallel_loop3A_261, %parallel_loop3A_264 : i32
        %parallel_loop3A_266 = arith.index_cast %parallel_loop3A_265 : i32 to index
        %parallel_loop3A_267 = tpu.vector_load %arg10[%parallel_loop3A_266] {strides = array<i32>} : memref<16384xf32, #tpu.memory_space<vmem>>, vector<16xf32>,
        tpu.vector_store %arg10[%parallel_loop3A_266], %parallel_loop3A_263 {strides = array<i32>} : memref<16384xf32, #tpu.memory_space<vmem>>, vector<16xf32>,
        %parallel_loop3A_268 = arith.addi %parallel_loop3A_257, %add3A_5 : vector<16xi32>
        %parallel_loop3A_269 = tpu.vector_load_idx %arg8[%parallel_loop3A_268] : memref<16512xf32, #tpu.memory_space<vmem>>[vector<16xi32>], vector<16xf32>,
        %parallel_loop3A_270 = arith.constant 32 : i32
        %parallel_loop3A_271 = arith.muli %parallel_loop3A_261, %parallel_loop3A_270 : i32
        %parallel_loop3A_272 = arith.constant 16 : i32
        %parallel_loop3A_273 = arith.addi %parallel_loop3A_271, %parallel_loop3A_272 : i32
        %parallel_loop3A_274 = arith.index_cast %parallel_loop3A_273 : i32 to index
        %parallel_loop3A_275 = tpu.vector_load %arg10[%parallel_loop3A_274] {strides = array<i32>} : memref<16384xf32, #tpu.memory_space<vmem>>, vector<16xf32>,
        tpu.vector_store %arg10[%parallel_loop3A_274], %parallel_loop3A_269 {strides = array<i32>} : memref<16384xf32, #tpu.memory_space<vmem>>, vector<16xf32>,
        %parallel_loop3A_276 = vector.shape_cast %broadcast_in_dim3A_16 : vector<16xi32> to vector<16x1xi32>
        %parallel_loop3A_277 = vector.shape_cast %parallel_loop3A_276 : vector<16x1xi32> to vector<16xi32>
        %parallel_loop3A_278 = tpu.dynamic_gather %parallel_loop3A_170[%parallel_loop3A_277] in [0] : vector<16xi32>, vector<16xi32> -> vector<16xi32>
        %parallel_loop3A_279 = arith.constant 16 : i32
        %parallel_loop3A_280 = arith.muli %parallel_loop3A_143, %parallel_loop3A_279 : i32
        %parallel_loop3A_281 = arith.constant 5 : i32
        %parallel_loop3A_282 = arith.addi %parallel_loop3A_280, %parallel_loop3A_281 : i32
        %parallel_loop3A_283 = arith.addi %parallel_loop3A_278, %iota3A : vector<16xi32>
        %parallel_loop3A_284 = tpu.vector_load_idx %arg8[%parallel_loop3A_283] : memref<16512xf32, #tpu.memory_space<vmem>>[vector<16xi32>], vector<16xf32>,
        %parallel_loop3A_285 = arith.constant 32 : i32
        %parallel_loop3A_286 = arith.muli %parallel_loop3A_282, %parallel_loop3A_285 : i32
        %parallel_loop3A_287 = arith.index_cast %parallel_loop3A_286 : i32 to index
        %parallel_loop3A_288 = tpu.vector_load %arg10[%parallel_loop3A_287] {strides = array<i32>} : memref<16384xf32, #tpu.memory_space<vmem>>, vector<16xf32>,
        tpu.vector_store %arg10[%parallel_loop3A_287], %parallel_loop3A_284 {strides = array<i32>} : memref<16384xf32, #tpu.memory_space<vmem>>, vector<16xf32>,
        %parallel_loop3A_289 = arith.addi %parallel_loop3A_278, %add3A_5 : vector<16xi32>
        %parallel_loop3A_290 = tpu.vector_load_idx %arg8[%parallel_loop3A_289] : memref<16512xf32, #tpu.memory_space<vmem>>[vector<16xi32>], vector<16xf32>,
        %parallel_loop3A_291 = arith.constant 32 : i32
        %parallel_loop3A_292 = arith.muli %parallel_loop3A_282, %parallel_loop3A_291 : i32
        %parallel_loop3A_293 = arith.constant 16 : i32
        %parallel_loop3A_294 = arith.addi %parallel_loop3A_292, %parallel_loop3A_293 : i32
        %parallel_loop3A_295 = arith.index_cast %parallel_loop3A_294 : i32 to index
        %parallel_loop3A_296 = tpu.vector_load %arg10[%parallel_loop3A_295] {strides = array<i32>} : memref<16384xf32, #tpu.memory_space<vmem>>, vector<16xf32>,
        tpu.vector_store %arg10[%parallel_loop3A_295], %parallel_loop3A_290 {strides = array<i32>} : memref<16384xf32, #tpu.memory_space<vmem>>, vector<16xf32>,
        %parallel_loop3A_297 = vector.shape_cast %broadcast_in_dim3A_18 : vector<16xi32> to vector<16x1xi32>
        %parallel_loop3A_298 = vector.shape_cast %parallel_loop3A_297 : vector<16x1xi32> to vector<16xi32>
        %parallel_loop3A_299 = tpu.dynamic_gather %parallel_loop3A_170[%parallel_loop3A_298] in [0] : vector<16xi32>, vector<16xi32> -> vector<16xi32>
        %parallel_loop3A_300 = arith.constant 16 : i32
        %parallel_loop3A_301 = arith.muli %parallel_loop3A_143, %parallel_loop3A_300 : i32
        %parallel_loop3A_302 = arith.constant 6 : i32
        %parallel_loop3A_303 = arith.addi %parallel_loop3A_301, %parallel_loop3A_302 : i32
        %parallel_loop3A_304 = arith.addi %parallel_loop3A_299, %iota3A : vector<16xi32>
        %parallel_loop3A_305 = tpu.vector_load_idx %arg8[%parallel_loop3A_304] : memref<16512xf32, #tpu.memory_space<vmem>>[vector<16xi32>], vector<16xf32>,
        %parallel_loop3A_306 = arith.constant 32 : i32
        %parallel_loop3A_307 = arith.muli %parallel_loop3A_303, %parallel_loop3A_306 : i32
        %parallel_loop3A_308 = arith.index_cast %parallel_loop3A_307 : i32 to index
        %parallel_loop3A_309 = tpu.vector_load %arg10[%parallel_loop3A_308] {strides = array<i32>} : memref<16384xf32, #tpu.memory_space<vmem>>, vector<16xf32>,
        tpu.vector_store %arg10[%parallel_loop3A_308], %parallel_loop3A_305 {strides = array<i32>} : memref<16384xf32, #tpu.memory_space<vmem>>, vector<16xf32>,
        %parallel_loop3A_310 = arith.addi %parallel_loop3A_299, %add3A_5 : vector<16xi32>
        %parallel_loop3A_311 = tpu.vector_load_idx %arg8[%parallel_loop3A_310] : memref<16512xf32, #tpu.memory_space<vmem>>[vector<16xi32>], vector<16xf32>,
        %parallel_loop3A_312 = arith.constant 32 : i32
        %parallel_loop3A_313 = arith.muli %parallel_loop3A_303, %parallel_loop3A_312 : i32
        %parallel_loop3A_314 = arith.constant 16 : i32
        %parallel_loop3A_315 = arith.addi %parallel_loop3A_313, %parallel_loop3A_314 : i32
        %parallel_loop3A_316 = arith.index_cast %parallel_loop3A_315 : i32 to index
        %parallel_loop3A_317 = tpu.vector_load %arg10[%parallel_loop3A_316] {strides = array<i32>} : memref<16384xf32, #tpu.memory_space<vmem>>, vector<16xf32>,
        tpu.vector_store %arg10[%parallel_loop3A_316], %parallel_loop3A_311 {strides = array<i32>} : memref<16384xf32, #tpu.memory_space<vmem>>, vector<16xf32>,
        %parallel_loop3A_318 = vector.shape_cast %broadcast_in_dim3A_20 : vector<16xi32> to vector<16x1xi32>
        %parallel_loop3A_319 = vector.shape_cast %parallel_loop3A_318 : vector<16x1xi32> to vector<16xi32>
        %parallel_loop3A_320 = tpu.dynamic_gather %parallel_loop3A_170[%parallel_loop3A_319] in [0] : vector<16xi32>, vector<16xi32> -> vector<16xi32>
        %parallel_loop3A_321 = arith.constant 16 : i32
        %parallel_loop3A_322 = arith.muli %parallel_loop3A_143, %parallel_loop3A_321 : i32
        %parallel_loop3A_323 = arith.constant 7 : i32
        %parallel_loop3A_324 = arith.addi %parallel_loop3A_322, %parallel_loop3A_323 : i32
        %parallel_loop3A_325 = arith.addi %parallel_loop3A_320, %iota3A : vector<16xi32>
        %parallel_loop3A_326 = tpu.vector_load_idx %arg8[%parallel_loop3A_325] : memref<16512xf32, #tpu.memory_space<vmem>>[vector<16xi32>], vector<16xf32>,
        %parallel_loop3A_327 = arith.constant 32 : i32
        %parallel_loop3A_328 = arith.muli %parallel_loop3A_324, %parallel_loop3A_327 : i32
        %parallel_loop3A_329 = arith.index_cast %parallel_loop3A_328 : i32 to index
        %parallel_loop3A_330 = tpu.vector_load %arg10[%parallel_loop3A_329] {strides = array<i32>} : memref<16384xf32, #tpu.memory_space<vmem>>, vector<16xf32>,
        tpu.vector_store %arg10[%parallel_loop3A_329], %parallel_loop3A_326 {strides = array<i32>} : memref<16384xf32, #tpu.memory_space<vmem>>, vector<16xf32>,
        %parallel_loop3A_331 = arith.addi %parallel_loop3A_320, %add3A_5 : vector<16xi32>
        %parallel_loop3A_332 = tpu.vector_load_idx %arg8[%parallel_loop3A_331] : memref<16512xf32, #tpu.memory_space<vmem>>[vector<16xi32>], vector<16xf32>,
        %parallel_loop3A_333 = arith.constant 32 : i32
        %parallel_loop3A_334 = arith.muli %parallel_loop3A_324, %parallel_loop3A_333 : i32
        %parallel_loop3A_335 = arith.constant 16 : i32
        %parallel_loop3A_336 = arith.addi %parallel_loop3A_334, %parallel_loop3A_335 : i32
        %parallel_loop3A_337 = arith.index_cast %parallel_loop3A_336 : i32 to index
        %parallel_loop3A_338 = tpu.vector_load %arg10[%parallel_loop3A_337] {strides = array<i32>} : memref<16384xf32, #tpu.memory_space<vmem>>, vector<16xf32>,
        tpu.vector_store %arg10[%parallel_loop3A_337], %parallel_loop3A_332 {strides = array<i32>} : memref<16384xf32, #tpu.memory_space<vmem>>, vector<16xf32>,
        %parallel_loop3A_339 = vector.shape_cast %broadcast_in_dim3A_22 : vector<16xi32> to vector<16x1xi32>
        %parallel_loop3A_340 = vector.shape_cast %parallel_loop3A_339 : vector<16x1xi32> to vector<16xi32>
        %parallel_loop3A_341 = tpu.dynamic_gather %parallel_loop3A_170[%parallel_loop3A_340] in [0] : vector<16xi32>, vector<16xi32> -> vector<16xi32>
        %parallel_loop3A_342 = arith.constant 16 : i32
        %parallel_loop3A_343 = arith.muli %parallel_loop3A_143, %parallel_loop3A_342 : i32
        %parallel_loop3A_344 = arith.constant 8 : i32
        %parallel_loop3A_345 = arith.addi %parallel_loop3A_343, %parallel_loop3A_344 : i32
        %parallel_loop3A_346 = arith.addi %parallel_loop3A_341, %iota3A : vector<16xi32>
        %parallel_loop3A_347 = tpu.vector_load_idx %arg8[%parallel_loop3A_346] : memref<16512xf32, #tpu.memory_space<vmem>>[vector<16xi32>], vector<16xf32>,
        %parallel_loop3A_348 = arith.constant 32 : i32
        %parallel_loop3A_349 = arith.muli %parallel_loop3A_345, %parallel_loop3A_348 : i32
        %parallel_loop3A_350 = arith.index_cast %parallel_loop3A_349 : i32 to index
        %parallel_loop3A_351 = tpu.vector_load %arg10[%parallel_loop3A_350] {strides = array<i32>} : memref<16384xf32, #tpu.memory_space<vmem>>, vector<16xf32>,
        tpu.vector_store %arg10[%parallel_loop3A_350], %parallel_loop3A_347 {strides = array<i32>} : memref<16384xf32, #tpu.memory_space<vmem>>, vector<16xf32>,
        %parallel_loop3A_352 = arith.addi %parallel_loop3A_341, %add3A_5 : vector<16xi32>
        %parallel_loop3A_353 = tpu.vector_load_idx %arg8[%parallel_loop3A_352] : memref<16512xf32, #tpu.memory_space<vmem>>[vector<16xi32>], vector<16xf32>,
        %parallel_loop3A_354 = arith.constant 32 : i32
        %parallel_loop3A_355 = arith.muli %parallel_loop3A_345, %parallel_loop3A_354 : i32
        %parallel_loop3A_356 = arith.constant 16 : i32
        %parallel_loop3A_357 = arith.addi %parallel_loop3A_355, %parallel_loop3A_356 : i32
        %parallel_loop3A_358 = arith.index_cast %parallel_loop3A_357 : i32 to index
        %parallel_loop3A_359 = tpu.vector_load %arg10[%parallel_loop3A_358] {strides = array<i32>} : memref<16384xf32, #tpu.memory_space<vmem>>, vector<16xf32>,
        tpu.vector_store %arg10[%parallel_loop3A_358], %parallel_loop3A_353 {strides = array<i32>} : memref<16384xf32, #tpu.memory_space<vmem>>, vector<16xf32>,
        %parallel_loop3A_360 = vector.shape_cast %broadcast_in_dim3A_24 : vector<16xi32> to vector<16x1xi32>
        %parallel_loop3A_361 = vector.shape_cast %parallel_loop3A_360 : vector<16x1xi32> to vector<16xi32>
        %parallel_loop3A_362 = tpu.dynamic_gather %parallel_loop3A_170[%parallel_loop3A_361] in [0] : vector<16xi32>, vector<16xi32> -> vector<16xi32>
        %parallel_loop3A_363 = arith.constant 16 : i32
        %parallel_loop3A_364 = arith.muli %parallel_loop3A_143, %parallel_loop3A_363 : i32
        %parallel_loop3A_365 = arith.constant 9 : i32
        %parallel_loop3A_366 = arith.addi %parallel_loop3A_364, %parallel_loop3A_365 : i32
        %parallel_loop3A_367 = arith.addi %parallel_loop3A_362, %iota3A : vector<16xi32>
        %parallel_loop3A_368 = tpu.vector_load_idx %arg8[%parallel_loop3A_367] : memref<16512xf32, #tpu.memory_space<vmem>>[vector<16xi32>], vector<16xf32>,
        %parallel_loop3A_369 = arith.constant 32 : i32
        %parallel_loop3A_370 = arith.muli %parallel_loop3A_366, %parallel_loop3A_369 : i32
        %parallel_loop3A_371 = arith.index_cast %parallel_loop3A_370 : i32 to index
        %parallel_loop3A_372 = tpu.vector_load %arg10[%parallel_loop3A_371] {strides = array<i32>} : memref<16384xf32, #tpu.memory_space<vmem>>, vector<16xf32>,
        tpu.vector_store %arg10[%parallel_loop3A_371], %parallel_loop3A_368 {strides = array<i32>} : memref<16384xf32, #tpu.memory_space<vmem>>, vector<16xf32>,
        %parallel_loop3A_373 = arith.addi %parallel_loop3A_362, %add3A_5 : vector<16xi32>
        %parallel_loop3A_374 = tpu.vector_load_idx %arg8[%parallel_loop3A_373] : memref<16512xf32, #tpu.memory_space<vmem>>[vector<16xi32>], vector<16xf32>,
        %parallel_loop3A_375 = arith.constant 32 : i32
        %parallel_loop3A_376 = arith.muli %parallel_loop3A_366, %parallel_loop3A_375 : i32
        %parallel_loop3A_377 = arith.constant 16 : i32
        %parallel_loop3A_378 = arith.addi %parallel_loop3A_376, %parallel_loop3A_377 : i32
        %parallel_loop3A_379 = arith.index_cast %parallel_loop3A_378 : i32 to index
        %parallel_loop3A_380 = tpu.vector_load %arg10[%parallel_loop3A_379] {strides = array<i32>} : memref<16384xf32, #tpu.memory_space<vmem>>, vector<16xf32>,
        tpu.vector_store %arg10[%parallel_loop3A_379], %parallel_loop3A_374 {strides = array<i32>} : memref<16384xf32, #tpu.memory_space<vmem>>, vector<16xf32>,
        %parallel_loop3A_381 = vector.shape_cast %broadcast_in_dim3A_26 : vector<16xi32> to vector<16x1xi32>
        %parallel_loop3A_382 = vector.shape_cast %parallel_loop3A_381 : vector<16x1xi32> to vector<16xi32>
        %parallel_loop3A_383 = tpu.dynamic_gather %parallel_loop3A_170[%parallel_loop3A_382] in [0] : vector<16xi32>, vector<16xi32> -> vector<16xi32>
        %parallel_loop3A_384 = arith.constant 16 : i32
        %parallel_loop3A_385 = arith.muli %parallel_loop3A_143, %parallel_loop3A_384 : i32
        %parallel_loop3A_386 = arith.constant 10 : i32
        %parallel_loop3A_387 = arith.addi %parallel_loop3A_385, %parallel_loop3A_386 : i32
        %parallel_loop3A_388 = arith.addi %parallel_loop3A_383, %iota3A : vector<16xi32>
        %parallel_loop3A_389 = tpu.vector_load_idx %arg8[%parallel_loop3A_388] : memref<16512xf32, #tpu.memory_space<vmem>>[vector<16xi32>], vector<16xf32>,
        %parallel_loop3A_390 = arith.constant 32 : i32
        %parallel_loop3A_391 = arith.muli %parallel_loop3A_387, %parallel_loop3A_390 : i32
        %parallel_loop3A_392 = arith.index_cast %parallel_loop3A_391 : i32 to index
        %parallel_loop3A_393 = tpu.vector_load %arg10[%parallel_loop3A_392] {strides = array<i32>} : memref<16384xf32, #tpu.memory_space<vmem>>, vector<16xf32>,
        tpu.vector_store %arg10[%parallel_loop3A_392], %parallel_loop3A_389 {strides = array<i32>} : memref<16384xf32, #tpu.memory_space<vmem>>, vector<16xf32>,
        %parallel_loop3A_394 = arith.addi %parallel_loop3A_383, %add3A_5 : vector<16xi32>
        %parallel_loop3A_395 = tpu.vector_load_idx %arg8[%parallel_loop3A_394] : memref<16512xf32, #tpu.memory_space<vmem>>[vector<16xi32>], vector<16xf32>,
        %parallel_loop3A_396 = arith.constant 32 : i32
        %parallel_loop3A_397 = arith.muli %parallel_loop3A_387, %parallel_loop3A_396 : i32
        %parallel_loop3A_398 = arith.constant 16 : i32
        %parallel_loop3A_399 = arith.addi %parallel_loop3A_397, %parallel_loop3A_398 : i32
        %parallel_loop3A_400 = arith.index_cast %parallel_loop3A_399 : i32 to index
        %parallel_loop3A_401 = tpu.vector_load %arg10[%parallel_loop3A_400] {strides = array<i32>} : memref<16384xf32, #tpu.memory_space<vmem>>, vector<16xf32>,
        tpu.vector_store %arg10[%parallel_loop3A_400], %parallel_loop3A_395 {strides = array<i32>} : memref<16384xf32, #tpu.memory_space<vmem>>, vector<16xf32>,
        %parallel_loop3A_402 = vector.shape_cast %broadcast_in_dim3A_28 : vector<16xi32> to vector<16x1xi32>
        %parallel_loop3A_403 = vector.shape_cast %parallel_loop3A_402 : vector<16x1xi32> to vector<16xi32>
        %parallel_loop3A_404 = tpu.dynamic_gather %parallel_loop3A_170[%parallel_loop3A_403] in [0] : vector<16xi32>, vector<16xi32> -> vector<16xi32>
        %parallel_loop3A_405 = arith.constant 16 : i32
        %parallel_loop3A_406 = arith.muli %parallel_loop3A_143, %parallel_loop3A_405 : i32
        %parallel_loop3A_407 = arith.constant 11 : i32
        %parallel_loop3A_408 = arith.addi %parallel_loop3A_406, %parallel_loop3A_407 : i32
        %parallel_loop3A_409 = arith.addi %parallel_loop3A_404, %iota3A : vector<16xi32>
        %parallel_loop3A_410 = tpu.vector_load_idx %arg8[%parallel_loop3A_409] : memref<16512xf32, #tpu.memory_space<vmem>>[vector<16xi32>], vector<16xf32>,
        %parallel_loop3A_411 = arith.constant 32 : i32
        %parallel_loop3A_412 = arith.muli %parallel_loop3A_408, %parallel_loop3A_411 : i32
        %parallel_loop3A_413 = arith.index_cast %parallel_loop3A_412 : i32 to index
        %parallel_loop3A_414 = tpu.vector_load %arg10[%parallel_loop3A_413] {strides = array<i32>} : memref<16384xf32, #tpu.memory_space<vmem>>, vector<16xf32>,
        tpu.vector_store %arg10[%parallel_loop3A_413], %parallel_loop3A_410 {strides = array<i32>} : memref<16384xf32, #tpu.memory_space<vmem>>, vector<16xf32>,
        %parallel_loop3A_415 = arith.addi %parallel_loop3A_404, %add3A_5 : vector<16xi32>
        %parallel_loop3A_416 = tpu.vector_load_idx %arg8[%parallel_loop3A_415] : memref<16512xf32, #tpu.memory_space<vmem>>[vector<16xi32>], vector<16xf32>,
        %parallel_loop3A_417 = arith.constant 32 : i32
        %parallel_loop3A_418 = arith.muli %parallel_loop3A_408, %parallel_loop3A_417 : i32
        %parallel_loop3A_419 = arith.constant 16 : i32
        %parallel_loop3A_420 = arith.addi %parallel_loop3A_418, %parallel_loop3A_419 : i32
        %parallel_loop3A_421 = arith.index_cast %parallel_loop3A_420 : i32 to index
        %parallel_loop3A_422 = tpu.vector_load %arg10[%parallel_loop3A_421] {strides = array<i32>} : memref<16384xf32, #tpu.memory_space<vmem>>, vector<16xf32>,
        tpu.vector_store %arg10[%parallel_loop3A_421], %parallel_loop3A_416 {strides = array<i32>} : memref<16384xf32, #tpu.memory_space<vmem>>, vector<16xf32>,
        %parallel_loop3A_423 = vector.shape_cast %broadcast_in_dim3A_30 : vector<16xi32> to vector<16x1xi32>
        %parallel_loop3A_424 = vector.shape_cast %parallel_loop3A_423 : vector<16x1xi32> to vector<16xi32>
        %parallel_loop3A_425 = tpu.dynamic_gather %parallel_loop3A_170[%parallel_loop3A_424] in [0] : vector<16xi32>, vector<16xi32> -> vector<16xi32>
        %parallel_loop3A_426 = arith.constant 16 : i32
        %parallel_loop3A_427 = arith.muli %parallel_loop3A_143, %parallel_loop3A_426 : i32
        %parallel_loop3A_428 = arith.constant 12 : i32
        %parallel_loop3A_429 = arith.addi %parallel_loop3A_427, %parallel_loop3A_428 : i32
        %parallel_loop3A_430 = arith.addi %parallel_loop3A_425, %iota3A : vector<16xi32>
        %parallel_loop3A_431 = tpu.vector_load_idx %arg8[%parallel_loop3A_430] : memref<16512xf32, #tpu.memory_space<vmem>>[vector<16xi32>], vector<16xf32>,
        %parallel_loop3A_432 = arith.constant 32 : i32
        %parallel_loop3A_433 = arith.muli %parallel_loop3A_429, %parallel_loop3A_432 : i32
        %parallel_loop3A_434 = arith.index_cast %parallel_loop3A_433 : i32 to index
        %parallel_loop3A_435 = tpu.vector_load %arg10[%parallel_loop3A_434] {strides = array<i32>} : memref<16384xf32, #tpu.memory_space<vmem>>, vector<16xf32>,
        tpu.vector_store %arg10[%parallel_loop3A_434], %parallel_loop3A_431 {strides = array<i32>} : memref<16384xf32, #tpu.memory_space<vmem>>, vector<16xf32>,
        %parallel_loop3A_436 = arith.addi %parallel_loop3A_425, %add3A_5 : vector<16xi32>
        %parallel_loop3A_437 = tpu.vector_load_idx %arg8[%parallel_loop3A_436] : memref<16512xf32, #tpu.memory_space<vmem>>[vector<16xi32>], vector<16xf32>,
        %parallel_loop3A_438 = arith.constant 32 : i32
        %parallel_loop3A_439 = arith.muli %parallel_loop3A_429, %parallel_loop3A_438 : i32
        %parallel_loop3A_440 = arith.constant 16 : i32
        %parallel_loop3A_441 = arith.addi %parallel_loop3A_439, %parallel_loop3A_440 : i32
        %parallel_loop3A_442 = arith.index_cast %parallel_loop3A_441 : i32 to index
        %parallel_loop3A_443 = tpu.vector_load %arg10[%parallel_loop3A_442] {strides = array<i32>} : memref<16384xf32, #tpu.memory_space<vmem>>, vector<16xf32>,
        tpu.vector_store %arg10[%parallel_loop3A_442], %parallel_loop3A_437 {strides = array<i32>} : memref<16384xf32, #tpu.memory_space<vmem>>, vector<16xf32>,
        %parallel_loop3A_444 = vector.shape_cast %broadcast_in_dim3A_32 : vector<16xi32> to vector<16x1xi32>
        %parallel_loop3A_445 = vector.shape_cast %parallel_loop3A_444 : vector<16x1xi32> to vector<16xi32>
        %parallel_loop3A_446 = tpu.dynamic_gather %parallel_loop3A_170[%parallel_loop3A_445] in [0] : vector<16xi32>, vector<16xi32> -> vector<16xi32>
        %parallel_loop3A_447 = arith.constant 16 : i32
        %parallel_loop3A_448 = arith.muli %parallel_loop3A_143, %parallel_loop3A_447 : i32
        %parallel_loop3A_449 = arith.constant 13 : i32
        %parallel_loop3A_450 = arith.addi %parallel_loop3A_448, %parallel_loop3A_449 : i32
        %parallel_loop3A_451 = arith.addi %parallel_loop3A_446, %iota3A : vector<16xi32>
        %parallel_loop3A_452 = tpu.vector_load_idx %arg8[%parallel_loop3A_451] : memref<16512xf32, #tpu.memory_space<vmem>>[vector<16xi32>], vector<16xf32>,
        %parallel_loop3A_453 = arith.constant 32 : i32
        %parallel_loop3A_454 = arith.muli %parallel_loop3A_450, %parallel_loop3A_453 : i32
        %parallel_loop3A_455 = arith.index_cast %parallel_loop3A_454 : i32 to index
        %parallel_loop3A_456 = tpu.vector_load %arg10[%parallel_loop3A_455] {strides = array<i32>} : memref<16384xf32, #tpu.memory_space<vmem>>, vector<16xf32>,
        tpu.vector_store %arg10[%parallel_loop3A_455], %parallel_loop3A_452 {strides = array<i32>} : memref<16384xf32, #tpu.memory_space<vmem>>, vector<16xf32>,
        %parallel_loop3A_457 = arith.addi %parallel_loop3A_446, %add3A_5 : vector<16xi32>
        %parallel_loop3A_458 = tpu.vector_load_idx %arg8[%parallel_loop3A_457] : memref<16512xf32, #tpu.memory_space<vmem>>[vector<16xi32>], vector<16xf32>,
        %parallel_loop3A_459 = arith.constant 32 : i32
        %parallel_loop3A_460 = arith.muli %parallel_loop3A_450, %parallel_loop3A_459 : i32
        %parallel_loop3A_461 = arith.constant 16 : i32
        %parallel_loop3A_462 = arith.addi %parallel_loop3A_460, %parallel_loop3A_461 : i32
        %parallel_loop3A_463 = arith.index_cast %parallel_loop3A_462 : i32 to index
        %parallel_loop3A_464 = tpu.vector_load %arg10[%parallel_loop3A_463] {strides = array<i32>} : memref<16384xf32, #tpu.memory_space<vmem>>, vector<16xf32>,
        tpu.vector_store %arg10[%parallel_loop3A_463], %parallel_loop3A_458 {strides = array<i32>} : memref<16384xf32, #tpu.memory_space<vmem>>, vector<16xf32>,
        %parallel_loop3A_465 = vector.shape_cast %broadcast_in_dim3A_34 : vector<16xi32> to vector<16x1xi32>
        %parallel_loop3A_466 = vector.shape_cast %parallel_loop3A_465 : vector<16x1xi32> to vector<16xi32>
        %parallel_loop3A_467 = tpu.dynamic_gather %parallel_loop3A_170[%parallel_loop3A_466] in [0] : vector<16xi32>, vector<16xi32> -> vector<16xi32>
        %parallel_loop3A_468 = arith.constant 16 : i32
        %parallel_loop3A_469 = arith.muli %parallel_loop3A_143, %parallel_loop3A_468 : i32
        %parallel_loop3A_470 = arith.constant 14 : i32
        %parallel_loop3A_471 = arith.addi %parallel_loop3A_469, %parallel_loop3A_470 : i32
        %parallel_loop3A_472 = arith.addi %parallel_loop3A_467, %iota3A : vector<16xi32>
        %parallel_loop3A_473 = tpu.vector_load_idx %arg8[%parallel_loop3A_472] : memref<16512xf32, #tpu.memory_space<vmem>>[vector<16xi32>], vector<16xf32>,
        %parallel_loop3A_474 = arith.constant 32 : i32
        %parallel_loop3A_475 = arith.muli %parallel_loop3A_471, %parallel_loop3A_474 : i32
        %parallel_loop3A_476 = arith.index_cast %parallel_loop3A_475 : i32 to index
        %parallel_loop3A_477 = tpu.vector_load %arg10[%parallel_loop3A_476] {strides = array<i32>} : memref<16384xf32, #tpu.memory_space<vmem>>, vector<16xf32>,
        tpu.vector_store %arg10[%parallel_loop3A_476], %parallel_loop3A_473 {strides = array<i32>} : memref<16384xf32, #tpu.memory_space<vmem>>, vector<16xf32>,
        %parallel_loop3A_478 = arith.addi %parallel_loop3A_467, %add3A_5 : vector<16xi32>
        %parallel_loop3A_479 = tpu.vector_load_idx %arg8[%parallel_loop3A_478] : memref<16512xf32, #tpu.memory_space<vmem>>[vector<16xi32>], vector<16xf32>,
        %parallel_loop3A_480 = arith.constant 32 : i32
        %parallel_loop3A_481 = arith.muli %parallel_loop3A_471, %parallel_loop3A_480 : i32
        %parallel_loop3A_482 = arith.constant 16 : i32
        %parallel_loop3A_483 = arith.addi %parallel_loop3A_481, %parallel_loop3A_482 : i32
        %parallel_loop3A_484 = arith.index_cast %parallel_loop3A_483 : i32 to index
        %parallel_loop3A_485 = tpu.vector_load %arg10[%parallel_loop3A_484] {strides = array<i32>} : memref<16384xf32, #tpu.memory_space<vmem>>, vector<16xf32>,
        tpu.vector_store %arg10[%parallel_loop3A_484], %parallel_loop3A_479 {strides = array<i32>} : memref<16384xf32, #tpu.memory_space<vmem>>, vector<16xf32>,
        %parallel_loop3A_486 = vector.shape_cast %broadcast_in_dim3A_36 : vector<16xi32> to vector<16x1xi32>
        %parallel_loop3A_487 = vector.shape_cast %parallel_loop3A_486 : vector<16x1xi32> to vector<16xi32>
        %parallel_loop3A_488 = tpu.dynamic_gather %parallel_loop3A_170[%parallel_loop3A_487] in [0] : vector<16xi32>, vector<16xi32> -> vector<16xi32>
        %parallel_loop3A_489 = arith.constant 16 : i32
        %parallel_loop3A_490 = arith.muli %parallel_loop3A_143, %parallel_loop3A_489 : i32
        %parallel_loop3A_491 = arith.constant 15 : i32
        %parallel_loop3A_492 = arith.addi %parallel_loop3A_490, %parallel_loop3A_491 : i32
        %parallel_loop3A_493 = arith.addi %parallel_loop3A_488, %iota3A : vector<16xi32>
        %parallel_loop3A_494 = tpu.vector_load_idx %arg8[%parallel_loop3A_493] : memref<16512xf32, #tpu.memory_space<vmem>>[vector<16xi32>], vector<16xf32>,
        %parallel_loop3A_495 = arith.constant 32 : i32
        %parallel_loop3A_496 = arith.muli %parallel_loop3A_492, %parallel_loop3A_495 : i32
        %parallel_loop3A_497 = arith.index_cast %parallel_loop3A_496 : i32 to index
        %parallel_loop3A_498 = tpu.vector_load %arg10[%parallel_loop3A_497] {strides = array<i32>} : memref<16384xf32, #tpu.memory_space<vmem>>, vector<16xf32>,
        tpu.vector_store %arg10[%parallel_loop3A_497], %parallel_loop3A_494 {strides = array<i32>} : memref<16384xf32, #tpu.memory_space<vmem>>, vector<16xf32>,
        %parallel_loop3A_499 = arith.addi %parallel_loop3A_488, %add3A_5 : vector<16xi32>
        %parallel_loop3A_500 = tpu.vector_load_idx %arg8[%parallel_loop3A_499] : memref<16512xf32, #tpu.memory_space<vmem>>[vector<16xi32>], vector<16xf32>,
        %parallel_loop3A_501 = arith.constant 32 : i32
        %parallel_loop3A_502 = arith.muli %parallel_loop3A_492, %parallel_loop3A_501 : i32
        %parallel_loop3A_503 = arith.constant 16 : i32
        %parallel_loop3A_504 = arith.addi %parallel_loop3A_502, %parallel_loop3A_503 : i32
        %parallel_loop3A_505 = arith.index_cast %parallel_loop3A_504 : i32 to index
        %parallel_loop3A_506 = tpu.vector_load %arg10[%parallel_loop3A_505] {strides = array<i32>} : memref<16384xf32, #tpu.memory_space<vmem>>, vector<16xf32>,
        tpu.vector_store %arg10[%parallel_loop3A_505], %parallel_loop3A_500 {strides = array<i32>} : memref<16384xf32, #tpu.memory_space<vmem>>, vector<16xf32>,
      } {sc.loop_unroll_factor = 4 : i64, sc.parallel_access}
      %add3A_119 = arith.addi %mul3A_2, %mul3A_110 : i32
      %dma_start3A = arith.constant 0 : i32
      %dma_start3A_120 = tpu.memref_slice %arg5[%add3A_119, %dma_start3A] : memref<2048x16384xf32, #tpu.memory_space<hbm>> -> memref<1x16384xf32, #tpu.memory_space<hbm>>
      %dma_start3A_121 = tpu.memref_squeeze %dma_start3A_120 : memref<1x16384xf32, #tpu.memory_space<hbm>> -> memref<16384xf32, #tpu.memory_space<hbm>>
      %dma_start3A_122 = arith.constant 0 : i32
      %dma_start3A_123 = tpu.memref_slice %arg5[%add3A_119, %dma_start3A_122] : memref<2048x16384xf32, #tpu.memory_space<hbm>> -> memref<1x16384xf32, #tpu.memory_space<hbm>>
      %dma_start3A_124 = tpu.memref_squeeze %dma_start3A_123 : memref<1x16384xf32, #tpu.memory_space<hbm>> -> memref<16384xf32, #tpu.memory_space<hbm>>
      tpu.enqueue_dma source(%arg10 : memref<16384xf32, #tpu.memory_space<vmem>>) target(%dma_start3A_124 : memref<16384xf32, #tpu.memory_space<hbm>>) target_semaphore(%arg12 : memref<!tpu.dma_semaphore, #tpu.memory_space<semaphore_mem>>)
      %gt3A_125 = arith.constant 0 : i32
      %gt3A_126 = arith.cmpi sgt, %scan3A_108, %gt3A_125 : i32
      %convert_element_type3A_127 = arith.extui %gt3A_126 : i1 to i32
      %cond3A_128 = arith.constant 0 : i32
      %cond3A_129 = arith.cmpi ne, %convert_element_type3A_127, %cond3A_128 : i32
      scf.if %cond3A_129 {
        %dma_wait3A_143 = arith.constant 0 : i32
        %dma_wait3A_144 = tpu.memref_slice %arg5[%mul3A_2, %dma_wait3A_143] : memref<2048x16384xf32, #tpu.memory_space<hbm>> -> memref<1x16384xf32, #tpu.memory_space<hbm>>
        %dma_wait3A_145 = tpu.memref_squeeze %dma_wait3A_144 : memref<1x16384xf32, #tpu.memory_space<hbm>> -> memref<16384xf32, #tpu.memory_space<hbm>>
        %dma_wait3A_146 = arith.constant 0 : i32
        %dma_wait3A_147 = tpu.memref_slice %arg5[%mul3A_2, %dma_wait3A_146] : memref<2048x16384xf32, #tpu.memory_space<hbm>> -> memref<1x16384xf32, #tpu.memory_space<hbm>>
        %dma_wait3A_148 = tpu.memref_squeeze %dma_wait3A_147 : memref<1x16384xf32, #tpu.memory_space<hbm>> -> memref<16384xf32, #tpu.memory_space<hbm>>
        tpu.wait_dma2 semaphore(%arg13 : memref<!tpu.dma_semaphore, #tpu.memory_space<semaphore_mem>>) src(%arg11 : memref<16384xf32, #tpu.memory_space<vmem>>) dst(%dma_wait3A_148 : memref<16384xf32, #tpu.memory_space<hbm>>)
      } else {
      }
      %add3A_130 = arith.addi %mul3A_2, %add3A_112 : i32
      %rem3A_131 = arith.constant 512 : i32
      %rem3A_132 = arith.remsi %add3A_130, %rem3A_131 : i32
      %parallel_loop3A_133 = arith.constant 0 : i32
      %parallel_loop3A_134 = arith.constant 32 : i32
      %parallel_loop3A_135 = arith.constant 1 : i32
      scf.for %parallel_loop3A_143 = %parallel_loop3A_133 to %parallel_loop3A_134 step %parallel_loop3A_135  : i32 {
        %parallel_loop3A_144 = arith.constant 16 : i32
        %parallel_loop3A_145 = arith.muli %parallel_loop3A_143, %parallel_loop3A_144 : i32
        %parallel_loop3A_146 = arith.index_cast %add3A_112 : i32 to index
        %parallel_loop3A_147 = arith.index_cast %parallel_loop3A_145 : i32 to index
        %parallel_loop3A_148 = tpu.vector_load %arg9[%parallel_loop3A_146, %parallel_loop3A_147] {strides = array<i32>} : memref<64x512xi32, #tpu.memory_space<vmem>>, vector<16xi32>,
        %parallel_loop3A_149 = arith.constant 16 : i32
        %parallel_loop3A_150 = arith.muli %parallel_loop3A_143, %parallel_loop3A_149 : i32
        %parallel_loop3A_151 = vector.broadcast %parallel_loop3A_150 : i32 to vector<16xi32>
        %parallel_loop3A_152 = arith.addi %parallel_loop3A_151, %iota3A : vector<16xi32>
        %parallel_loop3A_153 = vector.broadcast %rem3A_132 : i32 to vector<16xi32>
        %parallel_loop3A_154 = arith.subi %parallel_loop3A_152, %parallel_loop3A_153 : vector<16xi32>
        %parallel_loop3A_155 = arith.constant -64 : i32
        %parallel_loop3A_156 = vector.broadcast %parallel_loop3A_155 : i32 to vector<16xi32>
        %parallel_loop3A_157 = arith.maxsi %parallel_loop3A_154, %parallel_loop3A_156 : vector<16xi32>
        %parallel_loop3A_158 = arith.constant 64 : i32
        %parallel_loop3A_159 = vector.broadcast %parallel_loop3A_158 : i32 to vector<16xi32>
        %parallel_loop3A_160 = arith.minsi %parallel_loop3A_157, %parallel_loop3A_159 : vector<16xi32>
        %parallel_loop3A_161 = arith.constant 129 : i32
        %parallel_loop3A_162 = vector.broadcast %parallel_loop3A_161 : i32 to vector<16xi32>
        %parallel_loop3A_163 = arith.muli %parallel_loop3A_148, %parallel_loop3A_162 : vector<16xi32>
        %parallel_loop3A_164 = arith.constant 64 : i32
        %parallel_loop3A_165 = vector.broadcast %parallel_loop3A_164 : i32 to vector<16xi32>
        %parallel_loop3A_166 = arith.addi %parallel_loop3A_160, %parallel_loop3A_165 : vector<16xi32>
        %parallel_loop3A_167 = arith.addi %parallel_loop3A_163, %parallel_loop3A_166 : vector<16xi32>
        %parallel_loop3A_168 = arith.constant 32 : i32
        %parallel_loop3A_169 = vector.broadcast %parallel_loop3A_168 : i32 to vector<16xi32>
        %parallel_loop3A_170 = arith.muli %parallel_loop3A_167, %parallel_loop3A_169 : vector<16xi32>
        %parallel_loop3A_171 = vector.shape_cast %broadcast_in_dim3A_6 : vector<16xi32> to vector<16x1xi32>
        %parallel_loop3A_172 = vector.shape_cast %parallel_loop3A_171 : vector<16x1xi32> to vector<16xi32>
        %parallel_loop3A_173 = tpu.dynamic_gather %parallel_loop3A_170[%parallel_loop3A_172] in [0] : vector<16xi32>, vector<16xi32> -> vector<16xi32>
        %parallel_loop3A_174 = arith.constant 16 : i32
        %parallel_loop3A_175 = arith.muli %parallel_loop3A_143, %parallel_loop3A_174 : i32
        %parallel_loop3A_176 = arith.constant 0 : i32
        %parallel_loop3A_177 = arith.addi %parallel_loop3A_175, %parallel_loop3A_176 : i32
        %parallel_loop3A_178 = arith.addi %parallel_loop3A_173, %iota3A : vector<16xi32>
        %parallel_loop3A_179 = tpu.vector_load_idx %arg8[%parallel_loop3A_178] : memref<16512xf32, #tpu.memory_space<vmem>>[vector<16xi32>], vector<16xf32>,
        %parallel_loop3A_180 = arith.constant 32 : i32
        %parallel_loop3A_181 = arith.muli %parallel_loop3A_177, %parallel_loop3A_180 : i32
        %parallel_loop3A_182 = arith.index_cast %parallel_loop3A_181 : i32 to index
        %parallel_loop3A_183 = tpu.vector_load %arg11[%parallel_loop3A_182] {strides = array<i32>} : memref<16384xf32, #tpu.memory_space<vmem>>, vector<16xf32>,
        tpu.vector_store %arg11[%parallel_loop3A_182], %parallel_loop3A_179 {strides = array<i32>} : memref<16384xf32, #tpu.memory_space<vmem>>, vector<16xf32>,
        %parallel_loop3A_184 = arith.addi %parallel_loop3A_173, %add3A_5 : vector<16xi32>
        %parallel_loop3A_185 = tpu.vector_load_idx %arg8[%parallel_loop3A_184] : memref<16512xf32, #tpu.memory_space<vmem>>[vector<16xi32>], vector<16xf32>,
        %parallel_loop3A_186 = arith.constant 32 : i32
        %parallel_loop3A_187 = arith.muli %parallel_loop3A_177, %parallel_loop3A_186 : i32
        %parallel_loop3A_188 = arith.constant 16 : i32
        %parallel_loop3A_189 = arith.addi %parallel_loop3A_187, %parallel_loop3A_188 : i32
        %parallel_loop3A_190 = arith.index_cast %parallel_loop3A_189 : i32 to index
        %parallel_loop3A_191 = tpu.vector_load %arg11[%parallel_loop3A_190] {strides = array<i32>} : memref<16384xf32, #tpu.memory_space<vmem>>, vector<16xf32>,
        tpu.vector_store %arg11[%parallel_loop3A_190], %parallel_loop3A_185 {strides = array<i32>} : memref<16384xf32, #tpu.memory_space<vmem>>, vector<16xf32>,
        %parallel_loop3A_192 = vector.shape_cast %broadcast_in_dim3A_8 : vector<16xi32> to vector<16x1xi32>
        %parallel_loop3A_193 = vector.shape_cast %parallel_loop3A_192 : vector<16x1xi32> to vector<16xi32>
        %parallel_loop3A_194 = tpu.dynamic_gather %parallel_loop3A_170[%parallel_loop3A_193] in [0] : vector<16xi32>, vector<16xi32> -> vector<16xi32>
        %parallel_loop3A_195 = arith.constant 16 : i32
        %parallel_loop3A_196 = arith.muli %parallel_loop3A_143, %parallel_loop3A_195 : i32
        %parallel_loop3A_197 = arith.constant 1 : i32
        %parallel_loop3A_198 = arith.addi %parallel_loop3A_196, %parallel_loop3A_197 : i32
        %parallel_loop3A_199 = arith.addi %parallel_loop3A_194, %iota3A : vector<16xi32>
        %parallel_loop3A_200 = tpu.vector_load_idx %arg8[%parallel_loop3A_199] : memref<16512xf32, #tpu.memory_space<vmem>>[vector<16xi32>], vector<16xf32>,
        %parallel_loop3A_201 = arith.constant 32 : i32
        %parallel_loop3A_202 = arith.muli %parallel_loop3A_198, %parallel_loop3A_201 : i32
        %parallel_loop3A_203 = arith.index_cast %parallel_loop3A_202 : i32 to index
        %parallel_loop3A_204 = tpu.vector_load %arg11[%parallel_loop3A_203] {strides = array<i32>} : memref<16384xf32, #tpu.memory_space<vmem>>, vector<16xf32>,
        tpu.vector_store %arg11[%parallel_loop3A_203], %parallel_loop3A_200 {strides = array<i32>} : memref<16384xf32, #tpu.memory_space<vmem>>, vector<16xf32>,
        %parallel_loop3A_205 = arith.addi %parallel_loop3A_194, %add3A_5 : vector<16xi32>
        %parallel_loop3A_206 = tpu.vector_load_idx %arg8[%parallel_loop3A_205] : memref<16512xf32, #tpu.memory_space<vmem>>[vector<16xi32>], vector<16xf32>,
        %parallel_loop3A_207 = arith.constant 32 : i32
        %parallel_loop3A_208 = arith.muli %parallel_loop3A_198, %parallel_loop3A_207 : i32
        %parallel_loop3A_209 = arith.constant 16 : i32
        %parallel_loop3A_210 = arith.addi %parallel_loop3A_208, %parallel_loop3A_209 : i32
        %parallel_loop3A_211 = arith.index_cast %parallel_loop3A_210 : i32 to index
        %parallel_loop3A_212 = tpu.vector_load %arg11[%parallel_loop3A_211] {strides = array<i32>} : memref<16384xf32, #tpu.memory_space<vmem>>, vector<16xf32>,
        tpu.vector_store %arg11[%parallel_loop3A_211], %parallel_loop3A_206 {strides = array<i32>} : memref<16384xf32, #tpu.memory_space<vmem>>, vector<16xf32>,
        %parallel_loop3A_213 = vector.shape_cast %broadcast_in_dim3A_10 : vector<16xi32> to vector<16x1xi32>
        %parallel_loop3A_214 = vector.shape_cast %parallel_loop3A_213 : vector<16x1xi32> to vector<16xi32>
        %parallel_loop3A_215 = tpu.dynamic_gather %parallel_loop3A_170[%parallel_loop3A_214] in [0] : vector<16xi32>, vector<16xi32> -> vector<16xi32>
        %parallel_loop3A_216 = arith.constant 16 : i32
        %parallel_loop3A_217 = arith.muli %parallel_loop3A_143, %parallel_loop3A_216 : i32
        %parallel_loop3A_218 = arith.constant 2 : i32
        %parallel_loop3A_219 = arith.addi %parallel_loop3A_217, %parallel_loop3A_218 : i32
        %parallel_loop3A_220 = arith.addi %parallel_loop3A_215, %iota3A : vector<16xi32>
        %parallel_loop3A_221 = tpu.vector_load_idx %arg8[%parallel_loop3A_220] : memref<16512xf32, #tpu.memory_space<vmem>>[vector<16xi32>], vector<16xf32>,
        %parallel_loop3A_222 = arith.constant 32 : i32
        %parallel_loop3A_223 = arith.muli %parallel_loop3A_219, %parallel_loop3A_222 : i32
        %parallel_loop3A_224 = arith.index_cast %parallel_loop3A_223 : i32 to index
        %parallel_loop3A_225 = tpu.vector_load %arg11[%parallel_loop3A_224] {strides = array<i32>} : memref<16384xf32, #tpu.memory_space<vmem>>, vector<16xf32>,
        tpu.vector_store %arg11[%parallel_loop3A_224], %parallel_loop3A_221 {strides = array<i32>} : memref<16384xf32, #tpu.memory_space<vmem>>, vector<16xf32>,
        %parallel_loop3A_226 = arith.addi %parallel_loop3A_215, %add3A_5 : vector<16xi32>
        %parallel_loop3A_227 = tpu.vector_load_idx %arg8[%parallel_loop3A_226] : memref<16512xf32, #tpu.memory_space<vmem>>[vector<16xi32>], vector<16xf32>,
        %parallel_loop3A_228 = arith.constant 32 : i32
        %parallel_loop3A_229 = arith.muli %parallel_loop3A_219, %parallel_loop3A_228 : i32
        %parallel_loop3A_230 = arith.constant 16 : i32
        %parallel_loop3A_231 = arith.addi %parallel_loop3A_229, %parallel_loop3A_230 : i32
        %parallel_loop3A_232 = arith.index_cast %parallel_loop3A_231 : i32 to index
        %parallel_loop3A_233 = tpu.vector_load %arg11[%parallel_loop3A_232] {strides = array<i32>} : memref<16384xf32, #tpu.memory_space<vmem>>, vector<16xf32>,
        tpu.vector_store %arg11[%parallel_loop3A_232], %parallel_loop3A_227 {strides = array<i32>} : memref<16384xf32, #tpu.memory_space<vmem>>, vector<16xf32>,
        %parallel_loop3A_234 = vector.shape_cast %broadcast_in_dim3A_12 : vector<16xi32> to vector<16x1xi32>
        %parallel_loop3A_235 = vector.shape_cast %parallel_loop3A_234 : vector<16x1xi32> to vector<16xi32>
        %parallel_loop3A_236 = tpu.dynamic_gather %parallel_loop3A_170[%parallel_loop3A_235] in [0] : vector<16xi32>, vector<16xi32> -> vector<16xi32>
        %parallel_loop3A_237 = arith.constant 16 : i32
        %parallel_loop3A_238 = arith.muli %parallel_loop3A_143, %parallel_loop3A_237 : i32
        %parallel_loop3A_239 = arith.constant 3 : i32
        %parallel_loop3A_240 = arith.addi %parallel_loop3A_238, %parallel_loop3A_239 : i32
        %parallel_loop3A_241 = arith.addi %parallel_loop3A_236, %iota3A : vector<16xi32>
        %parallel_loop3A_242 = tpu.vector_load_idx %arg8[%parallel_loop3A_241] : memref<16512xf32, #tpu.memory_space<vmem>>[vector<16xi32>], vector<16xf32>,
        %parallel_loop3A_243 = arith.constant 32 : i32
        %parallel_loop3A_244 = arith.muli %parallel_loop3A_240, %parallel_loop3A_243 : i32
        %parallel_loop3A_245 = arith.index_cast %parallel_loop3A_244 : i32 to index
        %parallel_loop3A_246 = tpu.vector_load %arg11[%parallel_loop3A_245] {strides = array<i32>} : memref<16384xf32, #tpu.memory_space<vmem>>, vector<16xf32>,
        tpu.vector_store %arg11[%parallel_loop3A_245], %parallel_loop3A_242 {strides = array<i32>} : memref<16384xf32, #tpu.memory_space<vmem>>, vector<16xf32>,
        %parallel_loop3A_247 = arith.addi %parallel_loop3A_236, %add3A_5 : vector<16xi32>
        %parallel_loop3A_248 = tpu.vector_load_idx %arg8[%parallel_loop3A_247] : memref<16512xf32, #tpu.memory_space<vmem>>[vector<16xi32>], vector<16xf32>,
        %parallel_loop3A_249 = arith.constant 32 : i32
        %parallel_loop3A_250 = arith.muli %parallel_loop3A_240, %parallel_loop3A_249 : i32
        %parallel_loop3A_251 = arith.constant 16 : i32
        %parallel_loop3A_252 = arith.addi %parallel_loop3A_250, %parallel_loop3A_251 : i32
        %parallel_loop3A_253 = arith.index_cast %parallel_loop3A_252 : i32 to index
        %parallel_loop3A_254 = tpu.vector_load %arg11[%parallel_loop3A_253] {strides = array<i32>} : memref<16384xf32, #tpu.memory_space<vmem>>, vector<16xf32>,
        tpu.vector_store %arg11[%parallel_loop3A_253], %parallel_loop3A_248 {strides = array<i32>} : memref<16384xf32, #tpu.memory_space<vmem>>, vector<16xf32>,
        %parallel_loop3A_255 = vector.shape_cast %broadcast_in_dim3A_14 : vector<16xi32> to vector<16x1xi32>
        %parallel_loop3A_256 = vector.shape_cast %parallel_loop3A_255 : vector<16x1xi32> to vector<16xi32>
        %parallel_loop3A_257 = tpu.dynamic_gather %parallel_loop3A_170[%parallel_loop3A_256] in [0] : vector<16xi32>, vector<16xi32> -> vector<16xi32>
        %parallel_loop3A_258 = arith.constant 16 : i32
        %parallel_loop3A_259 = arith.muli %parallel_loop3A_143, %parallel_loop3A_258 : i32
        %parallel_loop3A_260 = arith.constant 4 : i32
        %parallel_loop3A_261 = arith.addi %parallel_loop3A_259, %parallel_loop3A_260 : i32
        %parallel_loop3A_262 = arith.addi %parallel_loop3A_257, %iota3A : vector<16xi32>
        %parallel_loop3A_263 = tpu.vector_load_idx %arg8[%parallel_loop3A_262] : memref<16512xf32, #tpu.memory_space<vmem>>[vector<16xi32>], vector<16xf32>,
        %parallel_loop3A_264 = arith.constant 32 : i32
        %parallel_loop3A_265 = arith.muli %parallel_loop3A_261, %parallel_loop3A_264 : i32
        %parallel_loop3A_266 = arith.index_cast %parallel_loop3A_265 : i32 to index
        %parallel_loop3A_267 = tpu.vector_load %arg11[%parallel_loop3A_266] {strides = array<i32>} : memref<16384xf32, #tpu.memory_space<vmem>>, vector<16xf32>,
        tpu.vector_store %arg11[%parallel_loop3A_266], %parallel_loop3A_263 {strides = array<i32>} : memref<16384xf32, #tpu.memory_space<vmem>>, vector<16xf32>,
        %parallel_loop3A_268 = arith.addi %parallel_loop3A_257, %add3A_5 : vector<16xi32>
        %parallel_loop3A_269 = tpu.vector_load_idx %arg8[%parallel_loop3A_268] : memref<16512xf32, #tpu.memory_space<vmem>>[vector<16xi32>], vector<16xf32>,
        %parallel_loop3A_270 = arith.constant 32 : i32
        %parallel_loop3A_271 = arith.muli %parallel_loop3A_261, %parallel_loop3A_270 : i32
        %parallel_loop3A_272 = arith.constant 16 : i32
        %parallel_loop3A_273 = arith.addi %parallel_loop3A_271, %parallel_loop3A_272 : i32
        %parallel_loop3A_274 = arith.index_cast %parallel_loop3A_273 : i32 to index
        %parallel_loop3A_275 = tpu.vector_load %arg11[%parallel_loop3A_274] {strides = array<i32>} : memref<16384xf32, #tpu.memory_space<vmem>>, vector<16xf32>,
        tpu.vector_store %arg11[%parallel_loop3A_274], %parallel_loop3A_269 {strides = array<i32>} : memref<16384xf32, #tpu.memory_space<vmem>>, vector<16xf32>,
        %parallel_loop3A_276 = vector.shape_cast %broadcast_in_dim3A_16 : vector<16xi32> to vector<16x1xi32>
        %parallel_loop3A_277 = vector.shape_cast %parallel_loop3A_276 : vector<16x1xi32> to vector<16xi32>
        %parallel_loop3A_278 = tpu.dynamic_gather %parallel_loop3A_170[%parallel_loop3A_277] in [0] : vector<16xi32>, vector<16xi32> -> vector<16xi32>
        %parallel_loop3A_279 = arith.constant 16 : i32
        %parallel_loop3A_280 = arith.muli %parallel_loop3A_143, %parallel_loop3A_279 : i32
        %parallel_loop3A_281 = arith.constant 5 : i32
        %parallel_loop3A_282 = arith.addi %parallel_loop3A_280, %parallel_loop3A_281 : i32
        %parallel_loop3A_283 = arith.addi %parallel_loop3A_278, %iota3A : vector<16xi32>
        %parallel_loop3A_284 = tpu.vector_load_idx %arg8[%parallel_loop3A_283] : memref<16512xf32, #tpu.memory_space<vmem>>[vector<16xi32>], vector<16xf32>,
        %parallel_loop3A_285 = arith.constant 32 : i32
        %parallel_loop3A_286 = arith.muli %parallel_loop3A_282, %parallel_loop3A_285 : i32
        %parallel_loop3A_287 = arith.index_cast %parallel_loop3A_286 : i32 to index
        %parallel_loop3A_288 = tpu.vector_load %arg11[%parallel_loop3A_287] {strides = array<i32>} : memref<16384xf32, #tpu.memory_space<vmem>>, vector<16xf32>,
        tpu.vector_store %arg11[%parallel_loop3A_287], %parallel_loop3A_284 {strides = array<i32>} : memref<16384xf32, #tpu.memory_space<vmem>>, vector<16xf32>,
        %parallel_loop3A_289 = arith.addi %parallel_loop3A_278, %add3A_5 : vector<16xi32>
        %parallel_loop3A_290 = tpu.vector_load_idx %arg8[%parallel_loop3A_289] : memref<16512xf32, #tpu.memory_space<vmem>>[vector<16xi32>], vector<16xf32>,
        %parallel_loop3A_291 = arith.constant 32 : i32
        %parallel_loop3A_292 = arith.muli %parallel_loop3A_282, %parallel_loop3A_291 : i32
        %parallel_loop3A_293 = arith.constant 16 : i32
        %parallel_loop3A_294 = arith.addi %parallel_loop3A_292, %parallel_loop3A_293 : i32
        %parallel_loop3A_295 = arith.index_cast %parallel_loop3A_294 : i32 to index
        %parallel_loop3A_296 = tpu.vector_load %arg11[%parallel_loop3A_295] {strides = array<i32>} : memref<16384xf32, #tpu.memory_space<vmem>>, vector<16xf32>,
        tpu.vector_store %arg11[%parallel_loop3A_295], %parallel_loop3A_290 {strides = array<i32>} : memref<16384xf32, #tpu.memory_space<vmem>>, vector<16xf32>,
        %parallel_loop3A_297 = vector.shape_cast %broadcast_in_dim3A_18 : vector<16xi32> to vector<16x1xi32>
        %parallel_loop3A_298 = vector.shape_cast %parallel_loop3A_297 : vector<16x1xi32> to vector<16xi32>
        %parallel_loop3A_299 = tpu.dynamic_gather %parallel_loop3A_170[%parallel_loop3A_298] in [0] : vector<16xi32>, vector<16xi32> -> vector<16xi32>
        %parallel_loop3A_300 = arith.constant 16 : i32
        %parallel_loop3A_301 = arith.muli %parallel_loop3A_143, %parallel_loop3A_300 : i32
        %parallel_loop3A_302 = arith.constant 6 : i32
        %parallel_loop3A_303 = arith.addi %parallel_loop3A_301, %parallel_loop3A_302 : i32
        %parallel_loop3A_304 = arith.addi %parallel_loop3A_299, %iota3A : vector<16xi32>
        %parallel_loop3A_305 = tpu.vector_load_idx %arg8[%parallel_loop3A_304] : memref<16512xf32, #tpu.memory_space<vmem>>[vector<16xi32>], vector<16xf32>,
        %parallel_loop3A_306 = arith.constant 32 : i32
        %parallel_loop3A_307 = arith.muli %parallel_loop3A_303, %parallel_loop3A_306 : i32
        %parallel_loop3A_308 = arith.index_cast %parallel_loop3A_307 : i32 to index
        %parallel_loop3A_309 = tpu.vector_load %arg11[%parallel_loop3A_308] {strides = array<i32>} : memref<16384xf32, #tpu.memory_space<vmem>>, vector<16xf32>,
        tpu.vector_store %arg11[%parallel_loop3A_308], %parallel_loop3A_305 {strides = array<i32>} : memref<16384xf32, #tpu.memory_space<vmem>>, vector<16xf32>,
        %parallel_loop3A_310 = arith.addi %parallel_loop3A_299, %add3A_5 : vector<16xi32>
        %parallel_loop3A_311 = tpu.vector_load_idx %arg8[%parallel_loop3A_310] : memref<16512xf32, #tpu.memory_space<vmem>>[vector<16xi32>], vector<16xf32>,
        %parallel_loop3A_312 = arith.constant 32 : i32
        %parallel_loop3A_313 = arith.muli %parallel_loop3A_303, %parallel_loop3A_312 : i32
        %parallel_loop3A_314 = arith.constant 16 : i32
        %parallel_loop3A_315 = arith.addi %parallel_loop3A_313, %parallel_loop3A_314 : i32
        %parallel_loop3A_316 = arith.index_cast %parallel_loop3A_315 : i32 to index
        %parallel_loop3A_317 = tpu.vector_load %arg11[%parallel_loop3A_316] {strides = array<i32>} : memref<16384xf32, #tpu.memory_space<vmem>>, vector<16xf32>,
        tpu.vector_store %arg11[%parallel_loop3A_316], %parallel_loop3A_311 {strides = array<i32>} : memref<16384xf32, #tpu.memory_space<vmem>>, vector<16xf32>,
        %parallel_loop3A_318 = vector.shape_cast %broadcast_in_dim3A_20 : vector<16xi32> to vector<16x1xi32>
        %parallel_loop3A_319 = vector.shape_cast %parallel_loop3A_318 : vector<16x1xi32> to vector<16xi32>
        %parallel_loop3A_320 = tpu.dynamic_gather %parallel_loop3A_170[%parallel_loop3A_319] in [0] : vector<16xi32>, vector<16xi32> -> vector<16xi32>
        %parallel_loop3A_321 = arith.constant 16 : i32
        %parallel_loop3A_322 = arith.muli %parallel_loop3A_143, %parallel_loop3A_321 : i32
        %parallel_loop3A_323 = arith.constant 7 : i32
        %parallel_loop3A_324 = arith.addi %parallel_loop3A_322, %parallel_loop3A_323 : i32
        %parallel_loop3A_325 = arith.addi %parallel_loop3A_320, %iota3A : vector<16xi32>
        %parallel_loop3A_326 = tpu.vector_load_idx %arg8[%parallel_loop3A_325] : memref<16512xf32, #tpu.memory_space<vmem>>[vector<16xi32>], vector<16xf32>,
        %parallel_loop3A_327 = arith.constant 32 : i32
        %parallel_loop3A_328 = arith.muli %parallel_loop3A_324, %parallel_loop3A_327 : i32
        %parallel_loop3A_329 = arith.index_cast %parallel_loop3A_328 : i32 to index
        %parallel_loop3A_330 = tpu.vector_load %arg11[%parallel_loop3A_329] {strides = array<i32>} : memref<16384xf32, #tpu.memory_space<vmem>>, vector<16xf32>,
        tpu.vector_store %arg11[%parallel_loop3A_329], %parallel_loop3A_326 {strides = array<i32>} : memref<16384xf32, #tpu.memory_space<vmem>>, vector<16xf32>,
        %parallel_loop3A_331 = arith.addi %parallel_loop3A_320, %add3A_5 : vector<16xi32>
        %parallel_loop3A_332 = tpu.vector_load_idx %arg8[%parallel_loop3A_331] : memref<16512xf32, #tpu.memory_space<vmem>>[vector<16xi32>], vector<16xf32>,
        %parallel_loop3A_333 = arith.constant 32 : i32
        %parallel_loop3A_334 = arith.muli %parallel_loop3A_324, %parallel_loop3A_333 : i32
        %parallel_loop3A_335 = arith.constant 16 : i32
        %parallel_loop3A_336 = arith.addi %parallel_loop3A_334, %parallel_loop3A_335 : i32
        %parallel_loop3A_337 = arith.index_cast %parallel_loop3A_336 : i32 to index
        %parallel_loop3A_338 = tpu.vector_load %arg11[%parallel_loop3A_337] {strides = array<i32>} : memref<16384xf32, #tpu.memory_space<vmem>>, vector<16xf32>,
        tpu.vector_store %arg11[%parallel_loop3A_337], %parallel_loop3A_332 {strides = array<i32>} : memref<16384xf32, #tpu.memory_space<vmem>>, vector<16xf32>,
        %parallel_loop3A_339 = vector.shape_cast %broadcast_in_dim3A_22 : vector<16xi32> to vector<16x1xi32>
        %parallel_loop3A_340 = vector.shape_cast %parallel_loop3A_339 : vector<16x1xi32> to vector<16xi32>
        %parallel_loop3A_341 = tpu.dynamic_gather %parallel_loop3A_170[%parallel_loop3A_340] in [0] : vector<16xi32>, vector<16xi32> -> vector<16xi32>
        %parallel_loop3A_342 = arith.constant 16 : i32
        %parallel_loop3A_343 = arith.muli %parallel_loop3A_143, %parallel_loop3A_342 : i32
        %parallel_loop3A_344 = arith.constant 8 : i32
        %parallel_loop3A_345 = arith.addi %parallel_loop3A_343, %parallel_loop3A_344 : i32
        %parallel_loop3A_346 = arith.addi %parallel_loop3A_341, %iota3A : vector<16xi32>
        %parallel_loop3A_347 = tpu.vector_load_idx %arg8[%parallel_loop3A_346] : memref<16512xf32, #tpu.memory_space<vmem>>[vector<16xi32>], vector<16xf32>,
        %parallel_loop3A_348 = arith.constant 32 : i32
        %parallel_loop3A_349 = arith.muli %parallel_loop3A_345, %parallel_loop3A_348 : i32
        %parallel_loop3A_350 = arith.index_cast %parallel_loop3A_349 : i32 to index
        %parallel_loop3A_351 = tpu.vector_load %arg11[%parallel_loop3A_350] {strides = array<i32>} : memref<16384xf32, #tpu.memory_space<vmem>>, vector<16xf32>,
        tpu.vector_store %arg11[%parallel_loop3A_350], %parallel_loop3A_347 {strides = array<i32>} : memref<16384xf32, #tpu.memory_space<vmem>>, vector<16xf32>,
        %parallel_loop3A_352 = arith.addi %parallel_loop3A_341, %add3A_5 : vector<16xi32>
        %parallel_loop3A_353 = tpu.vector_load_idx %arg8[%parallel_loop3A_352] : memref<16512xf32, #tpu.memory_space<vmem>>[vector<16xi32>], vector<16xf32>,
        %parallel_loop3A_354 = arith.constant 32 : i32
        %parallel_loop3A_355 = arith.muli %parallel_loop3A_345, %parallel_loop3A_354 : i32
        %parallel_loop3A_356 = arith.constant 16 : i32
        %parallel_loop3A_357 = arith.addi %parallel_loop3A_355, %parallel_loop3A_356 : i32
        %parallel_loop3A_358 = arith.index_cast %parallel_loop3A_357 : i32 to index
        %parallel_loop3A_359 = tpu.vector_load %arg11[%parallel_loop3A_358] {strides = array<i32>} : memref<16384xf32, #tpu.memory_space<vmem>>, vector<16xf32>,
        tpu.vector_store %arg11[%parallel_loop3A_358], %parallel_loop3A_353 {strides = array<i32>} : memref<16384xf32, #tpu.memory_space<vmem>>, vector<16xf32>,
        %parallel_loop3A_360 = vector.shape_cast %broadcast_in_dim3A_24 : vector<16xi32> to vector<16x1xi32>
        %parallel_loop3A_361 = vector.shape_cast %parallel_loop3A_360 : vector<16x1xi32> to vector<16xi32>
        %parallel_loop3A_362 = tpu.dynamic_gather %parallel_loop3A_170[%parallel_loop3A_361] in [0] : vector<16xi32>, vector<16xi32> -> vector<16xi32>
        %parallel_loop3A_363 = arith.constant 16 : i32
        %parallel_loop3A_364 = arith.muli %parallel_loop3A_143, %parallel_loop3A_363 : i32
        %parallel_loop3A_365 = arith.constant 9 : i32
        %parallel_loop3A_366 = arith.addi %parallel_loop3A_364, %parallel_loop3A_365 : i32
        %parallel_loop3A_367 = arith.addi %parallel_loop3A_362, %iota3A : vector<16xi32>
        %parallel_loop3A_368 = tpu.vector_load_idx %arg8[%parallel_loop3A_367] : memref<16512xf32, #tpu.memory_space<vmem>>[vector<16xi32>], vector<16xf32>,
        %parallel_loop3A_369 = arith.constant 32 : i32
        %parallel_loop3A_370 = arith.muli %parallel_loop3A_366, %parallel_loop3A_369 : i32
        %parallel_loop3A_371 = arith.index_cast %parallel_loop3A_370 : i32 to index
        %parallel_loop3A_372 = tpu.vector_load %arg11[%parallel_loop3A_371] {strides = array<i32>} : memref<16384xf32, #tpu.memory_space<vmem>>, vector<16xf32>,
        tpu.vector_store %arg11[%parallel_loop3A_371], %parallel_loop3A_368 {strides = array<i32>} : memref<16384xf32, #tpu.memory_space<vmem>>, vector<16xf32>,
        %parallel_loop3A_373 = arith.addi %parallel_loop3A_362, %add3A_5 : vector<16xi32>
        %parallel_loop3A_374 = tpu.vector_load_idx %arg8[%parallel_loop3A_373] : memref<16512xf32, #tpu.memory_space<vmem>>[vector<16xi32>], vector<16xf32>,
        %parallel_loop3A_375 = arith.constant 32 : i32
        %parallel_loop3A_376 = arith.muli %parallel_loop3A_366, %parallel_loop3A_375 : i32
        %parallel_loop3A_377 = arith.constant 16 : i32
        %parallel_loop3A_378 = arith.addi %parallel_loop3A_376, %parallel_loop3A_377 : i32
        %parallel_loop3A_379 = arith.index_cast %parallel_loop3A_378 : i32 to index
        %parallel_loop3A_380 = tpu.vector_load %arg11[%parallel_loop3A_379] {strides = array<i32>} : memref<16384xf32, #tpu.memory_space<vmem>>, vector<16xf32>,
        tpu.vector_store %arg11[%parallel_loop3A_379], %parallel_loop3A_374 {strides = array<i32>} : memref<16384xf32, #tpu.memory_space<vmem>>, vector<16xf32>,
        %parallel_loop3A_381 = vector.shape_cast %broadcast_in_dim3A_26 : vector<16xi32> to vector<16x1xi32>
        %parallel_loop3A_382 = vector.shape_cast %parallel_loop3A_381 : vector<16x1xi32> to vector<16xi32>
        %parallel_loop3A_383 = tpu.dynamic_gather %parallel_loop3A_170[%parallel_loop3A_382] in [0] : vector<16xi32>, vector<16xi32> -> vector<16xi32>
        %parallel_loop3A_384 = arith.constant 16 : i32
        %parallel_loop3A_385 = arith.muli %parallel_loop3A_143, %parallel_loop3A_384 : i32
        %parallel_loop3A_386 = arith.constant 10 : i32
        %parallel_loop3A_387 = arith.addi %parallel_loop3A_385, %parallel_loop3A_386 : i32
        %parallel_loop3A_388 = arith.addi %parallel_loop3A_383, %iota3A : vector<16xi32>
        %parallel_loop3A_389 = tpu.vector_load_idx %arg8[%parallel_loop3A_388] : memref<16512xf32, #tpu.memory_space<vmem>>[vector<16xi32>], vector<16xf32>,
        %parallel_loop3A_390 = arith.constant 32 : i32
        %parallel_loop3A_391 = arith.muli %parallel_loop3A_387, %parallel_loop3A_390 : i32
        %parallel_loop3A_392 = arith.index_cast %parallel_loop3A_391 : i32 to index
        %parallel_loop3A_393 = tpu.vector_load %arg11[%parallel_loop3A_392] {strides = array<i32>} : memref<16384xf32, #tpu.memory_space<vmem>>, vector<16xf32>,
        tpu.vector_store %arg11[%parallel_loop3A_392], %parallel_loop3A_389 {strides = array<i32>} : memref<16384xf32, #tpu.memory_space<vmem>>, vector<16xf32>,
        %parallel_loop3A_394 = arith.addi %parallel_loop3A_383, %add3A_5 : vector<16xi32>
        %parallel_loop3A_395 = tpu.vector_load_idx %arg8[%parallel_loop3A_394] : memref<16512xf32, #tpu.memory_space<vmem>>[vector<16xi32>], vector<16xf32>,
        %parallel_loop3A_396 = arith.constant 32 : i32
        %parallel_loop3A_397 = arith.muli %parallel_loop3A_387, %parallel_loop3A_396 : i32
        %parallel_loop3A_398 = arith.constant 16 : i32
        %parallel_loop3A_399 = arith.addi %parallel_loop3A_397, %parallel_loop3A_398 : i32
        %parallel_loop3A_400 = arith.index_cast %parallel_loop3A_399 : i32 to index
        %parallel_loop3A_401 = tpu.vector_load %arg11[%parallel_loop3A_400] {strides = array<i32>} : memref<16384xf32, #tpu.memory_space<vmem>>, vector<16xf32>,
        tpu.vector_store %arg11[%parallel_loop3A_400], %parallel_loop3A_395 {strides = array<i32>} : memref<16384xf32, #tpu.memory_space<vmem>>, vector<16xf32>,
        %parallel_loop3A_402 = vector.shape_cast %broadcast_in_dim3A_28 : vector<16xi32> to vector<16x1xi32>
        %parallel_loop3A_403 = vector.shape_cast %parallel_loop3A_402 : vector<16x1xi32> to vector<16xi32>
        %parallel_loop3A_404 = tpu.dynamic_gather %parallel_loop3A_170[%parallel_loop3A_403] in [0] : vector<16xi32>, vector<16xi32> -> vector<16xi32>
        %parallel_loop3A_405 = arith.constant 16 : i32
        %parallel_loop3A_406 = arith.muli %parallel_loop3A_143, %parallel_loop3A_405 : i32
        %parallel_loop3A_407 = arith.constant 11 : i32
        %parallel_loop3A_408 = arith.addi %parallel_loop3A_406, %parallel_loop3A_407 : i32
        %parallel_loop3A_409 = arith.addi %parallel_loop3A_404, %iota3A : vector<16xi32>
        %parallel_loop3A_410 = tpu.vector_load_idx %arg8[%parallel_loop3A_409] : memref<16512xf32, #tpu.memory_space<vmem>>[vector<16xi32>], vector<16xf32>,
        %parallel_loop3A_411 = arith.constant 32 : i32
        %parallel_loop3A_412 = arith.muli %parallel_loop3A_408, %parallel_loop3A_411 : i32
        %parallel_loop3A_413 = arith.index_cast %parallel_loop3A_412 : i32 to index
        %parallel_loop3A_414 = tpu.vector_load %arg11[%parallel_loop3A_413] {strides = array<i32>} : memref<16384xf32, #tpu.memory_space<vmem>>, vector<16xf32>,
        tpu.vector_store %arg11[%parallel_loop3A_413], %parallel_loop3A_410 {strides = array<i32>} : memref<16384xf32, #tpu.memory_space<vmem>>, vector<16xf32>,
        %parallel_loop3A_415 = arith.addi %parallel_loop3A_404, %add3A_5 : vector<16xi32>
        %parallel_loop3A_416 = tpu.vector_load_idx %arg8[%parallel_loop3A_415] : memref<16512xf32, #tpu.memory_space<vmem>>[vector<16xi32>], vector<16xf32>,
        %parallel_loop3A_417 = arith.constant 32 : i32
        %parallel_loop3A_418 = arith.muli %parallel_loop3A_408, %parallel_loop3A_417 : i32
        %parallel_loop3A_419 = arith.constant 16 : i32
        %parallel_loop3A_420 = arith.addi %parallel_loop3A_418, %parallel_loop3A_419 : i32
        %parallel_loop3A_421 = arith.index_cast %parallel_loop3A_420 : i32 to index
        %parallel_loop3A_422 = tpu.vector_load %arg11[%parallel_loop3A_421] {strides = array<i32>} : memref<16384xf32, #tpu.memory_space<vmem>>, vector<16xf32>,
        tpu.vector_store %arg11[%parallel_loop3A_421], %parallel_loop3A_416 {strides = array<i32>} : memref<16384xf32, #tpu.memory_space<vmem>>, vector<16xf32>,
        %parallel_loop3A_423 = vector.shape_cast %broadcast_in_dim3A_30 : vector<16xi32> to vector<16x1xi32>
        %parallel_loop3A_424 = vector.shape_cast %parallel_loop3A_423 : vector<16x1xi32> to vector<16xi32>
        %parallel_loop3A_425 = tpu.dynamic_gather %parallel_loop3A_170[%parallel_loop3A_424] in [0] : vector<16xi32>, vector<16xi32> -> vector<16xi32>
        %parallel_loop3A_426 = arith.constant 16 : i32
        %parallel_loop3A_427 = arith.muli %parallel_loop3A_143, %parallel_loop3A_426 : i32
        %parallel_loop3A_428 = arith.constant 12 : i32
        %parallel_loop3A_429 = arith.addi %parallel_loop3A_427, %parallel_loop3A_428 : i32
        %parallel_loop3A_430 = arith.addi %parallel_loop3A_425, %iota3A : vector<16xi32>
        %parallel_loop3A_431 = tpu.vector_load_idx %arg8[%parallel_loop3A_430] : memref<16512xf32, #tpu.memory_space<vmem>>[vector<16xi32>], vector<16xf32>,
        %parallel_loop3A_432 = arith.constant 32 : i32
        %parallel_loop3A_433 = arith.muli %parallel_loop3A_429, %parallel_loop3A_432 : i32
        %parallel_loop3A_434 = arith.index_cast %parallel_loop3A_433 : i32 to index
        %parallel_loop3A_435 = tpu.vector_load %arg11[%parallel_loop3A_434] {strides = array<i32>} : memref<16384xf32, #tpu.memory_space<vmem>>, vector<16xf32>,
        tpu.vector_store %arg11[%parallel_loop3A_434], %parallel_loop3A_431 {strides = array<i32>} : memref<16384xf32, #tpu.memory_space<vmem>>, vector<16xf32>,
        %parallel_loop3A_436 = arith.addi %parallel_loop3A_425, %add3A_5 : vector<16xi32>
        %parallel_loop3A_437 = tpu.vector_load_idx %arg8[%parallel_loop3A_436] : memref<16512xf32, #tpu.memory_space<vmem>>[vector<16xi32>], vector<16xf32>,
        %parallel_loop3A_438 = arith.constant 32 : i32
        %parallel_loop3A_439 = arith.muli %parallel_loop3A_429, %parallel_loop3A_438 : i32
        %parallel_loop3A_440 = arith.constant 16 : i32
        %parallel_loop3A_441 = arith.addi %parallel_loop3A_439, %parallel_loop3A_440 : i32
        %parallel_loop3A_442 = arith.index_cast %parallel_loop3A_441 : i32 to index
        %parallel_loop3A_443 = tpu.vector_load %arg11[%parallel_loop3A_442] {strides = array<i32>} : memref<16384xf32, #tpu.memory_space<vmem>>, vector<16xf32>,
        tpu.vector_store %arg11[%parallel_loop3A_442], %parallel_loop3A_437 {strides = array<i32>} : memref<16384xf32, #tpu.memory_space<vmem>>, vector<16xf32>,
        %parallel_loop3A_444 = vector.shape_cast %broadcast_in_dim3A_32 : vector<16xi32> to vector<16x1xi32>
        %parallel_loop3A_445 = vector.shape_cast %parallel_loop3A_444 : vector<16x1xi32> to vector<16xi32>
        %parallel_loop3A_446 = tpu.dynamic_gather %parallel_loop3A_170[%parallel_loop3A_445] in [0] : vector<16xi32>, vector<16xi32> -> vector<16xi32>
        %parallel_loop3A_447 = arith.constant 16 : i32
        %parallel_loop3A_448 = arith.muli %parallel_loop3A_143, %parallel_loop3A_447 : i32
        %parallel_loop3A_449 = arith.constant 13 : i32
        %parallel_loop3A_450 = arith.addi %parallel_loop3A_448, %parallel_loop3A_449 : i32
        %parallel_loop3A_451 = arith.addi %parallel_loop3A_446, %iota3A : vector<16xi32>
        %parallel_loop3A_452 = tpu.vector_load_idx %arg8[%parallel_loop3A_451] : memref<16512xf32, #tpu.memory_space<vmem>>[vector<16xi32>], vector<16xf32>,
        %parallel_loop3A_453 = arith.constant 32 : i32
        %parallel_loop3A_454 = arith.muli %parallel_loop3A_450, %parallel_loop3A_453 : i32
        %parallel_loop3A_455 = arith.index_cast %parallel_loop3A_454 : i32 to index
        %parallel_loop3A_456 = tpu.vector_load %arg11[%parallel_loop3A_455] {strides = array<i32>} : memref<16384xf32, #tpu.memory_space<vmem>>, vector<16xf32>,
        tpu.vector_store %arg11[%parallel_loop3A_455], %parallel_loop3A_452 {strides = array<i32>} : memref<16384xf32, #tpu.memory_space<vmem>>, vector<16xf32>,
        %parallel_loop3A_457 = arith.addi %parallel_loop3A_446, %add3A_5 : vector<16xi32>
        %parallel_loop3A_458 = tpu.vector_load_idx %arg8[%parallel_loop3A_457] : memref<16512xf32, #tpu.memory_space<vmem>>[vector<16xi32>], vector<16xf32>,
        %parallel_loop3A_459 = arith.constant 32 : i32
        %parallel_loop3A_460 = arith.muli %parallel_loop3A_450, %parallel_loop3A_459 : i32
        %parallel_loop3A_461 = arith.constant 16 : i32
        %parallel_loop3A_462 = arith.addi %parallel_loop3A_460, %parallel_loop3A_461 : i32
        %parallel_loop3A_463 = arith.index_cast %parallel_loop3A_462 : i32 to index
        %parallel_loop3A_464 = tpu.vector_load %arg11[%parallel_loop3A_463] {strides = array<i32>} : memref<16384xf32, #tpu.memory_space<vmem>>, vector<16xf32>,
        tpu.vector_store %arg11[%parallel_loop3A_463], %parallel_loop3A_458 {strides = array<i32>} : memref<16384xf32, #tpu.memory_space<vmem>>, vector<16xf32>,
        %parallel_loop3A_465 = vector.shape_cast %broadcast_in_dim3A_34 : vector<16xi32> to vector<16x1xi32>
        %parallel_loop3A_466 = vector.shape_cast %parallel_loop3A_465 : vector<16x1xi32> to vector<16xi32>
        %parallel_loop3A_467 = tpu.dynamic_gather %parallel_loop3A_170[%parallel_loop3A_466] in [0] : vector<16xi32>, vector<16xi32> -> vector<16xi32>
        %parallel_loop3A_468 = arith.constant 16 : i32
        %parallel_loop3A_469 = arith.muli %parallel_loop3A_143, %parallel_loop3A_468 : i32
        %parallel_loop3A_470 = arith.constant 14 : i32
        %parallel_loop3A_471 = arith.addi %parallel_loop3A_469, %parallel_loop3A_470 : i32
        %parallel_loop3A_472 = arith.addi %parallel_loop3A_467, %iota3A : vector<16xi32>
        %parallel_loop3A_473 = tpu.vector_load_idx %arg8[%parallel_loop3A_472] : memref<16512xf32, #tpu.memory_space<vmem>>[vector<16xi32>], vector<16xf32>,
        %parallel_loop3A_474 = arith.constant 32 : i32
        %parallel_loop3A_475 = arith.muli %parallel_loop3A_471, %parallel_loop3A_474 : i32
        %parallel_loop3A_476 = arith.index_cast %parallel_loop3A_475 : i32 to index
        %parallel_loop3A_477 = tpu.vector_load %arg11[%parallel_loop3A_476] {strides = array<i32>} : memref<16384xf32, #tpu.memory_space<vmem>>, vector<16xf32>,
        tpu.vector_store %arg11[%parallel_loop3A_476], %parallel_loop3A_473 {strides = array<i32>} : memref<16384xf32, #tpu.memory_space<vmem>>, vector<16xf32>,
        %parallel_loop3A_478 = arith.addi %parallel_loop3A_467, %add3A_5 : vector<16xi32>
        %parallel_loop3A_479 = tpu.vector_load_idx %arg8[%parallel_loop3A_478] : memref<16512xf32, #tpu.memory_space<vmem>>[vector<16xi32>], vector<16xf32>,
        %parallel_loop3A_480 = arith.constant 32 : i32
        %parallel_loop3A_481 = arith.muli %parallel_loop3A_471, %parallel_loop3A_480 : i32
        %parallel_loop3A_482 = arith.constant 16 : i32
        %parallel_loop3A_483 = arith.addi %parallel_loop3A_481, %parallel_loop3A_482 : i32
        %parallel_loop3A_484 = arith.index_cast %parallel_loop3A_483 : i32 to index
        %parallel_loop3A_485 = tpu.vector_load %arg11[%parallel_loop3A_484] {strides = array<i32>} : memref<16384xf32, #tpu.memory_space<vmem>>, vector<16xf32>,
        tpu.vector_store %arg11[%parallel_loop3A_484], %parallel_loop3A_479 {strides = array<i32>} : memref<16384xf32, #tpu.memory_space<vmem>>, vector<16xf32>,
        %parallel_loop3A_486 = vector.shape_cast %broadcast_in_dim3A_36 : vector<16xi32> to vector<16x1xi32>
        %parallel_loop3A_487 = vector.shape_cast %parallel_loop3A_486 : vector<16x1xi32> to vector<16xi32>
        %parallel_loop3A_488 = tpu.dynamic_gather %parallel_loop3A_170[%parallel_loop3A_487] in [0] : vector<16xi32>, vector<16xi32> -> vector<16xi32>
        %parallel_loop3A_489 = arith.constant 16 : i32
        %parallel_loop3A_490 = arith.muli %parallel_loop3A_143, %parallel_loop3A_489 : i32
        %parallel_loop3A_491 = arith.constant 15 : i32
        %parallel_loop3A_492 = arith.addi %parallel_loop3A_490, %parallel_loop3A_491 : i32
        %parallel_loop3A_493 = arith.addi %parallel_loop3A_488, %iota3A : vector<16xi32>
        %parallel_loop3A_494 = tpu.vector_load_idx %arg8[%parallel_loop3A_493] : memref<16512xf32, #tpu.memory_space<vmem>>[vector<16xi32>], vector<16xf32>,
        %parallel_loop3A_495 = arith.constant 32 : i32
        %parallel_loop3A_496 = arith.muli %parallel_loop3A_492, %parallel_loop3A_495 : i32
        %parallel_loop3A_497 = arith.index_cast %parallel_loop3A_496 : i32 to index
        %parallel_loop3A_498 = tpu.vector_load %arg11[%parallel_loop3A_497] {strides = array<i32>} : memref<16384xf32, #tpu.memory_space<vmem>>, vector<16xf32>,
        tpu.vector_store %arg11[%parallel_loop3A_497], %parallel_loop3A_494 {strides = array<i32>} : memref<16384xf32, #tpu.memory_space<vmem>>, vector<16xf32>,
        %parallel_loop3A_499 = arith.addi %parallel_loop3A_488, %add3A_5 : vector<16xi32>
        %parallel_loop3A_500 = tpu.vector_load_idx %arg8[%parallel_loop3A_499] : memref<16512xf32, #tpu.memory_space<vmem>>[vector<16xi32>], vector<16xf32>,
        %parallel_loop3A_501 = arith.constant 32 : i32
        %parallel_loop3A_502 = arith.muli %parallel_loop3A_492, %parallel_loop3A_501 : i32
        %parallel_loop3A_503 = arith.constant 16 : i32
        %parallel_loop3A_504 = arith.addi %parallel_loop3A_502, %parallel_loop3A_503 : i32
        %parallel_loop3A_505 = arith.index_cast %parallel_loop3A_504 : i32 to index
        %parallel_loop3A_506 = tpu.vector_load %arg11[%parallel_loop3A_505] {strides = array<i32>} : memref<16384xf32, #tpu.memory_space<vmem>>, vector<16xf32>,
        tpu.vector_store %arg11[%parallel_loop3A_505], %parallel_loop3A_500 {strides = array<i32>} : memref<16384xf32, #tpu.memory_space<vmem>>, vector<16xf32>,
      } {sc.loop_unroll_factor = 4 : i64, sc.parallel_access}
      %add3A_136 = arith.addi %mul3A_2, %add3A_112 : i32
      %dma_start3A_137 = arith.constant 0 : i32
      %dma_start3A_138 = tpu.memref_slice %arg5[%add3A_136, %dma_start3A_137] : memref<2048x16384xf32, #tpu.memory_space<hbm>> -> memref<1x16384xf32, #tpu.memory_space<hbm>>
      %dma_start3A_139 = tpu.memref_squeeze %dma_start3A_138 : memref<1x16384xf32, #tpu.memory_space<hbm>> -> memref<16384xf32, #tpu.memory_space<hbm>>
      %dma_start3A_140 = arith.constant 0 : i32
      %dma_start3A_141 = tpu.memref_slice %arg5[%add3A_136, %dma_start3A_140] : memref<2048x16384xf32, #tpu.memory_space<hbm>> -> memref<1x16384xf32, #tpu.memory_space<hbm>>
      %dma_start3A_142 = tpu.memref_squeeze %dma_start3A_141 : memref<1x16384xf32, #tpu.memory_space<hbm>> -> memref<16384xf32, #tpu.memory_space<hbm>>
      tpu.enqueue_dma source(%arg11 : memref<16384xf32, #tpu.memory_space<vmem>>) target(%dma_start3A_142 : memref<16384xf32, #tpu.memory_space<hbm>>) target_semaphore(%arg13 : memref<!tpu.dma_semaphore, #tpu.memory_space<semaphore_mem>>)
    }
    %scan3A_96 = arith.constant 32 : i32
    %dma_wait3A = arith.constant 0 : i32
    %dma_wait3A_97 = tpu.memref_slice %arg5[%mul3A_2, %dma_wait3A] : memref<2048x16384xf32, #tpu.memory_space<hbm>> -> memref<1x16384xf32, #tpu.memory_space<hbm>>
    %dma_wait3A_98 = tpu.memref_squeeze %dma_wait3A_97 : memref<1x16384xf32, #tpu.memory_space<hbm>> -> memref<16384xf32, #tpu.memory_space<hbm>>
    %dma_wait3A_99 = arith.constant 0 : i32
    %dma_wait3A_100 = tpu.memref_slice %arg5[%mul3A_2, %dma_wait3A_99] : memref<2048x16384xf32, #tpu.memory_space<hbm>> -> memref<1x16384xf32, #tpu.memory_space<hbm>>
    %dma_wait3A_101 = tpu.memref_squeeze %dma_wait3A_100 : memref<1x16384xf32, #tpu.memory_space<hbm>> -> memref<16384xf32, #tpu.memory_space<hbm>>
    tpu.wait_dma2 semaphore(%arg12 : memref<!tpu.dma_semaphore, #tpu.memory_space<semaphore_mem>>) src(%arg10 : memref<16384xf32, #tpu.memory_space<vmem>>) dst(%dma_wait3A_101 : memref<16384xf32, #tpu.memory_space<hbm>>)
    %dma_wait3A_102 = arith.constant 0 : i32
    %dma_wait3A_103 = tpu.memref_slice %arg5[%mul3A_2, %dma_wait3A_102] : memref<2048x16384xf32, #tpu.memory_space<hbm>> -> memref<1x16384xf32, #tpu.memory_space<hbm>>
    %dma_wait3A_104 = tpu.memref_squeeze %dma_wait3A_103 : memref<1x16384xf32, #tpu.memory_space<hbm>> -> memref<16384xf32, #tpu.memory_space<hbm>>
    %dma_wait3A_105 = arith.constant 0 : i32
    %dma_wait3A_106 = tpu.memref_slice %arg5[%mul3A_2, %dma_wait3A_105] : memref<2048x16384xf32, #tpu.memory_space<hbm>> -> memref<1x16384xf32, #tpu.memory_space<hbm>>
    %dma_wait3A_107 = tpu.memref_squeeze %dma_wait3A_106 : memref<1x16384xf32, #tpu.memory_space<hbm>> -> memref<16384xf32, #tpu.memory_space<hbm>>
    tpu.wait_dma2 semaphore(%arg13 : memref<!tpu.dma_semaphore, #tpu.memory_space<semaphore_mem>>) src(%arg11 : memref<16384xf32, #tpu.memory_space<vmem>>) dst(%dma_wait3A_107 : memref<16384xf32, #tpu.memory_space<hbm>>)
    return
  }
}

</mosaic_0001>

<sc_bundles>
// kernel: kernel.3.cloned.1.call-start
scs
__scs_entry_jumppad:
0x0: {  	(pc) =	sbr.rel $0x88, $3  }
0x1: {  	(tag) =	ssettag $0x0;
	lr =	simm.s32 $0x1  }
0x2: {  	[smem:$0x3F9E] =	sst lr;
	_ =	strace $0xD0000000  }
0x3: {  	_ = 	snop  }
0x4: {  	_ = 	snop  }
0x5: {  	_ = 	snop  }
0x6: {  	_ = 	snop  }
0x7: {  	_ = 	snop  }
__scs_overlays_trampoline_lowered:
0x8: {  	[smem:$0x3FAD] =	sst s0  }
0x9: {  	[smem:$0x3FAE] =	sst s1  }
0xa: {  	[smem:$0x3FAF] =	sst s2  }
0xb: {  	[smem:$0x3FB0] =	sst s3  }
0xc: {  	[smem:$0x3FB1] =	sst s4  }
0xd: {  	[smem:$0x3FB2] =	sst s5  }
0xe: {  	[smem:$0x3FB3] =	sst s6  }
0xf: {  	[smem:$0x3FB4] =	sst s7  }
0x10: {  	[smem:$0x3FB5] =	sst s8  }
0x11: {  	[smem:$0x3FB6] =	sst s9;
	s0 =	simm.s32 @!p0 $0x0  }
0x12: {  	s1 =	sld [smem:$0x3F9C];
	s0 =	simm.s32 @p0 $0x1  }
0x13: {  	[smem:$0x3FB7] =	sst s0;
	s0 =	simm.s32 @!p1 $0x0  }
0x14: {  	s2 =	sld [smem:$0x3F9B];
	s0 =	simm.s32 @p1 $0x1  }
0x15: {  	[smem:$0x3FB8] =	sst s0;
	s0 =	simm.s32 @!p2 $0x0  }
0x16: {  	s3 =	sld [smem:$0x3FDB];
	s0 =	simm.s32 @p2 $0x1  }
0x17: {  	s4 =	simm.s32 $0x1BF5;
	[smem:$0x3FBA] =	sst s0  }
0x18: {  	s0 =	sld [smem:$0x3F9D];
	_ =	swait.ge [sflag:s4], $0x0  }
0x19: {  	s7 =	sld [smem:$0x3F9E]  }
0x1a: {  	s8 =	sadd.s32 $0xFFFFE003, lr  }
0x1b: {  	s9 =	sadd.s32 $0xFFFFFEF7, lr;
	s5 =	simm.s32 $0xFFFFFFFF;
	p2 =	slt.u32 s8, $0xFFFFF086  }
0x1c: {  	p1 =	slt.u32 s9, $0xF7A;
	s5 =	simm.s32 @!p2 $0x0  }
0x1d: {  	s5 =	simm.s32 @p1 $0x1;
	p0 =	seq.s32 s7, s2  }
0x1e: {  	s7 =	smul.u32 @!p0 $0xF7A, s2;
	p2 =	seq.s32 @!p0 s5, $0x0  }
0x1f: {  	s9 =	smul.u32 $0xF7A, s1;
	s8 =	simm.s32 @!p0 $0x1BF5;
	p2 =	por !p2, p0  }
0x20: {  	[sflag:s8] =	ssyncset.s32 @!p0 $0xFFFFF086;
	s6 =	sadd.s32 @!p0 s3, s7;
	s7 =	simm.s32 @!p0 $0x108  }
0x21: {  	s3 =	sadd.s32 s3, s9;
	s6 =	sadd.s32 @!p0 $0x88, s6;
	s7 =	simm.s32 @p2 $0x1082  }
0x22: {  	[simem:s7], [sflag:s8] =	dma.local @!p0 [hbm:s6], $0xF7A  }
0x23: {  	s9 =	sor.u32 $0xD0000000, s2;
	s6 =	simm.s32 $0x108;
	_ =	swait.ge @!p0 [sflag:s8], $0x0  }
0x24: {  	s3 =	sadd.s32 $0x88, s3;
	s6 =	simm.s32 @!p1 $0x1082;
	[sflag:s4] =	ssyncset.s32 $0xFFFFF086  }
0x25: {  	[simem:s6], [sflag:s4] =	dma.local [hbm:s3], $0xF7A  }
0x26: {  	[smem:$0x3F9E] =	sst s1;
	(tag) =	ssettag s2;
	_ =	strace s9  }
0x27: {  	s1 =	sld [smem:$0x3FAE]  }
0x28: {  	s2 =	sld [smem:$0x3FAF]  }
0x29: {  	s4 =	sld [smem:$0x3FB1]  }
0x2a: {  	p0 =	seq.s32 s5, $0x0;
	s5 =	sld [smem:$0x3FB2]  }
0x2b: {  	s6 =	sld [smem:$0x3FB3]  }
0x2c: {  	s7 =	sld [smem:$0x3FB4]  }
0x2d: {  	s3 =	simm.s32 $0x108;
	s8 =	sld [smem:$0x3FB5]  }
0x2e: {  	s3 =	simm.s32 @!p0 $0x1082;
	s9 =	sld [smem:$0x3FB6]  }
0x2f: {  	lr =	sadd.s32 s0, s3;
	s0 =	sld [smem:$0x3FAD]  }
0x30: {  	s3 =	sld [smem:$0x3FB0]  }
0x31: {  	[smem:$0x3FB9] =	sst s10  }
0x32: {  	s10 =	sld [smem:$0x3FB7];
	_ =	sdelay $0x3  }
0x33: {  	p0 =	seq.s32 s10, $0x1;
	s10 =	sld [smem:$0x3FB9];
	_ =	sdelay $0x3  }
0x34: {  	[smem:$0x3FB9] =	sst s10  }
0x35: {  	s10 =	sld [smem:$0x3FB8];
	_ =	sdelay $0x3  }
0x36: {  	p1 =	seq.s32 s10, $0x1;
	s10 =	sld [smem:$0x3FB9];
	_ =	sdelay $0x3  }
0x37: {  	[smem:$0x3FB9] =	sst s10  }
0x38: {  	s10 =	sld [smem:$0x3FBA]  }
0x39: {  	_ = 	snop;
	(pc) =	sbr.ind lr, $3  }
0x3a: {  	_ = 	snop  }
0x3b: {  	_ = 	snop  }
0x3c: {  	p2 =	seq.s32 s10, $0x1;
	s10 =	sld [smem:$0x3FB9]  }
0x3d: {  	_ =	shalt  }
0x3e: {  	_ =	shalt  }
0x3f: {  	_ =	shalt  }
0x40: {  	_ =	shalt  }
0x41: {  	_ =	shalt  }
0x42: {  	_ =	shalt  }
0x43: {  	_ =	shalt  }
0x44: {  	_ =	shalt  }
0x45: {  	_ =	shalt  }
0x46: {  	_ =	shalt  }
0x47: {  	_ =	shalt  }
0x48: {  	_ =	shalt  }
0x49: {  	_ =	shalt  }
0x4a: {  	_ =	shalt  }
0x4b: {  	_ =	shalt  }
0x4c: {  	_ =	shalt  }
0x4d: {  	_ =	shalt  }
0x4e: {  	_ =	shalt  }
0x4f: {  	_ =	shalt  }
0x50: {  	_ =	shalt  }
0x51: {  	_ =	shalt  }
0x52: {  	_ =	shalt  }
0x53: {  	_ =	shalt  }
0x54: {  	_ =	shalt  }
0x55: {  	_ =	shalt  }
0x56: {  	_ =	shalt  }
0x57: {  	_ =	shalt  }
0x58: {  	_ =	shalt  }
0x59: {  	_ =	shalt  }
0x5a: {  	_ =	shalt  }
0x5b: {  	_ =	shalt  }
0x5c: {  	_ =	shalt  }
0x5d: {  	_ =	shalt  }
0x5e: {  	_ =	shalt  }
0x5f: {  	_ =	shalt  }
0x60: {  	_ =	shalt  }
0x61: {  	_ =	shalt  }
0x62: {  	_ =	shalt  }
0x63: {  	_ =	shalt  }
0x64: {  	_ =	shalt  }
0x65: {  	_ =	shalt  }
0x66: {  	_ =	shalt  }
0x67: {  	_ =	shalt  }
0x68: {  	_ =	shalt  }
0x69: {  	_ =	shalt  }
0x6a: {  	_ =	shalt  }
0x6b: {  	_ =	shalt  }
0x6c: {  	_ =	shalt  }
0x6d: {  	_ =	shalt  }
0x6e: {  	_ =	shalt  }
0x6f: {  	_ =	shalt  }
0x70: {  	_ =	shalt  }
0x71: {  	_ =	shalt  }
0x72: {  	_ =	shalt  }
0x73: {  	_ =	shalt  }
0x74: {  	_ =	shalt  }
0x75: {  	_ =	shalt  }
0x76: {  	_ =	shalt  }
0x77: {  	_ =	shalt  }
0x78: {  	_ =	shalt  }
0x79: {  	_ =	shalt  }
0x7a: {  	_ =	shalt  }
0x7b: {  	_ =	shalt  }
0x7c: {  	_ =	shalt  }
0x7d: {  	_ =	shalt  }
0x7e: {  	_ =	shalt  }
0x7f: {  	_ =	shalt  }
0x80: {  	_ =	shalt  }
0x81: {  	_ =	shalt  }
0x82: {  	_ =	shalt  }
0x83: {  	_ =	shalt  }
0x84: {  	_ =	shalt  }
0x85: {  	_ =	shalt  }
0x86: {  	_ =	shalt  }
0x87: {  	_ =	shalt  }
.Lfunc_end0:
.L_simem_size_0:
called_computation.1_lowered:
.L_overlay_start_0:
0x88: {  	s2 =	sld [smem:$0x3FD9]  }
0x89: {  	s3 =	sld [smem:$0x3FFE];
	_ =	sdelay $0x1  }
0x8a: {  	s1 =	srdreg.scid  }
0x8b: {  	s0 =	sand.u32 $0x1, s1  }
0x8c: {  	s17 =	sshll.u32 s0, $0xA;
	s2 =	sadd.s32 s3, s2  }
0x8d: {  	s2 =	sadd.s32 s2, s17  }
0x8e: {  	[smem:$0x3FC5] =	sst s2  }
0x8f: {  	_ = 	snop  }
0x90: {  	s2 =	sld [smem:$0x3FC9]  }
0x91: {  	s18 =	sld [smem:$0x3FC8]  }
0x92: {  	s4 =	sld [smem:$0x3FD0];
	(tm) =	ssettm $0x1  }
0x93: {  	s5 =	sld [smem:$0x3FFB];
	_ =	sdelay $0x3  }
0x94: {  	_ =	strace s5  }
0x95: {  	s5 =	sld [smem:$0x3FFC];
	_ =	sdelay $0x3  }
0x96: {  	_ =	strace s5  }
0x97: {  	s5 =	sld [smem:$0x3FFD];
	_ =	sdelay $0x3  }
0x98: {  	_ =	strace s5  }
0x99: {  	_ =	strace $0x8FFFFFFF  }
0x9a: {  	s19 =	sld [smem:$0x3FDB];
	_ =	sdelay $0x1  }
0x9b: {  	s6 =	simm.s32 $_scs_section_size  }
0x9c: {  	s7 =	simm.s32 $_size__tile_overlayer_lowered;
	s8 =	simm.s32 $_tile_overlayer_lowered  }
0x9d: {  	s22 =	simm.s32 $0x1BFF;
	s21 =	sshll.u32 s8, $0x1;
	s5 =	sadd.s32 s6, s19  }
0x9e: {  	s9 =	simm.s32 $0x0;
	s20 =	sshll.u32 s7, $0x1;
	s7 =	sadd.s32 s21, s5  }
0x9f: {  	[timem:s9], [sflag:s22] =	dma.local [hbm:s7], s20  }
0xa0: {  	_ =	swait.ge [sflag:s22], s20  }
0xa1: {  	s6 =	ssub.s32 $0x0, s20;
	[sflag:s22] =	ssyncset.done $0x0  }
0xa2: {  	[sflag:s22] =	ssyncadd.s32 s6;
	_ =	sdelay $0x1  }
0xa3: {  	s23 =	simm.s32 $0x1B8B  }
0xa4: {  	_ =	swait.ge [sflag:s23], $0x1  }
0xa5: {  	[sflag:s23] =	ssyncset.done $0x0  }
0xa6: {  	s25 =	simm.s32 $0x1B8E;
	s24 =	sld [smem:$0x3FFE];
	[sflag:s23] =	ssyncadd.s32 $0xFFFFFFFF  }
0xa7: {  	s26 =	simm.s32 $execute0_lowered;
	[smem:$0x3FD2] =	sst s25  }
0xa8: {  	s7 =	sshll.u32 s26, $0x1;
	_ =	strace $0x80000046;
	[dreg:$0x1] =	wrdreg $0xFFFFFFFF  }
0xa9: {  	s28 =	simm.s32 $_size_execute0_lowered;
	s5 =	sadd.s32 s5, s7;
	[dreg:$0x0] =	wrdreg $0x0  }
0xaa: {  	s7 =	sshll.u32 s28, $0x1;
	[dreg:$0x2] =	wrdreg s5  }
0xab: {  	[dreg:$0x3] =	wrdreg s7  }
0xac: {  	[dreg:$0x4] =	wrdreg $0xC0  }
0xad: {  	_ =	task [dreg:s9], $0x5FFFF  }
0xae: {  	[dreg:$0x1] =	wrdreg $0xFFFFFFFF  }
0xaf: {  	[dreg:$0x0] =	wrdreg $0x60  }
0xb0: {  	[dreg:$0x2] =	wrdreg s2  }
0xb1: {  	[dreg:$0x3] =	wrdreg s18  }
0xb2: {  	[dreg:$0x4] =	wrdreg s4  }
0xb3: {  	[dreg:$0x5] =	wrdreg s24  }
0xb4: {  	[dreg:$0x6] =	wrdreg $0x9  }
0xb5: {  	_ =	task.clear_ibuf [dreg:s9], $0x7FFFF;
	_ =	strace $0x90000046  }
0xb6: {  	s29 =	simm.s32 $0x9;
	_ =	strace $0x80000048  }
0xb7: {  	_ =	swait.ge [sflag:s29], $0x1  }
0xb8: {  	[sflag:s29] =	ssyncadd.s32 $0xFFFFFFFF  }
0xb9: {  	_ =	strace $0x90000048  }
0xba: {  	_ =	sfence  }
0xbb: {  	s30 =	sld [smem:$0x0];
	_ =	sdelay $0x2  }
0xbc: {  	s31 =	sshll.u32 s1, $0xD;
	s1 =	sshrl.u32 s1, $0x2  }
0xbd: {  	s3 =	sand.u32 $0x4000, s31;
	s1 =	sadd.s32 s1, s30  }
0xbe: {  	s0 =	sor.u32 s3, s0;
	s1 =	sshll.u32 s1, $0x11  }
0xbf: {  	s0 =	sor.u32 s1, s0  }
0xc0: {  	s0 =	sadd.s32 $0x8F2B, s0  }
0xc1: {  	[sflag:s0] =	ssyncadd.remote.s32 $0x1  }
0xc2: {  	_ =	sfence.sel $0xFFFF  }
0xc3: {  	[dreg:$0x0] =	wrdreg $0xFFFFFFFF;
	(pc) =	sbr.abs _section_cstart, $3  }
0xc4: {  	[dreg:$0x1] =	wrdreg $0xFFFFFFFF  }
0xc5: {  	_ =	task.clear_ibuf [dreg:s9], $0x2FFFF;
	_ =	strace $0x9FFFFFFF  }
0xc6: {  	(tm) =	ssettm $0x7FFFFFFF  }
0xc7: {  	_ =	shalt  }
tec
execute0_lowered:
.L_overlay_start_1:
0x0: {  	(tag) =	ssettag $0x1  }
0x1: {  	s7 =	rddreg [dreg:$0x0]  }
0x2: {  	s6 =	rddreg [dreg:$0x3];
	s4 =	srdreg.scid  }
0x3: {  	s0 =	stileid.u32;
	s12 =	simm.s32 $0x4600;
	s13 =	simm.s32 $0x80  }
0x4: {  	s14 =	simm.s32 $0x400;
	s15 =	simm.s32 $0x10680;
	s16 =	simm.s32 $0x14680  }
0x5: {  	v0 =	vlaneseq.u32;
	v34 =	vimm.s32 $0x5;
	s17 =	simm.s32 $0x1;
	s18 =	simm.s32 $0x2;
	s19 =	simm.s32 $0x0  }
0x6: {  	v35 =	vimm.s32 $0x0;
	v36 =	vimm.s32 $0x1;
	v37 =	vimm.s32 $0x2;
	s5 =	sand.u32 $0x1, s4;
	s4 =	simm.s32 $0x0;
	s8 =	sshll.u32 s0, $0x7  }
0x7: {  	v38 =	vimm.s32 $0x3;
	v39 =	vimm.s32 $0x4;
	v40 =	vimm.s32 $0x6;
	s6 =	sadd.s32 $0x800, s6;
	s9 =	sshll.u32 s5, $0x6;
	s10 =	ssub.s32 $0x2, s5  }
0x8: {  	v41 =	vimm.s32 $0x7;
	v27 =	vimm.s32 $0x9;
	v31 =	vimm.s32 $0xA;
	[smem:$0x7FF] =	sst s4;
	s5 =	sor.u32 s9, s8;
	s31 =	sshrl.u32 s10, $0x1  }
0x9: {  	v51 =	vimm.s32 $0xB;
	v53 =	vimm.s32 $0xC;
	v55 =	vimm.s32 $0xD;
	_ =	strace $0x80000047;
	s9 =	sshll.u32 s5, $0x6;
	s8 =	ssub.s32 s10, s31  }
0xa: {  	v43 =	vimm.s32 $0xE;
	v46 =	vimm.s32 $0xF;
	v3 =	vor.u32 $0x10, v0;
	s7 =	sadd.s32 s7, s9;
	s8 =	smax.u32 s8, $0x1;
	s9 =	simm.s32 $0x3  }
.LBB2_1:
0xb: {  	s0 =	rddreg [dreg:$0x1]  }
0xc: {  	[tilespmem:s4], [sflag:$0x3] =	stream.linear.gather [hbm4b:s0+s4], $0x200, $0x38;
	[tilespmem:$0x18680] =	vst v63  }
0xd: {  	_ =	swait.ge [sflag:s9], $0x200  }
0xe: {  	[sflag:s9] =	ssyncset.done $0x0  }
0xf: {  	[sflag:s9] =	ssyncadd.s32 $0xFFFFFE00  }
0x10: {  	s1 =	simm.s32 $0x200;
	s30 =	rddreg [dreg:$0x2]  }
0x11: {  	[tilespmem:s1], [sflag:$0x3] =	stream.linear.gather [hbm4b:s30+s4], $0x4080, $0x38;
	[tilespmem:$0x18680] =	vst v63  }
0x12: {  	_ =	swait.ge [sflag:s9], $0x4080  }
0x13: {  	[sflag:s9] =	ssyncset.done $0x0  }
0x14: {  	s31 =	simm.s32 $0x8680;
	[sflag:s9] =	ssyncadd.s32 $0xFFFFBF80  }
0x15: {  	[tilespmem:s31], [sflag:$0x3] =	stream.linear.gather [hbm4b:s7+s4], $0x8000, $0x38;
	[tilespmem:$0x18680] =	vst v63  }
0x16: {  	_ =	swait.ge [sflag:s9], $0x8000  }
0x17: {  	[sflag:s9] =	ssyncset.done $0x0  }
0x18: {  	[sflag:s9] =	ssyncadd.s32 $0xFFFF8000  }
0x19: {  	v2 =	vld [tilespmem:$0x0]  }
0x1a: {  	s20 =	simm.s32 $0x210;
	v1 =	vld [tilespmem:$0x10]  }
0x1b: {  	s22 =	simm.s32 $0x80;
	s21 =	simm.s32 $0x0;
	v4 =	vld [tilespmem:s20+$0xFFFFFFF0]  }
.LBB2_2:
0x1c: {  	p0 =	sne.s32 s22, $0x4000;
	_ =	sdelay $0x3  }
0x1d: {  	v4 =	vadd.f32 v4, v2  }
0x1e: {  	s23 =	sshra.s32 s21, $0x2;
	s21 =	smov.u32 s22  }
0x1f: {  	[tilespmem:s23+$0x4600] =	vst v4  }
0x20: {  	v4 =	vld [tilespmem:s20+$0x0];
	_ =	sdelay $0x3  }
.Ltmp0:
0x21: {  	(pc) =	sbr.rel @p0 .LBB2_2-.Ltmp0, $3  }
0x22: {  	v4 =	vadd.f32 v4, v1;
	_ =	sdelay $0x1  }
0x23: {  	s20 =	sadd.s32 $0x80, s20;
	[tilespmem:s23+$0x4610] =	vst v4  }
0x24: {  	s22 =	sadd.s32 $0x80, s22;
	v4 =	vld [tilespmem:s20+$0xFFFFFFF0]  }
0x25: {  	_ =	sdelay $0x3  }
0x26: {  	v2 =	vadd.f32 v4, v2  }
0x27: {  	s21 =	sshra.s32 s21, $0x2  }
0x28: {  	[tilespmem:s21+$0x4600] =	vst v2  }
0x29: {  	v2 =	vld [tilespmem:s20+$0x0];
	_ =	sdelay $0x4  }
0x2a: {  	v1 =	vadd.f32 v2, v1;
	_ =	sdelay $0x1  }
0x2b: {  	[tilespmem:s21+$0x4610] =	vst v1  }
0x2c: {  	s31 =	simm.s32 $0x0;
	v1 =	vld [tilespmem:$0x80]  }
0x2d: {  	v2 =	vld [tilespmem:s31+$0x200];
	_ =	sdelay $0x4  }
0x2e: {  	v4 =	vadd.f32 v2, v1  }
0x2f: {  	s20 =	simm.s32 $0x5630  }
0x30: {  	v2 =	vld [tilespmem:$0x90];
	[tilespmem:s20+$0xFFFFFFF0] =	vst v4  }
0x31: {  	v4 =	vld [tilespmem:s31+$0x210];
	_ =	sdelay $0x4  }
0x32: {  	v4 =	vadd.f32 v4, v2;
	_ =	sdelay $0x1  }
0x33: {  	s22 =	simm.s32 $0x80;
	s21 =	simm.s32 $0x400;
	[tilespmem:s20+$0x0] =	vst v4  }
.LBB2_4:
0x34: {  	p0 =	sne.s32 s21, $0x10000;
	v4 =	vld [tilespmem:s22+$0x200];
	_ =	sdelay $0x4  }
0x35: {  	v4 =	vadd.f32 v4, v1  }
0x36: {  	s20 =	sadd.s32 $0x20, s20  }
0x37: {  	[tilespmem:s20+$0xFFFFFFF0] =	vst v4  }
0x38: {  	v4 =	vld [tilespmem:s22+$0x210];
	_ =	sdelay $0x2  }
.Ltmp1:
0x39: {  	(pc) =	sbr.rel @p0 .LBB2_4-.Ltmp1, $3  }
0x3a: {  	_ = 	snop  }
0x3b: {  	v4 =	vadd.f32 v4, v2;
	_ =	sdelay $0x1  }
0x3c: {  	s22 =	sshra.s32 s21, $0x2;
	s21 =	sadd.s32 $0x200, s21;
	[tilespmem:s20+$0x0] =	vst v4  }
0x3d: {  	v4 =	vld [tilespmem:s22+$0x200];
	_ =	sdelay $0x4  }
0x3e: {  	v1 =	vadd.f32 v4, v1  }
0x3f: {  	s20 =	sadd.s32 $0x20, s20  }
0x40: {  	[tilespmem:s20+$0xFFFFFFF0] =	vst v1  }
0x41: {  	v1 =	vld [tilespmem:s22+$0x210];
	_ =	sdelay $0x4  }
0x42: {  	v1 =	vadd.f32 v1, v2;
	_ =	sdelay $0x1  }
0x43: {  	[tilespmem:s20+$0x0] =	vst v1  }
0x44: {  	s21 =	simm.s32 $0x0;
	v1 =	vld [tilespmem:$0x100]  }
0x45: {  	v2 =	vld [tilespmem:s21+$0x200];
	_ =	sdelay $0x4  }
0x46: {  	v4 =	vadd.f32 v2, v1  }
0x47: {  	s20 =	simm.s32 $0x6650  }
0x48: {  	v2 =	vld [tilespmem:$0x110];
	[tilespmem:s20+$0xFFFFFFF0] =	vst v4  }
0x49: {  	v4 =	vld [tilespmem:s21+$0x210];
	_ =	sdelay $0x4  }
0x4a: {  	v4 =	vadd.f32 v4, v2;
	_ =	sdelay $0x1  }
0x4b: {  	s22 =	simm.s32 $0x80;
	s21 =	simm.s32 $0x400;
	[tilespmem:s20+$0x0] =	vst v4  }
.LBB2_6:
0x4c: {  	p0 =	sne.s32 s21, $0x10000;
	v4 =	vld [tilespmem:s22+$0x200];
	_ =	sdelay $0x4  }
0x4d: {  	v4 =	vadd.f32 v4, v1  }
0x4e: {  	s20 =	sadd.s32 $0x20, s20  }
0x4f: {  	[tilespmem:s20+$0xFFFFFFF0] =	vst v4  }
0x50: {  	v4 =	vld [tilespmem:s22+$0x210];
	_ =	sdelay $0x2  }
.Ltmp2:
0x51: {  	(pc) =	sbr.rel @p0 .LBB2_6-.Ltmp2, $3  }
0x52: {  	_ = 	snop  }
0x53: {  	v4 =	vadd.f32 v4, v2;
	_ =	sdelay $0x1  }
0x54: {  	s22 =	sshra.s32 s21, $0x2;
	s21 =	sadd.s32 $0x200, s21;
	[tilespmem:s20+$0x0] =	vst v4  }
0x55: {  	v4 =	vld [tilespmem:s22+$0x200];
	_ =	sdelay $0x4  }
0x56: {  	v1 =	vadd.f32 v4, v1  }
0x57: {  	s20 =	sadd.s32 $0x20, s20  }
0x58: {  	[tilespmem:s20+$0xFFFFFFF0] =	vst v1  }
0x59: {  	v1 =	vld [tilespmem:s22+$0x210];
	_ =	sdelay $0x4  }
0x5a: {  	v1 =	vadd.f32 v1, v2;
	_ =	sdelay $0x1  }
0x5b: {  	[tilespmem:s20+$0x0] =	vst v1  }
0x5c: {  	s31 =	simm.s32 $0x0;
	v1 =	vld [tilespmem:$0x180]  }
0x5d: {  	v2 =	vld [tilespmem:s31+$0x200];
	_ =	sdelay $0x4  }
0x5e: {  	v4 =	vadd.f32 v2, v1  }
0x5f: {  	s21 =	simm.s32 $0x7670  }
0x60: {  	v2 =	vld [tilespmem:$0x190];
	[tilespmem:s21+$0xFFFFFFF0] =	vst v4  }
0x61: {  	v4 =	vld [tilespmem:s31+$0x210];
	_ =	sdelay $0x4  }
0x62: {  	v4 =	vadd.f32 v4, v2;
	_ =	sdelay $0x1  }
0x63: {  	s23 =	simm.s32 $0x80;
	s22 =	simm.s32 $0x400;
	s20 =	simm.s32 $0x0;
	[tilespmem:s21+$0x0] =	vst v4  }
.LBB2_8:
0x64: {  	p0 =	sne.s32 s22, $0x10000;
	v4 =	vld [tilespmem:s23+$0x200];
	_ =	sdelay $0x4  }
0x65: {  	v4 =	vadd.f32 v4, v1  }
0x66: {  	s21 =	sadd.s32 $0x20, s21  }
0x67: {  	[tilespmem:s21+$0xFFFFFFF0] =	vst v4  }
0x68: {  	v4 =	vld [tilespmem:s23+$0x210];
	_ =	sdelay $0x2  }
.Ltmp3:
0x69: {  	(pc) =	sbr.rel @p0 .LBB2_8-.Ltmp3, $3  }
0x6a: {  	_ = 	snop  }
0x6b: {  	v4 =	vadd.f32 v4, v2;
	_ =	sdelay $0x1  }
0x6c: {  	s23 =	sshra.s32 s22, $0x2;
	s22 =	sadd.s32 $0x200, s22;
	[tilespmem:s21+$0x0] =	vst v4  }
0x6d: {  	v4 =	vld [tilespmem:s23+$0x200];
	_ =	sdelay $0x4  }
0x6e: {  	v1 =	vadd.f32 v4, v1  }
0x6f: {  	s21 =	sadd.s32 $0x20, s21  }
0x70: {  	[tilespmem:s21+$0xFFFFFFF0] =	vst v1  }
0x71: {  	v1 =	vld [tilespmem:s23+$0x210];
	_ =	sdelay $0x4  }
0x72: {  	v1 =	vadd.f32 v1, v2;
	_ =	sdelay $0x1  }
0x73: {  	[tilespmem:s21+$0x0] =	vst v1  }
.LBB2_10:
0x74: {  	s21 =	sshll.u32 s20, $0x8  }
0x75: {  	s21 =	sand.u32 $0x300, s21  }
0x76: {  	s22 =	sshll.u32 s20, $0x1;
	p0 =	seq.s32 s20, $0x0;
	s23 =	sshll.u32 s20, $0xA;
	v26 =	vmov s21  }
0x77: {  	s3 =	simm.s32 $0x0;
	s24 =	simm.s32 @!p0 $0x1;
	s2 =	sand.u32 $0x7000, s23  }
0x78: {  	s25 =	sand.u32 $0xC00, s3;
	_ =	swait.ge @!p0 [sflag:s24], $0x4000;
	s21 =	sor.u32 $0x8680, s2  }
0x79: {  	s10 =	sand.u32 $0x40, s3;
	[sflag:s24] =	ssyncset.done @!p0 $0x0;
	s26 =	sadd.s32 s25, s21  }
0x7a: {  	s23 =	sor.u32 s5, s22;
	[sflag:s24] =	ssyncadd.s32 @!p0 $0xFFFFC000;
	s11 =	sadd.s32 s10, s26  }
0x7b: {  	s25 =	sand.u32 $0x1FE, s23;
	v1 =	vld.idx.msk [tilespmem:v26+s11+$0x0 ss:$0x1], $0xffff  }
0x7c: {  	s24 =	ssub.s32 $0x0, s25  }
0x7d: {  	v2 =	vadd.s32 s24, v0  }
0x7e: {  	vm0 =	vgt.s32 v2, $0xFFFFFFC0  }
0x7f: {  	v2 =	vnsel vm0, $0xFFFFFFC0, v2  }
0x80: {  	s0 =	simm.s32 $0x30;
	vm0 =	vlt.s32 v2, $0x40;
	v1 =	vmul.u32 $0x81, v1  }
0x81: {  	s22 =	sand.u32 $0x70, s0;
	v2 =	vnsel vm0, $0x40, v2  }
0x82: {  	s22 =	sadd.s32 s22, s26;
	v1 =	vadd.s32 v1, v2  }
0x83: {  	v2 =	vld.idx.msk [tilespmem:v26+s22+$0x0 ss:$0x1], $0xffff;
	v1 =	vadd.s32 $0x40, v1  }
0x84: {  	s1 =	ssub.s32 $0x30, s25;
	v19 =	vshll.u32 v1, $0x5  }
0x85: {  	v1 =	vadd.s32 s1, v0;
	v4 =	vperm.xlane v19, v35  }
0x86: {  	vm9 =	vgt.s32 v1, $0xFFFFFFC0  }
0x87: {  	v1 =	vnsel vm9, $0xFFFFFFC0, v1;
	v5 =	vadd.s32 v0, v4  }
0x88: {  	s2 =	simm.s32 $0x10;
	vm0 =	vlt.s32 v1, $0x40;
	v2 =	vmul.u32 $0x81, v2  }
0x89: {  	s22 =	sand.u32 $0x50, s2;
	v1 =	vnsel vm0, $0x40, v1  }
0x8a: {  	s22 =	sadd.s32 s22, s26;
	v1 =	vadd.s32 v2, v1  }
0x8b: {  	v2 =	vld.idx.msk [tilespmem:v26+s22+$0x0 ss:$0x1], $0xffff;
	v1 =	vshll.u32 v1, $0x5  }
0x8c: {  	v21 =	vadd.s32 $0x800, v1;
	v1 =	vld.idx.msk [tilespmem:v5+s12+$0x0], $0xffff  }
0x8d: {  	s3 =	ssub.s32 $0x10, s25;
	v4 =	vadd.s32 v3, v4;
	v5 =	vperm.xlane v21, v35  }
0x8e: {  	s10 =	simm.s32 $0x20;
	v6 =	vadd.s32 s3, v0  }
0x8f: {  	vm10 =	vgt.s32 v6, $0xFFFFFFC0;
	s11 =	sand.u32 $0x60, s10;
	v7 =	vadd.s32 v0, v5  }
0x90: {  	s24 =	simm.s32 $0x10A80;
	v6 =	vnsel vm10, $0xFFFFFFC0, v6;
	s22 =	sadd.s32 s11, s26  }
0x91: {  	v9 =	vperm.xlane v19, v36;
	vm0 =	vlt.s32 v6, $0x40;
	v8 =	vld.idx.msk [tilespmem:v26+s22+$0x0 ss:$0x1], $0xffff;
	v2 =	vmul.u32 $0x81, v2;
	[tilespmem:s24+$0xFFFFFC00] =	vst v1  }
0x92: {  	s0 =	ssub.s32 $0x20, s25;
	v1 =	vnsel vm0, $0x40, v6;
	v4 =	vld.idx.msk [tilespmem:v4+s12+$0x0], $0xffff  }
0x93: {  	v6 =	vadd.s32 s0, v0;
	v1 =	vadd.s32 v2, v1;
	v2 =	vadd.s32 v0, v9  }
0x94: {  	vm11 =	vgt.s32 v6, $0xFFFFFFC0;
	v1 =	vshll.u32 v1, $0x5;
	v7 =	vld.idx.msk [tilespmem:v7+s12+$0x0], $0xffff  }
0x95: {  	v6 =	vnsel vm11, $0xFFFFFFC0, v6;
	v22 =	vadd.s32 $0x800, v1;
	v1 =	vadd.s32 v3, v5  }
0x96: {  	vm0 =	vlt.s32 v6, $0x40;
	v5 =	vmul.u32 $0x81, v8;
	v8 =	vperm.xlane v22, v35  }
0x97: {  	v6 =	vnsel vm0, $0x40, v6;
	[tilespmem:s24+$0xFFFFFC10] =	vst v4  }
0x98: {  	v4 =	vadd.s32 v5, v6;
	v5 =	vadd.s32 v0, v8;
	v2 =	vld.idx.msk [tilespmem:v2+s12+$0x0], $0xffff  }
0x99: {  	v6 =	vperm.xlane v21, v36;
	v4 =	vshll.u32 v4, $0x5;
	[tilespmem:s24+$0x200] =	vst v7;
	v7 =	vadd.s32 v3, v9  }
0x9a: {  	v20 =	vadd.s32 $0x800, v4;
	v1 =	vld.idx.msk [tilespmem:v1+s12+$0x0], $0xffff  }
0x9b: {  	v9 =	vadd.s32 v0, v6;
	v4 =	vperm.xlane v20, v35;
	_ =	sdelay $0x1  }
0x9c: {  	v10 =	vperm.xlane v19, v37;
	v11 =	vadd.s32 v0, v4;
	v5 =	vld.idx.msk [tilespmem:v5+s12+$0x0], $0xffff;
	[tilespmem:s24+$0xFFFFFC20] =	vst v2  }
0x9d: {  	v2 =	vadd.s32 v3, v8;
	v7 =	vld.idx.msk [tilespmem:v7+s12+$0x0], $0xffff  }
0x9e: {  	[tilespmem:s24+$0x210] =	vst v1;
	v1 =	vadd.s32 v0, v10  }
0x9f: {  	v8 =	vld.idx.msk [tilespmem:v9+s12+$0x0], $0xffff  }
0xa0: {  	v6 =	vadd.s32 v3, v6  }
0xa1: {  	v9 =	vperm.xlane v22, v36;
	v11 =	vld.idx.msk [tilespmem:v11+s12+$0x0], $0xffff;
	[tilespmem:s24+$0xFFFFFE00] =	vst v5  }
0xa2: {  	v4 =	vadd.s32 v3, v4;
	v2 =	vld.idx.msk [tilespmem:v2+s12+$0x0], $0xffff;
	[tilespmem:s24+$0xFFFFFC30] =	vst v7  }
0xa3: {  	v5 =	vadd.s32 v0, v9;
	v1 =	vld.idx.msk [tilespmem:v1+s12+$0x0], $0xffff  }
0xa4: {  	v7 =	vperm.xlane v21, v37;
	[tilespmem:s24+$0x220] =	vst v8;
	v8 =	vadd.s32 v3, v10  }
0xa5: {  	v6 =	vld.idx.msk [tilespmem:v6+s12+$0x0], $0xffff  }
0xa6: {  	v10 =	vperm.xlane v20, v36;
	[tilespmem:s24+$0x0] =	vst v11;
	v11 =	vadd.s32 v0, v7  }
0xa7: {  	v4 =	vld.idx.msk [tilespmem:v4+s12+$0x0], $0xffff;
	[tilespmem:s24+$0xFFFFFE10] =	vst v2  }
0xa8: {  	v12 =	vadd.s32 v0, v10;
	v2 =	vperm.xlane v19, v38;
	v5 =	vld.idx.msk [tilespmem:v5+s12+$0x0], $0xffff;
	[tilespmem:s24+$0xFFFFFC40] =	vst v1  }
0xa9: {  	v1 =	vadd.s32 v3, v9;
	v8 =	vld.idx.msk [tilespmem:v8+s12+$0x0], $0xffff  }
0xaa: {  	[tilespmem:s24+$0x230] =	vst v6;
	v6 =	vadd.s32 v0, v2  }
0xab: {  	v9 =	vld.idx.msk [tilespmem:v11+s12+$0x0], $0xffff  }
0xac: {  	[tilespmem:s24+$0x10] =	vst v4;
	v4 =	vadd.s32 v3, v7  }
0xad: {  	v7 =	vperm.xlane v22, v37;
	v11 =	vld.idx.msk [tilespmem:v12+s12+$0x0], $0xffff;
	[tilespmem:s24+$0xFFFFFE20] =	vst v5  }
0xae: {  	v5 =	vadd.s32 v3, v10;
	v1 =	vld.idx.msk [tilespmem:v1+s12+$0x0], $0xffff;
	[tilespmem:s24+$0xFFFFFC50] =	vst v8  }
0xaf: {  	v8 =	vadd.s32 v0, v7;
	v6 =	vld.idx.msk [tilespmem:v6+s12+$0x0], $0xffff  }
0xb0: {  	v2 =	vadd.s32 v3, v2;
	v10 =	vperm.xlane v21, v38;
	[tilespmem:s24+$0x240] =	vst v9  }
0xb1: {  	v4 =	vld.idx.msk [tilespmem:v4+s12+$0x0], $0xffff  }
0xb2: {  	v9 =	vperm.xlane v20, v37;
	[tilespmem:s24+$0x20] =	vst v11;
	v11 =	vadd.s32 v0, v10  }
0xb3: {  	v5 =	vld.idx.msk [tilespmem:v5+s12+$0x0], $0xffff;
	[tilespmem:s24+$0xFFFFFE30] =	vst v1  }
0xb4: {  	v12 =	vadd.s32 v0, v9;
	v1 =	vperm.xlane v19, v39;
	v8 =	vld.idx.msk [tilespmem:v8+s12+$0x0], $0xffff;
	[tilespmem:s24+$0xFFFFFC60] =	vst v6  }
0xb5: {  	v6 =	vadd.s32 v3, v7;
	v2 =	vld.idx.msk [tilespmem:v2+s12+$0x0], $0xffff  }
0xb6: {  	[tilespmem:s24+$0x250] =	vst v4;
	v4 =	vadd.s32 v0, v1  }
0xb7: {  	v7 =	vld.idx.msk [tilespmem:v11+s12+$0x0], $0xffff  }
0xb8: {  	[tilespmem:s24+$0x30] =	vst v5;
	v5 =	vadd.s32 v3, v10  }
0xb9: {  	v10 =	vperm.xlane v22, v38;
	v11 =	vld.idx.msk [tilespmem:v12+s12+$0x0], $0xffff;
	[tilespmem:s24+$0xFFFFFE40] =	vst v8  }
0xba: {  	v8 =	vadd.s32 v3, v9;
	v6 =	vld.idx.msk [tilespmem:v6+s12+$0x0], $0xffff;
	[tilespmem:s24+$0xFFFFFC70] =	vst v2  }
0xbb: {  	v2 =	vadd.s32 v0, v10;
	v4 =	vld.idx.msk [tilespmem:v4+s12+$0x0], $0xffff  }
0xbc: {  	v1 =	vadd.s32 v3, v1;
	v9 =	vperm.xlane v21, v39;
	[tilespmem:s24+$0x260] =	vst v7  }
0xbd: {  	v5 =	vld.idx.msk [tilespmem:v5+s12+$0x0], $0xffff  }
0xbe: {  	v7 =	vperm.xlane v20, v38;
	[tilespmem:s24+$0x40] =	vst v11;
	v11 =	vadd.s32 v0, v9  }
0xbf: {  	v8 =	vld.idx.msk [tilespmem:v8+s12+$0x0], $0xffff;
	[tilespmem:s24+$0xFFFFFE50] =	vst v6  }
0xc0: {  	v12 =	vadd.s32 v0, v7;
	v6 =	vperm.xlane v19, v34;
	v2 =	vld.idx.msk [tilespmem:v2+s12+$0x0], $0xffff;
	[tilespmem:s24+$0xFFFFFC80] =	vst v4  }
0xc1: {  	v4 =	vadd.s32 v3, v10;
	v1 =	vld.idx.msk [tilespmem:v1+s12+$0x0], $0xffff  }
0xc2: {  	[tilespmem:s24+$0x270] =	vst v5;
	v5 =	vadd.s32 v0, v6  }
0xc3: {  	v10 =	vld.idx.msk [tilespmem:v11+s12+$0x0], $0xffff  }
0xc4: {  	[tilespmem:s24+$0x50] =	vst v8;
	v8 =	vadd.s32 v3, v9  }
0xc5: {  	v9 =	vperm.xlane v22, v39;
	v11 =	vld.idx.msk [tilespmem:v12+s12+$0x0], $0xffff;
	[tilespmem:s24+$0xFFFFFE60] =	vst v2  }
0xc6: {  	v2 =	vadd.s32 v3, v7;
	v4 =	vld.idx.msk [tilespmem:v4+s12+$0x0], $0xffff;
	[tilespmem:s24+$0xFFFFFC90] =	vst v1  }
0xc7: {  	v1 =	vadd.s32 v0, v9;
	v5 =	vld.idx.msk [tilespmem:v5+s12+$0x0], $0xffff  }
0xc8: {  	v6 =	vadd.s32 v3, v6;
	v7 =	vperm.xlane v21, v34;
	[tilespmem:s24+$0x280] =	vst v10  }
0xc9: {  	v8 =	vld.idx.msk [tilespmem:v8+s12+$0x0], $0xffff  }
0xca: {  	v10 =	vperm.xlane v20, v39;
	[tilespmem:s24+$0x60] =	vst v11;
	v11 =	vadd.s32 v0, v7  }
0xcb: {  	v2 =	vld.idx.msk [tilespmem:v2+s12+$0x0], $0xffff;
	[tilespmem:s24+$0xFFFFFE70] =	vst v4  }
0xcc: {  	v12 =	vadd.s32 v0, v10;
	v4 =	vperm.xlane v19, v40;
	v1 =	vld.idx.msk [tilespmem:v1+s12+$0x0], $0xffff;
	[tilespmem:s24+$0xFFFFFCA0] =	vst v5  }
0xcd: {  	v5 =	vadd.s32 v3, v9;
	v6 =	vld.idx.msk [tilespmem:v6+s12+$0x0], $0xffff  }
0xce: {  	[tilespmem:s24+$0x290] =	vst v8;
	v8 =	vadd.s32 v0, v4  }
0xcf: {  	v9 =	vld.idx.msk [tilespmem:v11+s12+$0x0], $0xffff  }
0xd0: {  	[tilespmem:s24+$0x70] =	vst v2;
	v2 =	vadd.s32 v3, v7  }
0xd1: {  	v7 =	vperm.xlane v22, v34;
	v11 =	vld.idx.msk [tilespmem:v12+s12+$0x0], $0xffff;
	[tilespmem:s24+$0xFFFFFE80] =	vst v1  }
0xd2: {  	v1 =	vadd.s32 v3, v10;
	v5 =	vld.idx.msk [tilespmem:v5+s12+$0x0], $0xffff;
	[tilespmem:s24+$0xFFFFFCB0] =	vst v6  }
0xd3: {  	v6 =	vadd.s32 v0, v7;
	v8 =	vld.idx.msk [tilespmem:v8+s12+$0x0], $0xffff  }
0xd4: {  	v4 =	vadd.s32 v3, v4;
	v10 =	vperm.xlane v21, v40;
	[tilespmem:s24+$0x2A0] =	vst v9  }
0xd5: {  	v2 =	vld.idx.msk [tilespmem:v2+s12+$0x0], $0xffff  }
0xd6: {  	v9 =	vperm.xlane v20, v34;
	[tilespmem:s24+$0x80] =	vst v11;
	v11 =	vadd.s32 v0, v10  }
0xd7: {  	v1 =	vld.idx.msk [tilespmem:v1+s12+$0x0], $0xffff;
	[tilespmem:s24+$0xFFFFFE90] =	vst v5  }
0xd8: {  	v12 =	vadd.s32 v0, v9;
	v5 =	vperm.xlane v19, v41;
	v6 =	vld.idx.msk [tilespmem:v6+s12+$0x0], $0xffff;
	[tilespmem:s24+$0xFFFFFCC0] =	vst v8  }
0xd9: {  	v7 =	vadd.s32 v3, v7;
	v4 =	vld.idx.msk [tilespmem:v4+s12+$0x0], $0xffff  }
0xda: {  	[tilespmem:s24+$0x2B0] =	vst v2;
	v2 =	vadd.s32 v0, v5  }
0xdb: {  	v8 =	vld.idx.msk [tilespmem:v11+s12+$0x0], $0xffff  }
0xdc: {  	[tilespmem:s24+$0x90] =	vst v1;
	v1 =	vadd.s32 v3, v10  }
0xdd: {  	v11 =	vld.idx.msk [tilespmem:v12+s12+$0x0], $0xffff;
	[tilespmem:s24+$0xFFFFFEA0] =	vst v6  }
0xde: {  	v6 =	vadd.s32 v3, v9;
	v7 =	vld.idx.msk [tilespmem:v7+s12+$0x0], $0xffff;
	[tilespmem:s24+$0xFFFFFCD0] =	vst v4  }
0xdf: {  	v10 =	vperm.xlane v22, v40;
	v2 =	vld.idx.msk [tilespmem:v2+s12+$0x0], $0xffff  }
0xe0: {  	v5 =	vadd.s32 v3, v5;
	v9 =	vperm.xlane v21, v41;
	[tilespmem:s24+$0x2C0] =	vst v8  }
0xe1: {  	v4 =	vadd.s32 v0, v10;
	v1 =	vld.idx.msk [tilespmem:v1+s12+$0x0], $0xffff  }
0xe2: {  	v8 =	vperm.xlane v20, v40;
	[tilespmem:s24+$0xA0] =	vst v11;
	v11 =	vadd.s32 v0, v9  }
0xe3: {  	v42 =	vimm.s32 $0x8;
	v6 =	vld.idx.msk [tilespmem:v6+s12+$0x0], $0xffff;
	[tilespmem:s24+$0xFFFFFEB0] =	vst v7  }
0xe4: {  	v12 =	vadd.s32 v0, v8;
	v7 =	vperm.xlane v19, v42;
	[tilespmem:s24+$0xFFFFFCE0] =	vst v2  }
0xe5: {  	v5 =	vld.idx.msk [tilespmem:v5+s12+$0x0], $0xffff  }
0xe6: {  	s1 =	simm.s32 $0x200;
	v4 =	vld.idx.msk [tilespmem:v4+s12+$0x0], $0xffff;
	[tilespmem:s24+$0x2D0] =	vst v1;
	v1 =	vadd.s32 v0, v7  }
0xe7: {  	s28 =	simm.s32 $0x40;
	s22 =	sand.u32 $0xC00, s1;
	v2 =	vadd.s32 v3, v10;
	v10 =	vld.idx.msk [tilespmem:v11+s12+$0x0], $0xffff  }
0xe8: {  	s28 =	sand.u32 $0x40, s28;
	s22 =	sadd.s32 s22, s21;
	[tilespmem:s24+$0xB0] =	vst v6;
	v6 =	vadd.s32 v3, v9  }
0xe9: {  	s10 =	sadd.s32 s28, s22;
	v11 =	vld.idx.msk [tilespmem:v12+s12+$0x0], $0xffff  }
0xea: {  	s31 =	ssub.s32 $0x60, s25;
	v17 =	vld.idx.msk [tilespmem:v26+s10+$0x0 ss:$0x1], $0xffff;
	[tilespmem:s24+$0xFFFFFCF0] =	vst v5  }
0xeb: {  	v23 =	vadd.s32 s31, v0;
	[tilespmem:s24+$0xFFFFFEC0] =	vst v4;
	v1 =	vld.idx.msk [tilespmem:v1+s12+$0x0], $0xffff  }
0xec: {  	s29 =	simm.s32 $0x50;
	s3 =	ssub.s32 $0x50, s25;
	v7 =	vadd.s32 v3, v7;
	v4 =	vadd.s32 v3, v8;
	v8 =	vperm.xlane v21, v42;
	[tilespmem:s24+$0x2E0] =	vst v10  }
0xed: {  	s29 =	sand.u32 $0x50, s29;
	v16 =	vadd.s32 s3, v0;
	vm15 =	vgt.s32 v23, $0xFFFFFFC0;
	s28 =	simm.s32 $0x70;
	v9 =	vperm.xlane v22, v41;
	v6 =	vld.idx.msk [tilespmem:v6+s12+$0x0], $0xffff  }
0xee: {  	vm13 =	vgt.s32 v16, $0xFFFFFFC0;
	v23 =	vnsel vm15, $0xFFFFFFC0, v23;
	s29 =	sadd.s32 s29, s22;
	s11 =	sand.u32 $0x70, s28;
	s28 =	ssub.s32 $0x70, s25;
	v2 =	vld.idx.msk [tilespmem:v2+s12+$0x0], $0xffff;
	[tilespmem:s24+$0xC0] =	vst v11;
	v11 =	vadd.s32 v0, v8  }
0xef: {  	v16 =	vnsel vm13, $0xFFFFFFC0, v16;
	v25 =	vld.idx.msk [tilespmem:v26+s29+$0x0 ss:$0x1], $0xffff;
	s26 =	sadd.s32 s11, s22;
	v18 =	vadd.s32 s28, v0;
	v5 =	vadd.s32 v0, v9  }
0xf0: {  	v14 =	vperm.xlane v19, v31;
	v24 =	vld.idx.msk [tilespmem:v26+s26+$0x0 ss:$0x1], $0xffff;
	vm14 =	vgt.s32 v18, $0xFFFFFFC0;
	v12 =	vperm.xlane v19, v27;
	[tilespmem:s24+$0xFFFFFD00] =	vst v1  }
0xf1: {  	v13 =	vperm.xlane v21, v27;
	v18 =	vnsel vm14, $0xFFFFFFC0, v18;
	vm0 =	vlt.s32 v16, $0x40;
	v7 =	vld.idx.msk [tilespmem:v7+s12+$0x0], $0xffff  }
0xf2: {  	s30 =	simm.s32 $0x60;
	s2 =	ssub.s32 $0x40, s25;
	v15 =	vperm.xlane v22, v42;
	v16 =	vnsel vm0, $0x40, v16;
	v4 =	vld.idx.msk [tilespmem:v4+s12+$0x0], $0xffff;
	[tilespmem:s24+$0x2F0] =	vst v6;
	v6 =	vadd.s32 v0, v12  }
0xf3: {  	s30 =	sand.u32 $0x60, s30;
	vm0 =	vlt.s32 v18, $0x40;
	v10 =	vperm.xlane v20, v41;
	[tilespmem:s24+$0xFFFFFED0] =	vst v2;
	v2 =	vadd.s32 s2, v0;
	v11 =	vld.idx.msk [tilespmem:v11+s12+$0x0], $0xffff  }
0xf4: {  	s22 =	sadd.s32 s30, s22;
	v49 =	vnsel vm0, $0x40, v18;
	v8 =	vadd.s32 v3, v8;
	v5 =	vld.idx.msk [tilespmem:v5+s12+$0x0], $0xffff;
	vm12 =	vgt.s32 v2, $0xFFFFFFC0;
	[tilespmem:$0x1FF80] =	vst v26  }
0xf5: {  	v50 =	vadd.s32 v0, v15;
	v1 =	vadd.s32 v0, v10;
	v2 =	vnsel vm12, $0xFFFFFFC0, v2;
	v26 =	vld.idx.msk [tilespmem:v26+s22+$0x0 ss:$0x1], $0xffff  }
0xf6: {  	v9 =	vadd.s32 v3, v9;
	vm1 =	vlt.s32 v2, $0x40;
	[tilespmem:s24+$0xFFFFFD10] =	vst v7;
	v7 =	vmul.u32 $0x81, v17  }
0xf7: {  	v10 =	vadd.s32 v3, v10;
	v2 =	vnsel vm1, $0x40, v2;
	vm1 =	vlt.s32 v23, $0x40;
	v6 =	vld.idx.msk [tilespmem:v6+s12+$0x0], $0xffff  }
0xf8: {  	[tilespmem:s24+$0x300] =	vst v11;
	v11 =	vadd.s32 v3, v12;
	v2 =	vadd.s32 v7, v2;
	v7 =	vmul.u32 $0x81, v24  }
0xf9: {  	[tilespmem:s24+$0xD0] =	vst v4;
	v12 =	vadd.s32 v0, v13;
	v4 =	vld.idx.msk [tilespmem:v8+s12+$0x0], $0xffff;
	v8 =	vmul.u32 $0x81, v25;
	v2 =	vadd.s32 $0x40, v2  }
0xfa: {  	[tilespmem:s24+$0xFFFFFEE0] =	vst v5;
	v1 =	vld.idx.msk [tilespmem:v1+s12+$0x0], $0xffff;
	v52 =	vshll.u32 v2, $0x5;
	v2 =	vmul.u32 $0x81, v26;
	v5 =	vadd.s32 v7, v49  }
0xfb: {  	v7 =	vld.idx.msk [tilespmem:v9+s12+$0x0], $0xffff;
	v8 =	vadd.s32 v8, v16;
	v9 =	vperm.xlane v52, v35;
	v5 =	vshll.u32 v5, $0x5  }
0xfc: {  	v18 =	vnsel vm1, $0x40, v23;
	[tilespmem:s24+$0xFFFFFD20] =	vst v6;
	v6 =	vshll.u32 v8, $0x5;
	v32 =	vadd.s32 $0x800, v5  }
0xfd: {  	v2 =	vadd.s32 v2, v18;
	v5 =	vld.idx.msk [tilespmem:v11+s12+$0x0], $0xffff;
	v8 =	vadd.s32 v0, v9;
	v11 =	vperm.xlane v32, v35  }
0xfe: {  	v57 =	vadd.s32 v0, v14;
	v33 =	vadd.s32 $0x800, v6;
	[tilespmem:s24+$0x310] =	vst v4;
	v2 =	vshll.u32 v2, $0x5  }
0xff: {  	[tilespmem:s24+$0xE0] =	vst v1;
	v1 =	vperm.xlane v33, v35;
	v6 =	vld.idx.msk [tilespmem:v12+s12+$0x0], $0xffff;
	v54 =	vadd.s32 $0x800, v2;
	v4 =	vadd.s32 v0, v11  }
0x100: {  	v2 =	vld.idx.msk [tilespmem:v10+s12+$0x0], $0xffff;
	[tilespmem:s24+$0xFFFFFEF0] =	vst v7;
	v7 =	vadd.s32 v3, v13;
	v10 =	vperm.xlane v54, v35  }
0x101: {  	v12 =	vld.idx.msk [tilespmem:v50+s12+$0x0], $0xffff;
	v13 =	vadd.s32 v0, v1  }
0x102: {  	v8 =	vld.idx.msk [tilespmem:v8+s12+$0x0], $0xffff;
	[tilespmem:s24+$0xFFFFFD30] =	vst v5;
	v5 =	vadd.s32 v0, v10  }
0x103: {  	v9 =	vadd.s32 v3, v9;
	v58 =	vld.idx.msk [tilespmem:v57+s12+$0x0], $0xffff  }
0x104: {  	[tilespmem:s24+$0x320] =	vst v6;
	v6 =	vadd.s32 v3, v15;
	v4 =	vld.idx.msk [tilespmem:v4+s12+$0x0], $0xffff  }
0x105: {  	v14 =	vadd.s32 v3, v14;
	[tilespmem:s24+$0xF0] =	vst v2;
	v2 =	vld.idx.msk [tilespmem:v7+s12+$0x0], $0xffff  }
0x106: {  	s26 =	simm.s32 $0x11280;
	v7 =	vadd.s32 v3, v11;
	v11 =	vld.idx.msk [tilespmem:v13+s12+$0x0], $0xffff;
	[tilespmem:s24+$0xFFFFFF00] =	vst v12  }
0x107: {  	v1 =	vadd.s32 v3, v1;
	v12 =	vperm.xlane v52, v36;
	[tilespmem:s26+$0xFFFFFC00] =	vst v8;
	v5 =	vld.idx.msk [tilespmem:v5+s12+$0x0], $0xffff  }
0x108: {  	v10 =	vadd.s32 v3, v10;
	v13 =	vperm.xlane v21, v31;
	v9 =	vld.idx.msk [tilespmem:v9+s12+$0x0], $0xffff;
	[tilespmem:s24+$0xFFFFFD40] =	vst v58  }
0x109: {  	v8 =	vperm.xlane v19, v51;
	v15 =	vadd.s32 v0, v12;
	v6 =	vld.idx.msk [tilespmem:v6+s12+$0x0], $0xffff;
	[tilespmem:s26+$0x200] =	vst v4  }
0x10a: {  	v14 =	vld.idx.msk [tilespmem:v14+s12+$0x0], $0xffff;
	v4 =	vperm.xlane v22, v27;
	[tilespmem:s24+$0x330] =	vst v2;
	v2 =	vadd.s32 v0, v13  }
0x10b: {  	v60 =	vperm.xlane v32, v36;
	v59 =	vadd.s32 v0, v8;
	[tilespmem:s26+$0xFFFFFE00] =	vst v11;
	v7 =	vld.idx.msk [tilespmem:v7+s12+$0x0], $0xffff  }
0x10c: {  	v18 =	vperm.xlane v33, v36;
	v11 =	vadd.s32 v0, v4;
	v1 =	vld.idx.msk [tilespmem:v1+s12+$0x0], $0xffff;
	[tilespmem:s26+$0x0] =	vst v5  }
0x10d: {  	v23 =	vadd.s32 v0, v60;
	v5 =	vperm.xlane v54, v36;
	[tilespmem:s26+$0xFFFFFC10] =	vst v9;
	v9 =	vld.idx.msk [tilespmem:v10+s12+$0x0], $0xffff  }
0x10e: {  	[tilespmem:s24+$0xFFFFFF10] =	vst v6;
	v10 =	vld.idx.msk [tilespmem:v15+s12+$0x0], $0xffff;
	v15 =	vadd.s32 v0, v18  }
0x10f: {  	[tilespmem:s24+$0xFFFFFD50] =	vst v14;
	v14 =	vadd.s32 v0, v5;
	v2 =	vld.idx.msk [tilespmem:v2+s12+$0x0], $0xffff  }
0x110: {  	v6 =	vadd.s32 v3, v12;
	v16 =	vld.idx.msk [tilespmem:v59+s12+$0x0], $0xffff;
	[tilespmem:s26+$0x210] =	vst v7  }
0x111: {  	v7 =	vadd.s32 v3, v8;
	v8 =	vld.idx.msk [tilespmem:v11+s12+$0x0], $0xffff;
	[tilespmem:s26+$0xFFFFFE10] =	vst v1  }
0x112: {  	v1 =	vadd.s32 v3, v13;
	v11 =	vld.idx.msk [tilespmem:v23+s12+$0x0], $0xffff;
	[tilespmem:s26+$0x10] =	vst v9  }
0x113: {  	v4 =	vadd.s32 v3, v4;
	v9 =	vld.idx.msk [tilespmem:v15+s12+$0x0], $0xffff;
	[tilespmem:s26+$0xFFFFFC20] =	vst v10  }
0x114: {  	v10 =	vadd.s32 v3, v60;
	v12 =	vld.idx.msk [tilespmem:v14+s12+$0x0], $0xffff;
	[tilespmem:s24+$0x340] =	vst v2  }
0x115: {  	v13 =	vperm.xlane v52, v37;
	v14 =	vadd.s32 v3, v18;
	[tilespmem:s24+$0xFFFFFD60] =	vst v16;
	v6 =	vld.idx.msk [tilespmem:v6+s12+$0x0], $0xffff  }
0x116: {  	v5 =	vadd.s32 v3, v5;
	v2 =	vperm.xlane v19, v53;
	v7 =	vld.idx.msk [tilespmem:v7+s12+$0x0], $0xffff;
	[tilespmem:s24+$0xFFFFFF20] =	vst v8  }
0x117: {  	v15 =	vadd.s32 v0, v13;
	v8 =	vperm.xlane v21, v51;
	v1 =	vld.idx.msk [tilespmem:v1+s12+$0x0], $0xffff;
	[tilespmem:s26+$0x220] =	vst v11  }
0x118: {  	v11 =	vperm.xlane v22, v31;
	v61 =	vadd.s32 v0, v2;
	v4 =	vld.idx.msk [tilespmem:v4+s12+$0x0], $0xffff;
	[tilespmem:s26+$0xFFFFFE20] =	vst v9  }
0x119: {  	v62 =	vadd.s32 v0, v8;
	v9 =	vperm.xlane v32, v37;
	v10 =	vld.idx.msk [tilespmem:v10+s12+$0x0], $0xffff;
	[tilespmem:s26+$0x20] =	vst v12  }
0x11a: {  	v18 =	vadd.s32 v0, v11;
	v12 =	vperm.xlane v33, v37;
	v14 =	vld.idx.msk [tilespmem:v14+s12+$0x0], $0xffff;
	[tilespmem:s26+$0xFFFFFC30] =	vst v6  }
0x11b: {  	v6 =	vperm.xlane v54, v37;
	v5 =	vld.idx.msk [tilespmem:v5+s12+$0x0], $0xffff;
	v23 =	vadd.s32 v0, v9;
	[tilespmem:s24+$0xFFFFFD70] =	vst v7  }
0x11c: {  	v7 =	vld.idx.msk [tilespmem:v15+s12+$0x0], $0xffff;
	v15 =	vadd.s32 v0, v12;
	[tilespmem:s24+$0x350] =	vst v1  }
0x11d: {  	v1 =	vadd.s32 v0, v6;
	v16 =	vld.idx.msk [tilespmem:v61+s12+$0x0], $0xffff;
	[tilespmem:s24+$0xFFFFFF30] =	vst v4  }
0x11e: {  	v4 =	vadd.s32 v3, v13;
	v13 =	vld.idx.msk [tilespmem:v62+s12+$0x0], $0xffff;
	[tilespmem:s26+$0x230] =	vst v10  }
0x11f: {  	v2 =	vadd.s32 v3, v2;
	v10 =	vld.idx.msk [tilespmem:v18+s12+$0x0], $0xffff;
	[tilespmem:s26+$0xFFFFFE30] =	vst v14  }
0x120: {  	v8 =	vadd.s32 v3, v8;
	[tilespmem:s26+$0x30] =	vst v5;
	v14 =	vld.idx.msk [tilespmem:v23+s12+$0x0], $0xffff  }
0x121: {  	v11 =	vadd.s32 v3, v11;
	v5 =	vld.idx.msk [tilespmem:v15+s12+$0x0], $0xffff;
	[tilespmem:s26+$0xFFFFFC40] =	vst v7  }
0x122: {  	v7 =	vadd.s32 v3, v9;
	v1 =	vld.idx.msk [tilespmem:v1+s12+$0x0], $0xffff;
	[tilespmem:s24+$0xFFFFFD80] =	vst v16  }
0x123: {  	v12 =	vadd.s32 v3, v12;
	v9 =	vperm.xlane v52, v38;
	v4 =	vld.idx.msk [tilespmem:v4+s12+$0x0], $0xffff;
	[tilespmem:s24+$0x360] =	vst v13  }
0x124: {  	v6 =	vadd.s32 v3, v6;
	v13 =	vperm.xlane v20, v42;
	v2 =	vld.idx.msk [tilespmem:v2+s12+$0x0], $0xffff;
	[tilespmem:s24+$0xFFFFFF40] =	vst v10  }
0x125: {  	v15 =	vadd.s32 v0, v9;
	v10 =	vperm.xlane v21, v53;
	v8 =	vld.idx.msk [tilespmem:v8+s12+$0x0], $0xffff;
	[tilespmem:s26+$0x240] =	vst v14  }
0x126: {  	v63 =	vadd.s32 v0, v13;
	v11 =	vld.idx.msk [tilespmem:v11+s12+$0x0], $0xffff;
	v14 =	vperm.xlane v22, v51;
	[tilespmem:s26+$0xFFFFFE40] =	vst v5  }
0x127: {  	v5 =	vperm.xlane v32, v38;
	v44 =	vadd.s32 v0, v10;
	v7 =	vld.idx.msk [tilespmem:v7+s12+$0x0], $0xffff;
	[tilespmem:s26+$0x40] =	vst v1  }
0x128: {  	v1 =	vperm.xlane v33, v38;
	v12 =	vld.idx.msk [tilespmem:v12+s12+$0x0], $0xffff;
	[tilespmem:s26+$0xFFFFFC50] =	vst v4;
	v18 =	vadd.s32 v0, v14  }
0x129: {  	v4 =	vperm.xlane v54, v38;
	v6 =	vld.idx.msk [tilespmem:v6+s12+$0x0], $0xffff;
	v23 =	vadd.s32 v0, v5;
	[tilespmem:s24+$0xFFFFFD90] =	vst v2  }
0x12a: {  	v2 =	vld.idx.msk [tilespmem:v15+s12+$0x0], $0xffff;
	v15 =	vadd.s32 v0, v1;
	[tilespmem:s24+$0x370] =	vst v8  }
0x12b: {  	v8 =	vadd.s32 v0, v4;
	v16 =	vld.idx.msk [tilespmem:v63+s12+$0x0], $0xffff;
	[tilespmem:s24+$0xFFFFFF50] =	vst v11  }
0x12c: {  	v9 =	vadd.s32 v3, v9;
	v11 =	vld.idx.msk [tilespmem:v44+s12+$0x0], $0xffff;
	[tilespmem:s26+$0x250] =	vst v7  }
0x12d: {  	v7 =	vadd.s32 v3, v13;
	[tilespmem:s26+$0xFFFFFE50] =	vst v12;
	v13 =	vld.idx.msk [tilespmem:v18+s12+$0x0], $0xffff  }
0x12e: {  	v10 =	vadd.s32 v3, v10;
	v12 =	vld.idx.msk [tilespmem:v23+s12+$0x0], $0xffff;
	[tilespmem:s26+$0x50] =	vst v6  }
0x12f: {  	v14 =	vadd.s32 v3, v14;
	[tilespmem:s26+$0xFFFFFC60] =	vst v2;
	v6 =	vld.idx.msk [tilespmem:v15+s12+$0x0], $0xffff  }
0x130: {  	v5 =	vadd.s32 v3, v5;
	v2 =	vld.idx.msk [tilespmem:v8+s12+$0x0], $0xffff;
	[tilespmem:s24+$0x100] =	vst v16  }
0x131: {  	v1 =	vadd.s32 v3, v1;
	v8 =	vperm.xlane v52, v39;
	v9 =	vld.idx.msk [tilespmem:v9+s12+$0x0], $0xffff;
	[tilespmem:s24+$0x380] =	vst v11  }
0x132: {  	v4 =	vadd.s32 v3, v4;
	v11 =	vperm.xlane v20, v27;
	v7 =	vld.idx.msk [tilespmem:v7+s12+$0x0], $0xffff;
	[tilespmem:s24+$0xFFFFFF60] =	vst v13  }
0x133: {  	v15 =	vadd.s32 v0, v8;
	v10 =	vld.idx.msk [tilespmem:v10+s12+$0x0], $0xffff;
	v13 =	vperm.xlane v21, v55;
	[tilespmem:s26+$0x260] =	vst v12  }
0x134: {  	v12 =	vperm.xlane v22, v53;
	v45 =	vadd.s32 v0, v11;
	v14 =	vld.idx.msk [tilespmem:v14+s12+$0x0], $0xffff;
	[tilespmem:s26+$0xFFFFFE60] =	vst v6  }
0x135: {  	v6 =	vperm.xlane v32, v39;
	v5 =	vld.idx.msk [tilespmem:v5+s12+$0x0], $0xffff;
	[tilespmem:s26+$0x60] =	vst v2;
	v47 =	vadd.s32 v0, v13  }
0x136: {  	v2 =	vperm.xlane v33, v39;
	[tilespmem:s26+$0xFFFFFC70] =	vst v9;
	v1 =	vld.idx.msk [tilespmem:v1+s12+$0x0], $0xffff;
	v18 =	vadd.s32 v0, v12  }
0x137: {  	v9 =	vperm.xlane v54, v39;
	v4 =	vld.idx.msk [tilespmem:v4+s12+$0x0], $0xffff;
	v23 =	vadd.s32 v0, v6;
	[tilespmem:s24+$0x110] =	vst v7  }
0x138: {  	v7 =	vld.idx.msk [tilespmem:v15+s12+$0x0], $0xffff;
	v15 =	vadd.s32 v0, v2;
	[tilespmem:s24+$0x390] =	vst v10  }
0x139: {  	v10 =	vadd.s32 v0, v9;
	v16 =	vld.idx.msk [tilespmem:v45+s12+$0x0], $0xffff;
	[tilespmem:s24+$0xFFFFFF70] =	vst v14  }
0x13a: {  	v8 =	vadd.s32 v3, v8;
	[tilespmem:s26+$0x270] =	vst v5;
	v14 =	vld.idx.msk [tilespmem:v47+s12+$0x0], $0xffff  }
0x13b: {  	v5 =	vadd.s32 v3, v11;
	v11 =	vld.idx.msk [tilespmem:v18+s12+$0x0], $0xffff;
	[tilespmem:s26+$0xFFFFFE70] =	vst v1  }
0x13c: {  	v48 =	vperm.xlane v20, v31;
	v13 =	vadd.s32 v3, v13;
	[tilespmem:s26+$0x70] =	vst v4;
	v1 =	vld.idx.msk [tilespmem:v23+s12+$0x0], $0xffff  }
0x13d: {  	v49 =	vperm.xlane v52, v34;
	v12 =	vadd.s32 v3, v12;
	v15 =	vld.idx.msk [tilespmem:v15+s12+$0x0], $0xffff;
	[tilespmem:s26+$0xFFFFFC80] =	vst v7  }
0x13e: {  	v6 =	vadd.s32 v3, v6;
	v2 =	vadd.s32 v3, v2;
	v10 =	vld.idx.msk [tilespmem:v10+s12+$0x0], $0xffff;
	[tilespmem:s24+$0x120] =	vst v16  }
0x13f: {  	v9 =	vadd.s32 v3, v9;
	v18 =	vperm.xlane v22, v55;
	v8 =	vld.idx.msk [tilespmem:v8+s12+$0x0], $0xffff;
	[tilespmem:s24+$0x3A0] =	vst v14  }
0x140: {  	v4 =	vperm.xlane v21, v43;
	v5 =	vld.idx.msk [tilespmem:v5+s12+$0x0], $0xffff;
	v14 =	vperm.xlane v22, v43;
	[tilespmem:s24+$0xFFFFFF80] =	vst v11  }
0x141: {  	v11 =	vperm.xlane v21, v46;
	v21 =	vadd.s32 v0, v49;
	v13 =	vld.idx.msk [tilespmem:v13+s12+$0x0], $0xffff;
	[tilespmem:s26+$0x280] =	vst v1  }
0x142: {  	v1 =	vperm.xlane v22, v46;
	v22 =	vadd.s32 v0, v48;
	v12 =	vld.idx.msk [tilespmem:v12+s12+$0x0], $0xffff;
	[tilespmem:s26+$0xFFFFFE80] =	vst v15  }
0x143: {  	v23 =	vadd.s32 v0, v4;
	v15 =	vperm.xlane v32, v34;
	v6 =	vld.idx.msk [tilespmem:v6+s12+$0x0], $0xffff;
	[tilespmem:s26+$0x80] =	vst v10  }
0x144: {  	v25 =	vadd.s32 v0, v18;
	v10 =	vperm.xlane v33, v34;
	v24 =	vld.idx.msk [tilespmem:v2+s12+$0x0], $0xffff;
	[tilespmem:s26+$0xFFFFFC90] =	vst v8  }
0x145: {  	v8 =	vperm.xlane v54, v34;
	v9 =	vld.idx.msk [tilespmem:v9+s12+$0x0], $0xffff;
	v26 =	vadd.s32 v0, v15;
	[tilespmem:s24+$0x130] =	vst v5  }
0x146: {  	v28 =	vadd.s32 v0, v10;
	v21 =	vld.idx.msk [tilespmem:v21+s12+$0x0], $0xffff;
	[tilespmem:s24+$0x3B0] =	vst v13  }
0x147: {  	v29 =	vperm.xlane v20, v53;
	v30 =	vadd.s32 v0, v8;
	v22 =	vld.idx.msk [tilespmem:v22+s12+$0x0], $0xffff;
	[tilespmem:s24+$0xFFFFFF90] =	vst v12  }
0x148: {  	v58 =	vperm.xlane v19, v46;
	v12 =	vadd.s32 v3, v49;
	v50 =	vld.idx.msk [tilespmem:v23+s12+$0x0], $0xffff;
	[tilespmem:s26+$0x290] =	vst v6  }
0x149: {  	v44 =	vperm.xlane v20, v43;
	v6 =	vadd.s32 v3, v48;
	v60 =	vld.idx.msk [tilespmem:v25+s12+$0x0], $0xffff;
	[tilespmem:s26+$0xFFFFFE90] =	vst v24  }
0x14a: {  	v7 =	vperm.xlane v20, v51;
	v24 =	vadd.s32 v3, v4;
	[tilespmem:s26+$0x90] =	vst v9;
	v23 =	vld.idx.msk [tilespmem:v26+s12+$0x0], $0xffff  }
0x14b: {  	v18 =	vadd.s32 v3, v18;
	v5 =	vperm.xlane v19, v43;
	v9 =	vld.idx.msk [tilespmem:v28+s12+$0x0], $0xffff;
	[tilespmem:s26+$0xFFFFFCA0] =	vst v21  }
0x14c: {  	v15 =	vadd.s32 v3, v15;
	v13 =	vperm.xlane v19, v55;
	v19 =	vld.idx.msk [tilespmem:v30+s12+$0x0], $0xffff;
	[tilespmem:s24+$0x140] =	vst v22  }
0x14d: {  	v10 =	vadd.s32 v3, v10;
	v21 =	vperm.xlane v52, v40;
	v12 =	vld.idx.msk [tilespmem:v12+s12+$0x0], $0xffff;
	[tilespmem:s24+$0x3C0] =	vst v50  }
0x14e: {  	v2 =	vperm.xlane v20, v55;
	v8 =	vadd.s32 v3, v8;
	v6 =	vld.idx.msk [tilespmem:v6+s12+$0x0], $0xffff;
	[tilespmem:s24+$0xFFFFFFA0] =	vst v60  }
0x14f: {  	v4 =	vperm.xlane v20, v46;
	v61 =	vadd.s32 v0, v21;
	v20 =	vld.idx.msk [tilespmem:v24+s12+$0x0], $0xffff;
	[tilespmem:s26+$0x2A0] =	vst v23  }
0x150: {  	v18 =	vld.idx.msk [tilespmem:v18+s12+$0x0], $0xffff;
	v23 =	vadd.s32 v0, v7;
	[tilespmem:s26+$0xFFFFFEA0] =	vst v9  }
0x151: {  	v22 =	vperm.xlane v33, v40;
	v24 =	vadd.s32 v0, v11;
	v15 =	vld.idx.msk [tilespmem:v15+s12+$0x0], $0xffff;
	[tilespmem:s26+$0xA0] =	vst v19  }
0x152: {  	v25 =	vadd.s32 v0, v14;
	v9 =	vperm.xlane v32, v40;
	v10 =	vld.idx.msk [tilespmem:v10+s12+$0x0], $0xffff;
	[tilespmem:s26+$0xFFFFFCB0] =	vst v12  }
0x153: {  	v28 =	vadd.s32 v0, v22;
	v8 =	vld.idx.msk [tilespmem:v8+s12+$0x0], $0xffff;
	[tilespmem:s24+$0x150] =	vst v6  }
0x154: {  	v16 =	vperm.xlane v54, v40;
	v26 =	vadd.s32 v0, v9;
	v17 =	vld.idx.msk [tilespmem:v61+s12+$0x0], $0xffff;
	[tilespmem:s24+$0x3D0] =	vst v20  }
0x155: {  	[tilespmem:s24+$0xFFFFFFB0] =	vst v18;
	v23 =	vld.idx.msk [tilespmem:v23+s12+$0x0], $0xffff  }
0x156: {  	v30 =	vadd.s32 v0, v16;
	v24 =	vld.idx.msk [tilespmem:v24+s12+$0x0], $0xffff;
	[tilespmem:s26+$0x2B0] =	vst v15  }
0x157: {  	v21 =	vadd.s32 v3, v21;
	v15 =	vld.idx.msk [tilespmem:v25+s12+$0x0], $0xffff;
	[tilespmem:s26+$0xFFFFFEB0] =	vst v10  }
0x158: {  	v7 =	vadd.s32 v3, v7;
	[tilespmem:s26+$0xB0] =	vst v8;
	v8 =	vld.idx.msk [tilespmem:v28+s12+$0x0], $0xffff  }
0x159: {  	v11 =	vadd.s32 v3, v11;
	v10 =	vld.idx.msk [tilespmem:v26+s12+$0x0], $0xffff;
	[tilespmem:s26+$0xFFFFFCC0] =	vst v17  }
0x15a: {  	v14 =	vadd.s32 v3, v14;
	[tilespmem:s24+$0x160] =	vst v23  }
0x15b: {  	v62 =	vld.idx.msk [tilespmem:v30+s12+$0x0], $0xffff;
	[tilespmem:s24+$0x3E0] =	vst v24  }
0x15c: {  	v9 =	vadd.s32 v3, v9;
	v21 =	vld.idx.msk [tilespmem:v21+s12+$0x0], $0xffff;
	[tilespmem:s24+$0xFFFFFFC0] =	vst v15  }
0x15d: {  	v7 =	vld.idx.msk [tilespmem:v7+s12+$0x0], $0xffff;
	[tilespmem:s26+$0xFFFFFEC0] =	vst v8;
	v8 =	vperm.xlane v33, v31  }
0x15e: {  	v11 =	vld.idx.msk [tilespmem:v11+s12+$0x0], $0xffff;
	[tilespmem:s26+$0x2C0] =	vst v10  }
0x15f: {  	v63 =	vperm.xlane v32, v51;
	v22 =	vadd.s32 v3, v22;
	v14 =	vld.idx.msk [tilespmem:v14+s12+$0x0], $0xffff;
	[tilespmem:$0x1FF90] =	vst v8  }
0x160: {  	[tilespmem:s26+$0xC0] =	vst v62  }
0x161: {  	v8 =	vld.idx.msk [tilespmem:v9+s12+$0x0], $0xffff;
	[tilespmem:$0x1FFA0] =	vst v63  }
0x162: {  	v16 =	vadd.s32 v3, v16;
	[tilespmem:s26+$0xFFFFFCD0] =	vst v21;
	v21 =	vperm.xlane v52, v53  }
0x163: {  	v19 =	vperm.xlane v52, v41  }
0x164: {  	v56 =	vperm.xlane v32, v53;
	v57 =	vperm.xlane v33, v42;
	v17 =	vld.idx.msk [tilespmem:v22+s12+$0x0], $0xffff;
	[tilespmem:$0x1FFB0] =	vst v21  }
0x165: {  	v59 =	vperm.xlane v52, v31;
	v15 =	vadd.s32 v0, v19;
	[tilespmem:s24+$0x170] =	vst v7;
	v7 =	vperm.xlane v54, v42  }
0x166: {  	v47 =	vperm.xlane v33, v27;
	v45 =	vadd.s32 v3, v5;
	v49 =	vperm.xlane v32, v31  }
0x167: {  	v48 =	vperm.xlane v52, v51;
	v10 =	vadd.s32 v0, v29;
	v16 =	vld.idx.msk [tilespmem:v16+s12+$0x0], $0xffff;
	[tilespmem:$0x1FFC0] =	vst v7  }
0x168: {  	v50 =	vperm.xlane v32, v42;
	v9 =	vadd.s32 v0, v13;
	[tilespmem:s24+$0x3F0] =	vst v11;
	v11 =	vperm.xlane v33, v51  }
0x169: {  	v5 =	vadd.s32 v0, v5;
	v60 =	vperm.xlane v32, v27;
	v20 =	vperm.xlane v32, v41  }
0x16a: {  	v6 =	vperm.xlane v33, v41;
	v22 =	vadd.s32 v0, v1;
	v7 =	vld.idx.msk [tilespmem:v15+s12+$0x0], $0xffff;
	[tilespmem:$0x1FFD0] =	vst v11  }
0x16b: {  	v12 =	vperm.xlane v54, v41;
	v21 =	vadd.s32 v0, v20;
	[tilespmem:s26+$0x2D0] =	vst v8;
	v8 =	vperm.xlane v54, v27  }
0x16c: {  	v18 =	vperm.xlane v52, v42;
	v15 =	vadd.s32 v0, v6;
	v10 =	vld.idx.msk [tilespmem:v10+s12+$0x0], $0xffff;
	[tilespmem:s24+$0xFFFFFFD0] =	vst v14  }
0x16d: {  	v42 =	vperm.xlane v33, v53;
	v11 =	vadd.s32 v0, v12;
	v9 =	vld.idx.msk [tilespmem:v9+s12+$0x0], $0xffff;
	[tilespmem:$0x1FFE0] =	vst v8  }
0x16e: {  	v61 =	vperm.xlane v52, v27;
	v25 =	vperm.xlane v52, v43;
	v14 =	vadd.s32 v3, v19;
	[tilespmem:s26+$0xFFFFFED0] =	vst v17  }
0x16f: {  	v28 =	vperm.xlane v54, v53;
	v13 =	vadd.s32 v3, v13;
	v19 =	vld.idx.msk [tilespmem:v22+s12+$0x0], $0xffff;
	[tilespmem:$0x1FFF0] =	vst v42  }
0x170: {  	v26 =	vperm.xlane v52, v55;
	v8 =	vadd.s32 v3, v29;
	v17 =	vld.idx.msk [tilespmem:v21+s12+$0x0], $0xffff;
	[tilespmem:s26+$0xD0] =	vst v16  }
0x171: {  	v30 =	vperm.xlane v54, v51;
	v1 =	vadd.s32 v3, v1;
	v15 =	vld.idx.msk [tilespmem:v15+s12+$0x0], $0xffff;
	[tilespmem:s26+$0xFFFFFCE0] =	vst v7  }
0x172: {  	v23 =	vperm.xlane v33, v55;
	[tilespmem:s24+$0x180] =	vst v10;
	v10 =	vadd.s32 v3, v20;
	v7 =	vld.idx.msk [tilespmem:v11+s12+$0x0], $0xffff  }
0x173: {  	v24 =	vperm.xlane v32, v43;
	v6 =	vadd.s32 v3, v6;
	[tilespmem:s24+$0xFFFFFDA0] =	vst v9;
	v11 =	vld.idx.msk [tilespmem:v14+s12+$0x0], $0xffff  }
0x174: {  	v31 =	vperm.xlane v54, v31;
	v9 =	vadd.s32 v3, v12;
	v12 =	vld.idx.msk [tilespmem:v13+s12+$0x0], $0xffff;
	[tilespmem:s24+$0xFFFFFFE0] =	vst v19  }
0x175: {  	v63 =	vadd.s32 v0, v50;
	v13 =	vadd.s32 v0, v18;
	v8 =	vld.idx.msk [tilespmem:v8+s12+$0x0], $0xffff;
	[tilespmem:s26+$0x2E0] =	vst v17  }
0x176: {  	v52 =	vperm.xlane v52, v46;
	v53 =	vperm.xlane v54, v43;
	[tilespmem:s26+$0xFFFFFEE0] =	vst v15;
	v15 =	vld.idx.msk [tilespmem:v1+s12+$0x0], $0xffff  }
0x177: {  	v51 =	vadd.s32 v3, v25;
	v14 =	vadd.s32 v0, v2;
	[tilespmem:s26+$0xE0] =	vst v7;
	v62 =	vld.idx.msk [tilespmem:v10+s12+$0x0], $0xffff  }
0x178: {  	v27 =	vperm.xlane v54, v55;
	v22 =	vperm.xlane v33, v43;
	[tilespmem:s26+$0xFFFFFCF0] =	vst v11;
	v6 =	vld.idx.msk [tilespmem:v6+s12+$0x0], $0xffff  }
0x179: {  	v42 =	vperm.xlane v32, v55;
	v55 =	vadd.s32 v0, v4;
	[tilespmem:s24+$0xFFFFFDB0] =	vst v12;
	v1 =	vld.idx.msk [tilespmem:v9+s12+$0x0], $0xffff  }
0x17a: {  	v21 =	vperm.xlane v32, v46;
	v20 =	vperm.xlane v33, v46;
	[tilespmem:s24+$0x190] =	vst v8;
	v7 =	vld.idx.msk [tilespmem:v13+s12+$0x0], $0xffff  }
0x17b: {  	v12 =	vperm.xlane v54, v46;
	v11 =	vadd.s32 v3, v18;
	v9 =	vld.idx.msk [tilespmem:v5+s12+$0x0], $0xffff;
	[tilespmem:s24+$0xFFFFFFF0] =	vst v15  }
0x17c: {  	s31 =	simm.s32 $0x400;
	s29 =	simm.s32 $0x4;
	v54 =	vadd.s32 v3, v4;
	v4 =	vadd.s32 v0, v44;
	v10 =	vld.idx.msk [tilespmem:v14+s12+$0x0], $0xffff;
	[tilespmem:s26+$0x2F0] =	vst v62  }
0x17d: {  	s30 =	simm.s32 $0x80;
	s28 =	simm.s32 $0x11280;
	s22 =	sshllo.u32 s20, $0x1;
	v8 =	vadd.s32 v3, v2;
	v2 =	vadd.s32 v3, v58;
	[tilespmem:s26+$0xFFFFFEF0] =	vst v6;
	v5 =	vld.idx.msk [tilespmem:v63+s12+$0x0], $0xffff  }
.LBB2_11:
0x17e: {  	[tilespmem:$0x1FE60] =	vst v23  }
0x17f: {  	[tilespmem:$0x1FE50] =	vst v24  }
0x180: {  	[tilespmem:$0x1FE90] =	vst v21;
	v24 =	vld [tilespmem:$0x1FF80]  }
0x181: {  	[tilespmem:$0x1FEA0] =	vst v22  }
0x182: {  	[tilespmem:$0x1FF70] =	vst v12;
	v14 =	vmov v53  }
0x183: {  	s0 =	sand.u32 $0xC00, s31;
	v6 =	vadd.s32 v3, v48;
	[tilespmem:$0x1FE30] =	vst v14  }
0x184: {  	s2 =	ssub.s32 s30, s25;
	s1 =	sadd.s32 $0x10, s30;
	v12 =	vadd.s32 v0, v58;
	v13 =	vadd.s32 v3, v44;
	s3 =	sadd.s32 $0x20, s30;
	v19 =	vadd.s32 v0, v49;
	[tilespmem:s26+$0xFFFFFD00] =	vst v7  }
0x185: {  	v17 =	vadd.s32 v3, v50;
	v15 =	vadd.s32 s2, v0;
	s11 =	ssub.s32 s1, s25;
	v14 =	vadd.s32 v0, v48;
	s2 =	sand.u32 $0x60, s3;
	s3 =	ssub.s32 s3, s25;
	v11 =	vld.idx.msk [tilespmem:v11+s12+$0x0], $0xffff;
	[tilespmem:s24+$0x1A0] =	vst v10  }
0x186: {  	s10 =	sand.u32 $0x40, s30;
	s0 =	sadd.s32 s0, s21;
	vm0 =	vgt.s32 v15, $0xFFFFFFC0;
	v32 =	vadd.s32 s11, v0;
	v21 =	vadd.s32 s3, v0;
	[tilespmem:s24+$0xFFFFFDC0] =	vst v9;
	v8 =	vld.idx.msk [tilespmem:v8+s12+$0x0], $0xffff  }
0x187: {  	v16 =	vmovc v52;
	s1 =	sand.u32 $0x50, s1;
	s10 =	sadd.s32 s10, s0;
	s11 =	sadd.s32 $0x30, s30;
	v7 =	vadd.s32 v3, v49;
	vm13 =	vgt.s32 v32, $0xFFFFFFC0;
	vm15 =	vgt.s32 v21, $0xFFFFFFC0;
	[tilespmem:s26+$0x300] =	vst v5;
	v5 =	vld.idx.msk [tilespmem:v45+s12+$0x0], $0xffff  }
0x188: {  	[tilespmem:$0x1FE70] =	vst v16;
	s1 =	sadd.s32 s1, s0;
	v10 =	vnsel vm0, $0xFFFFFFC0, v15;
	v15 =	vadd.s32 v0, v61;
	v16 =	vnsel vm13, $0xFFFFFFC0, v32;
	v9 =	vld.idx.msk [tilespmem:v24+s10+$0x0 ss:$0x1], $0xffff;
	s10 =	sand.u32 $0x70, s11;
	s11 =	ssub.s32 s11, s25  }
0x189: {  	[tilespmem:$0x1FF00] =	vst v20;
	v20 =	vmovc v51;
	s2 =	sadd.s32 s2, s0;
	v29 =	vnsel vm15, $0xFFFFFFC0, v21;
	v32 =	vadd.s32 v0, v59;
	v23 =	vld.idx.msk [tilespmem:v24+s1+$0x0 ss:$0x1], $0xffff;
	s0 =	sadd.s32 s10, s0;
	v18 =	vadd.s32 s11, v0  }
0x18a: {  	[tilespmem:$0x1FE40] =	vst v20;
	v44 =	vadd.s32 v3, v60;
	vm1 =	vlt.s32 v10, $0x40;
	v22 =	vld.idx.msk [tilespmem:v24+s0+$0x0 ss:$0x1], $0xffff;
	vm14 =	vgt.s32 v18, $0xFFFFFFC0  }
0x18b: {  	vm0 =	vlt.s32 v16, $0x40;
	v10 =	vnsel vm1, $0x40, v10;
	v24 =	vld.idx.msk [tilespmem:v24+s2+$0x0 ss:$0x1], $0xffff;
	[tilespmem:s24+$0x1B0] =	vst v8;
	v18 =	vnsel vm14, $0xFFFFFFC0, v18  }
0x18c: {  	v20 =	vnsel vm0, $0x40, v16;
	vm1 =	vlt.s32 v29, $0x40;
	[tilespmem:s26+$0xFFFFFD10] =	vst v11;
	v4 =	vld.idx.msk [tilespmem:v4+s12+$0x0], $0xffff;
	vm0 =	vlt.s32 v18, $0x40  }
0x18d: {  	[tilespmem:$0x1FEF0] =	vst v26;
	v15 =	vld.idx.msk [tilespmem:v15+s12+$0x0], $0xffff;
	v11 =	vnsel vm0, $0x40, v18;
	v8 =	vmul.u32 $0x81, v9;
	v18 =	vnsel vm1, $0x40, v29  }
0x18e: {  	[tilespmem:$0x1FF40] =	vst v27;
	v17 =	vld.idx.msk [tilespmem:v17+s12+$0x0], $0xffff;
	v29 =	vadd.s32 v3, v61;
	v9 =	vmul.u32 $0x81, v23;
	v23 =	vadd.s32 v0, v60  }
0x18f: {  	[tilespmem:s24+$0xFFFFFDD0] =	vst v5;
	v5 =	vadd.s32 v8, v10;
	v8 =	vmul.u32 $0x81, v22;
	v10 =	vadd.s32 v0, v57  }
0x190: {  	[tilespmem:$0x1FF60] =	vst v25;
	v22 =	vld.idx.msk [tilespmem:v12+s12+$0x0], $0xffff;
	v24 =	vmul.u32 $0x81, v24;
	v9 =	vadd.s32 v9, v20;
	v5 =	vadd.s32 $0x40, v5  }
0x191: {  	v12 =	vshll.u32 v9, $0x5;
	[tilespmem:s24+$0x1C0] =	vst v4;
	v5 =	vshll.u32 v5, $0x5;
	v8 =	vadd.s32 v8, v11  }
0x192: {  	[tilespmem:s26+$0xFFFFFD20] =	vst v15;
	v13 =	vld.idx.msk [tilespmem:v13+s12+$0x0], $0xffff;
	v12 =	vadd.s32 $0x800, v12;
	v15 =	vadd.s32 v24, v18;
	v11 =	vperm.xlane v5, v35  }
0x193: {  	[tilespmem:s26+$0x310] =	vst v17;
	v8 =	vshll.u32 v8, $0x5;
	v24 =	vperm.xlane v12, v35;
	v15 =	vshll.u32 v15, $0x5  }
0x194: {  	[tilespmem:s26+$0xF0] =	vst v1;
	v26 =	vperm.xlane v5, v41;
	v9 =	vadd.s32 $0x800, v8;
	v8 =	vld.idx.msk [tilespmem:v29+s12+$0x0], $0xffff;
	v4 =	vadd.s32 v0, v11  }
0x195: {  	v15 =	vadd.s32 $0x800, v15;
	v46 =	vperm.xlane v9, v35;
	[tilespmem:s24+$0xFFFFFDE0] =	vst v22;
	v10 =	vld.idx.msk [tilespmem:v10+s12+$0x0], $0xffff;
	v60 =	vadd.s32 v0, v24  }
0x196: {  	v50 =	vperm.xlane v15, v35;
	[tilespmem:$0x1FEE0] =	vst v26;
	v27 =	vperm.xlane v15, v41;
	v2 =	vld.idx.msk [tilespmem:v2+s12+$0x0], $0xffff  }
0x197: {  	v21 =	vadd.s32 v0, v47;
	v23 =	vld.idx.msk [tilespmem:v23+s12+$0x0], $0xffff;
	v33 =	vadd.s32 v0, v46;
	[tilespmem:s24+$0x1D0] =	vst v13  }
0x198: {  	v43 =	vadd.s32 v3, v57;
	v61 =	vadd.s32 v0, v50;
	[tilespmem:$0x1FF30] =	vst v27;
	v1 =	vld.idx.msk [tilespmem:v55+s12+$0x0], $0xffff  }
0x199: {  	v16 =	vadd.s32 v3, v47;
	v47 =	vadd.s32 v3, v59;
	v4 =	vld.idx.msk [tilespmem:v4+s12+$0x0], $0xffff;
	[tilespmem:s26+$0xFFFFFD30] =	vst v8  }
0x19a: {  	v45 =	vperm.xlane v5, v36;
	v20 =	vperm.xlane v5, v37;
	v35 =	vld.idx.msk [tilespmem:v60+s12+$0x0], $0xffff;
	[tilespmem:s28+$0xFFFFFF00] =	vst v10  }
0x19b: {  	v53 =	vperm.xlane v12, v37;
	v48 =	vperm.xlane v9, v36;
	v62 =	vld.idx.msk [tilespmem:v32+s12+$0x0], $0xffff;
	[tilespmem:s24+$0xFFFFFDF0] =	vst v2  }
0x19c: {  	v63 =	vadd.s32 v3, v11;
	v49 =	vld.idx.msk [tilespmem:v33+s12+$0x0], $0xffff;
	[tilespmem:s26+$0x320] =	vst v23;
	v33 =	vperm.xlane v12, v41  }
0x19d: {  	v22 =	vperm.xlane v12, v36;
	v25 =	vperm.xlane v15, v36;
	v36 =	vld.idx.msk [tilespmem:v61+s12+$0x0], $0xffff;
	[tilespmem:s24+$0x1E0] =	vst v1  }
0x19e: {  	v11 =	vperm.xlane v9, v39;
	v24 =	vadd.s32 v3, v24;
	v43 =	vld.idx.msk [tilespmem:v43+s12+$0x0], $0xffff;
	s26 =	sadd.s32 $0x800, s26;
	[tilespmem:$0x1FF20] =	vst v33  }
0x19f: {  	v13 =	vperm.xlane v5, v39;
	v10 =	vperm.xlane v12, v39;
	v44 =	vld.idx.msk [tilespmem:v44+s12+$0x0], $0xffff;
	[tilespmem:s26+$0xFFFFFC00] =	vst v4  }
0x1a0: {  	v2 =	vperm.xlane v15, v39;
	v39 =	vld.idx.msk [tilespmem:v54+s12+$0x0], $0xffff;
	v54 =	vperm.xlane v9, v41;
	[tilespmem:s26+$0xFFFFFE00] =	vst v35  }
0x1a1: {  	v29 =	vperm.xlane v9, v37;
	v52 =	vperm.xlane v15, v37;
	v37 =	vld.idx.msk [tilespmem:v63+s12+$0x0], $0xffff;
	[tilespmem:s28+$0xFFFFFD40] =	vst v62  }
0x1a2: {  	v51 =	vperm.xlane v5, v38;
	v59 =	vperm.xlane v15, v40;
	v50 =	vadd.s32 v3, v50;
	[tilespmem:$0x1FF10] =	vst v54  }
0x1a3: {  	v60 =	vperm.xlane v12, v40;
	v61 =	vperm.xlane v9, v40;
	v41 =	vimm.s32 $0xA;
	[tilespmem:s26+$0x200] =	vst v49  }
0x1a4: {  	v62 =	vperm.xlane v5, v40;
	v40 =	vperm.xlane v5, v41;
	[tilespmem:s26+$0x0] =	vst v36  }
0x1a5: {  	v18 =	vperm.xlane v12, v38;
	v23 =	vadd.s32 v3, v46;
	v24 =	vld.idx.msk [tilespmem:v24+s12+$0x0], $0xffff;
	v36 =	vimm.s32 $0x8;
	[tilespmem:s28+$0x330] =	vst v44  }
0x1a6: {  	v17 =	vmov v56;
	v8 =	vperm.xlane v15, v38;
	v47 =	vld.idx.msk [tilespmem:v47+s12+$0x0], $0xffff;
	v56 =	vperm.xlane v5, v36;
	[tilespmem:$0x1FED0] =	vst v40  }
0x1a7: {  	v32 =	vperm.xlane v9, v38;
	v38 =	vadd.s32 v0, v45;
	v26 =	vld.idx.msk [tilespmem:v50+s12+$0x0], $0xffff;
	[tilespmem:s24+$0x1F0] =	vst v39  }
0x1a8: {  	s24 =	smov.u32 s28;
	[tilespmem:$0x1FF50] =	vst v56  }
0x1a9: {  	v46 =	vld [tilespmem:$0x1FF90];
	[tilespmem:s24+$0xFFFFFF10] =	vst v43  }
0x1aa: {  	v55 =	vmov v28;
	v28 =	vadd.s32 v0, v22;
	v23 =	vld.idx.msk [tilespmem:v23+s12+$0x0], $0xffff;
	[tilespmem:s26+$0xFFFFFC10] =	vst v37  }
0x1ab: {  	v39 =	vimm.s32 $0x9;
	v43 =	vperm.xlane v12, v36;
	v21 =	vld.idx.msk [tilespmem:v21+s12+$0x0], $0xffff;
	[tilespmem:s26+$0xFFFFFE10] =	vst v24  }
0x1ac: {  	v57 =	vmov v30;
	v30 =	vadd.s32 v0, v25;
	v37 =	vperm.xlane v5, v39;
	v27 =	vld.idx.msk [tilespmem:v38+s12+$0x0], $0xffff;
	[tilespmem:s28+$0xFFFFFD50] =	vst v47  }
0x1ad: {  	v44 =	vadd.s32 v0, v48;
	v19 =	vld.idx.msk [tilespmem:v19+s12+$0x0], $0xffff;
	[tilespmem:$0x1FE80] =	vst v43  }
0x1ae: {  	v56 =	vld [tilespmem:$0x1FFA0];
	[tilespmem:$0x1FEB0] =	vst v37  }
0x1af: {  	v38 =	vperm.xlane v9, v39;
	v28 =	vld.idx.msk [tilespmem:v28+s12+$0x0], $0xffff;
	[tilespmem:s26+$0x10] =	vst v26  }
0x1b0: {  	v14 =	vld.idx.msk [tilespmem:v14+s12+$0x0], $0xffff;
	[tilespmem:s26+$0x210] =	vst v23  }
0x1b1: {  	v47 =	vmov v31;
	v31 =	vadd.s32 v3, v45;
	[tilespmem:$0x1FEC0] =	vst v38;
	v26 =	vld.idx.msk [tilespmem:v30+s12+$0x0], $0xffff  }
0x1b2: {  	v23 =	vld.idx.msk [tilespmem:v44+s12+$0x0], $0xffff;
	[tilespmem:s24+$0x340] =	vst v19  }
0x1b3: {  	v58 =	vperm.xlane v12, v34;
	v22 =	vadd.s32 v3, v22;
	v44 =	vld [tilespmem:$0x1FFB0];
	[tilespmem:s24+$0xFFFFFF20] =	vst v21  }
0x1b4: {  	v25 =	vadd.s32 v3, v25;
	v24 =	vadd.s32 v3, v48;
	v7 =	vld.idx.msk [tilespmem:v7+s12+$0x0], $0xffff;
	[tilespmem:s26+$0xFFFFFC20] =	vst v27  }
0x1b5: {  	v1 =	vperm.xlane v9, v34;
	v4 =	vperm.xlane v5, v34;
	v16 =	vld.idx.msk [tilespmem:v16+s12+$0x0], $0xffff;
	[tilespmem:s26+$0xFFFFFE20] =	vst v28  }
0x1b6: {  	v63 =	vperm.xlane v15, v34;
	v34 =	vadd.s32 v0, v56;
	v27 =	vld.idx.msk [tilespmem:v31+s12+$0x0], $0xffff;
	[tilespmem:s24+$0xFFFFFD60] =	vst v14  }
0x1b7: {  	v54 =	vperm.xlane v9, v36;
	v19 =	vadd.s32 v0, v20;
	v6 =	vld.idx.msk [tilespmem:v6+s12+$0x0], $0xffff;
	[tilespmem:s26+$0x20] =	vst v26  }
0x1b8: {  	v35 =	vld.idx.msk [tilespmem:v22+s12+$0x0], $0xffff;
	v26 =	vperm.xlane v15, v36;
	v36 =	vadd.s32 v0, v46;
	[tilespmem:s26+$0x220] =	vst v23  }
0x1b9: {  	v31 =	vadd.s32 v0, v44;
	v28 =	vld.idx.msk [tilespmem:v24+s12+$0x0], $0xffff;
	[tilespmem:s24+$0x350] =	vst v7  }
0x1ba: {  	v33 =	vadd.s32 v0, v29;
	v38 =	vadd.s32 v0, v53;
	v25 =	vld.idx.msk [tilespmem:v25+s12+$0x0], $0xffff;
	[tilespmem:s24+$0xFFFFFF30] =	vst v16  }
0x1bb: {  	v49 =	vperm.xlane v9, v41;
	v45 =	vmovc v42;
	v42 =	vimm.s32 $0xB;
	v14 =	vperm.xlane v12, v41;
	v34 =	vld.idx.msk [tilespmem:v34+s12+$0x0], $0xffff;
	[tilespmem:s26+$0xFFFFFC30] =	vst v27  }
0x1bc: {  	v30 =	vperm.xlane v9, v42;
	v19 =	vld.idx.msk [tilespmem:v19+s12+$0x0], $0xffff;
	[tilespmem:s24+$0xFFFFFD70] =	vst v6;
	v6 =	vadd.s32 v0, v52  }
0x1bd: {  	v22 =	vperm.xlane v15, v41;
	v41 =	vmov v14;
	v36 =	vld.idx.msk [tilespmem:v36+s12+$0x0], $0xffff;
	[tilespmem:s26+$0xFFFFFE30] =	vst v35;
	v35 =	vadd.s32 v3, v56  }
0x1be: {  	v7 =	vadd.s32 v3, v20;
	[tilespmem:$0x1FF90] =	vst v41;
	v31 =	vld.idx.msk [tilespmem:v31+s12+$0x0], $0xffff  }
0x1bf: {  	v16 =	vmov v30;
	v30 =	vld.idx.msk [tilespmem:v38+s12+$0x0], $0xffff;
	[tilespmem:s26+$0x230] =	vst v28  }
0x1c0: {  	[tilespmem:s26+$0x30] =	vst v25;
	v25 =	vadd.s32 v3, v46;
	v33 =	vld.idx.msk [tilespmem:v33+s12+$0x0], $0xffff  }
0x1c1: {  	v40 =	vimm.s32 $0xC;
	v28 =	vadd.s32 v3, v44;
	[tilespmem:s24+$0x360] =	vst v34;
	v6 =	vld.idx.msk [tilespmem:v6+s12+$0x0], $0xffff  }
0x1c2: {  	v21 =	vperm.xlane v5, v40;
	v46 =	vadd.s32 v3, v29;
	[tilespmem:s26+$0xFFFFFC40] =	vst v19;
	v35 =	vld.idx.msk [tilespmem:v35+s12+$0x0], $0xffff  }
0x1c3: {  	v50 =	vperm.xlane v12, v39;
	v37 =	vperm.xlane v9, v40;
	[tilespmem:s24+$0xFFFFFF40] =	vst v36;
	v7 =	vld.idx.msk [tilespmem:v7+s12+$0x0], $0xffff  }
0x1c4: {  	v43 =	vimm.s32 $0xD;
	v53 =	vadd.s32 v3, v53;
	v44 =	vmovc v21;
	[tilespmem:s24+$0xFFFFFD80] =	vst v31;
	v31 =	vadd.s32 v3, v52;
	v52 =	vld [tilespmem:$0x1FFC0]  }
0x1c5: {  	v23 =	vperm.xlane v12, v40;
	v24 =	vperm.xlane v9, v43;
	[tilespmem:$0x1FFB0] =	vst v44;
	v25 =	vld.idx.msk [tilespmem:v25+s12+$0x0], $0xffff  }
0x1c6: {  	v20 =	vperm.xlane v12, v43;
	v34 =	vadd.s32 v0, v51;
	v28 =	vld.idx.msk [tilespmem:v28+s12+$0x0], $0xffff;
	[tilespmem:s26+$0x240] =	vst v33  }
0x1c7: {  	v27 =	vperm.xlane v12, v42;
	v56 =	vimm.s32 $0xF;
	v44 =	vimm.s32 $0xE;
	[tilespmem:s26+$0xFFFFFE40] =	vst v30;
	v30 =	vld.idx.msk [tilespmem:v46+s12+$0x0], $0xffff  }
0x1c8: {  	[tilespmem:$0x1FFA0] =	vst v16;
	v29 =	vperm.xlane v9, v56;
	v38 =	vadd.s32 v0, v17;
	v21 =	vperm.xlane v9, v44;
	v46 =	vld [tilespmem:$0x1FFD0]  }
0x1c9: {  	v16 =	vperm.xlane v12, v44;
	v9 =	vperm.xlane v12, v56;
	v12 =	vmov v26;
	v26 =	vld.idx.msk [tilespmem:v53+s12+$0x0], $0xffff;
	[tilespmem:s26+$0x40] =	vst v6  }
0x1ca: {  	v39 =	vperm.xlane v15, v39;
	v36 =	vadd.s32 v0, v52;
	[tilespmem:s26+$0xFFFFFC50] =	vst v7;
	v31 =	vld.idx.msk [tilespmem:v31+s12+$0x0], $0xffff  }
0x1cb: {  	v48 =	vperm.xlane v5, v42;
	v34 =	vld.idx.msk [tilespmem:v34+s12+$0x0], $0xffff;
	[tilespmem:s24+$0xFFFFFD90] =	vst v28;
	v28 =	vadd.s32 v0, v8  }
0x1cc: {  	v53 =	vperm.xlane v15, v44;
	v6 =	vperm.xlane v5, v44;
	v44 =	vld [tilespmem:$0x1FE30];
	[tilespmem:s24+$0x370] =	vst v35;
	v35 =	vadd.s32 v3, v51  }
0x1cd: {  	v14 =	vperm.xlane v15, v40;
	[tilespmem:s24+$0xFFFFFF50] =	vst v25;
	v25 =	vld.idx.msk [tilespmem:v38+s12+$0x0], $0xffff;
	v40 =	vadd.s32 v0, v46  }
0x1ce: {  	v41 =	vadd.s32 v0, v32;
	[tilespmem:$0x1FFC0] =	vst v12;
	v12 =	vperm.xlane v5, v43;
	v7 =	vperm.xlane v15, v43;
	v43 =	vld [tilespmem:$0x1FFE0]  }
0x1cf: {  	v19 =	vperm.xlane v15, v42;
	v42 =	vadd.s32 v0, v18;
	v36 =	vld.idx.msk [tilespmem:v36+s12+$0x0], $0xffff;
	[tilespmem:s26+$0x50] =	vst v31  }
0x1d0: {  	v33 =	vadd.s32 v3, v52;
	v31 =	vadd.s32 v3, v46;
	v46 =	vmov v27;
	[tilespmem:s26+$0xFFFFFC60] =	vst v34;
	v27 =	vld.idx.msk [tilespmem:v28+s12+$0x0], $0xffff  }
0x1d1: {  	v52 =	vperm.xlane v5, v56;
	[tilespmem:s26+$0x250] =	vst v30;
	v28 =	vadd.s32 v3, v32;
	v32 =	vld.idx.msk [tilespmem:v35+s12+$0x0], $0xffff  }
0x1d2: {  	v5 =	vperm.xlane v15, v56;
	v38 =	vadd.s32 v3, v17;
	v15 =	vld.idx.msk [tilespmem:v40+s12+$0x0], $0xffff;
	[tilespmem:s26+$0xFFFFFE50] =	vst v26  }
0x1d3: {  	v26 =	vld.idx.msk [tilespmem:v41+s12+$0x0], $0xffff;
	[tilespmem:s24+$0x380] =	vst v25;
	v25 =	vadd.s32 v0, v13  }
0x1d4: {  	v56 =	vmov v37;
	v37 =	vld.idx.msk [tilespmem:v42+s12+$0x0], $0xffff;
	v42 =	vadd.s32 v3, v8;
	v8 =	vmov v39;
	[tilespmem:s24+$0x100] =	vst v36  }
0x1d5: {  	[tilespmem:$0x1FFE0] =	vst v8;
	v8 =	vld [tilespmem:$0x1FFF0]  }
0x1d6: {  	v33 =	vld.idx.msk [tilespmem:v33+s12+$0x0], $0xffff;
	[tilespmem:s26+$0xFFFFFC70] =	vst v32  }
0x1d7: {  	v18 =	vadd.s32 v3, v18;
	[tilespmem:s24+$0xFFFFFF60] =	vst v15;
	v15 =	vld.idx.msk [tilespmem:v38+s12+$0x0], $0xffff  }
0x1d8: {  	[tilespmem:$0x1FFD0] =	vst v46;
	v25 =	vld.idx.msk [tilespmem:v25+s12+$0x0], $0xffff  }
0x1d9: {  	v30 =	vadd.s32 v0, v43;
	[tilespmem:s26+$0x260] =	vst v26;
	v26 =	vld.idx.msk [tilespmem:v31+s12+$0x0], $0xffff  }
0x1da: {  	v46 =	vadd.s32 v0, v45;
	[tilespmem:s26+$0x60] =	vst v27;
	v28 =	vld.idx.msk [tilespmem:v28+s12+$0x0], $0xffff  }
0x1db: {  	v13 =	vadd.s32 v3, v13;
	[tilespmem:s26+$0xFFFFFE60] =	vst v37;
	v31 =	vadd.s32 v3, v43;
	v17 =	vld.idx.msk [tilespmem:v42+s12+$0x0], $0xffff  }
0x1dc: {  	v18 =	vld.idx.msk [tilespmem:v18+s12+$0x0], $0xffff;
	v27 =	vadd.s32 v0, v8;
	v43 =	vadd.s32 v3, v8;
	v8 =	vmov v23;
	[tilespmem:s24+$0x110] =	vst v33  }
0x1dd: {  	v33 =	vadd.s32 v0, v2;
	[tilespmem:$0x1FFF0] =	vst v8;
	v8 =	vadd.s32 v3, v2;
	v2 =	vld [tilespmem:$0x1FE50]  }
0x1de: {  	v42 =	vadd.s32 v0, v11;
	v30 =	vld.idx.msk [tilespmem:v30+s12+$0x0], $0xffff;
	[tilespmem:s24+$0x390] =	vst v15  }
0x1df: {  	v35 =	vadd.s32 v0, v10;
	[tilespmem:s26+$0xFFFFFC80] =	vst v25;
	v15 =	vld.idx.msk [tilespmem:v46+s12+$0x0], $0xffff  }
0x1e0: {  	[tilespmem:s26+$0x270] =	vst v28;
	v28 =	vadd.s32 v3, v45;
	v45 =	vld [tilespmem:$0x1FE40]  }
0x1e1: {  	[tilespmem:s24+$0xFFFFFF70] =	vst v26;
	v13 =	vld.idx.msk [tilespmem:v13+s12+$0x0], $0xffff  }
0x1e2: {  	v26 =	vld.idx.msk [tilespmem:v27+s12+$0x0], $0xffff  }
0x1e3: {  	[tilespmem:s26+$0xFFFFFE70] =	vst v18;
	v18 =	vld.idx.msk [tilespmem:v42+s12+$0x0], $0xffff  }
0x1e4: {  	[tilespmem:s26+$0x70] =	vst v17;
	v42 =	vmov v24;
	v24 =	vld.idx.msk [tilespmem:v35+s12+$0x0], $0xffff  }
0x1e5: {  	v11 =	vadd.s32 v3, v11;
	v23 =	vld.idx.msk [tilespmem:v33+s12+$0x0], $0xffff  }
0x1e6: {  	v33 =	vadd.s32 v3, v61;
	[tilespmem:s24+$0x120] =	vst v30;
	v30 =	vmov v19;
	v19 =	vadd.s32 v0, v61;
	v61 =	vld [tilespmem:$0x1FEB0]  }
0x1e7: {  	v25 =	vld.idx.msk [tilespmem:v31+s12+$0x0], $0xffff;
	[tilespmem:s24+$0x3A0] =	vst v15  }
0x1e8: {  	v15 =	vadd.s32 v0, v4;
	[tilespmem:s24+$0xFFFFFF80] =	vst v26;
	v26 =	vld.idx.msk [tilespmem:v28+s12+$0x0], $0xffff  }
0x1e9: {  	v10 =	vadd.s32 v3, v10;
	[tilespmem:s26+$0xFFFFFC90] =	vst v13;
	v28 =	vld [tilespmem:$0x1FE60]  }
0x1ea: {  	v27 =	vadd.s32 v0, v47;
	[tilespmem:s26+$0x280] =	vst v18;
	v17 =	vld.idx.msk [tilespmem:v43+s12+$0x0], $0xffff  }
0x1eb: {  	v11 =	vld.idx.msk [tilespmem:v11+s12+$0x0], $0xffff;
	[tilespmem:s26+$0x80] =	vst v23  }
0x1ec: {  	[tilespmem:s26+$0xFFFFFE80] =	vst v24;
	v24 =	vadd.s32 v0, v2;
	v8 =	vld.idx.msk [tilespmem:v8+s12+$0x0], $0xffff  }
0x1ed: {  	[tilespmem:s24+$0x130] =	vst v25;
	v25 =	vadd.s32 v0, v63;
	v15 =	vld.idx.msk [tilespmem:v15+s12+$0x0], $0xffff  }
0x1ee: {  	v10 =	vld.idx.msk [tilespmem:v10+s12+$0x0], $0xffff  }
0x1ef: {  	v27 =	vld.idx.msk [tilespmem:v27+s12+$0x0], $0xffff  }
0x1f0: {  	v31 =	vmov v22;
	v22 =	vadd.s32 v0, v28;
	[tilespmem:s24+$0x3B0] =	vst v26;
	v26 =	vld [tilespmem:$0x1FEE0]  }
0x1f1: {  	v13 =	vadd.s32 v0, v1;
	v46 =	vld.idx.msk [tilespmem:v24+s12+$0x0], $0xffff;
	[tilespmem:s26+$0x90] =	vst v8  }
0x1f2: {  	v4 =	vadd.s32 v3, v4;
	[tilespmem:s26+$0xFFFFFCA0] =	vst v15;
	v15 =	vld.idx.msk [tilespmem:v25+s12+$0x0], $0xffff  }
0x1f3: {  	[tilespmem:s24+$0xFFFFFF90] =	vst v17;
	v25 =	vld [tilespmem:$0x1FE90]  }
0x1f4: {  	v18 =	vadd.s32 v3, v47;
	[tilespmem:s24+$0x140] =	vst v27;
	v27 =	vld [tilespmem:$0x1FF30]  }
0x1f5: {  	v23 =	vadd.s32 v0, v58;
	[tilespmem:s26+$0x290] =	vst v11;
	v11 =	vld.idx.msk [tilespmem:v22+s12+$0x0], $0xffff  }
0x1f6: {  	[tilespmem:s26+$0xFFFFFE90] =	vst v10;
	v10 =	vld.idx.msk [tilespmem:v13+s12+$0x0], $0xffff;
	v22 =	vadd.s32 v3, v2  }
0x1f7: {  	v4 =	vld.idx.msk [tilespmem:v4+s12+$0x0], $0xffff  }
0x1f8: {  	v2 =	vadd.s32 v3, v1;
	v1 =	vadd.s32 v3, v58;
	v58 =	vld [tilespmem:$0x1FE70]  }
0x1f9: {  	v8 =	vadd.s32 v3, v28;
	v18 =	vld.idx.msk [tilespmem:v18+s12+$0x0], $0xffff  }
0x1fa: {  	v24 =	vmov v21;
	v21 =	vld.idx.msk [tilespmem:v23+s12+$0x0], $0xffff;
	[tilespmem:s24+$0x3C0] =	vst v46  }
0x1fb: {  	v23 =	vmov v20;
	v20 =	vadd.s32 v3, v63;
	[tilespmem:s24+$0xFFFFFFA0] =	vst v11;
	v11 =	vld.idx.msk [tilespmem:v22+s12+$0x0], $0xffff  }
0x1fc: {  	v13 =	vadd.s32 v0, v57;
	v63 =	vadd.s32 v0, v62;
	[tilespmem:s26+$0x2A0] =	vst v10;
	v10 =	vadd.s32 v3, v57;
	v57 =	vld [tilespmem:$0x1FE80]  }
0x1fd: {  	v22 =	vld [tilespmem:$0x1FEA0]  }
0x1fe: {  	[tilespmem:s26+$0xA0] =	vst v15;
	v8 =	vld.idx.msk [tilespmem:v8+s12+$0x0], $0xffff  }
0x1ff: {  	[tilespmem:s26+$0xFFFFFEA0] =	vst v21;
	v2 =	vld.idx.msk [tilespmem:v2+s12+$0x0], $0xffff;
	v21 =	vadd.s32 v0, v25  }
0x200: {  	[tilespmem:s26+$0xFFFFFCB0] =	vst v4;
	v4 =	vld.idx.msk [tilespmem:v20+s12+$0x0], $0xffff  }
0x201: {  	v17 =	vld.idx.msk [tilespmem:v63+s12+$0x0], $0xffff;
	[tilespmem:s24+$0x150] =	vst v18;
	v18 =	vadd.s32 v0, v59  }
0x202: {  	v1 =	vld.idx.msk [tilespmem:v1+s12+$0x0], $0xffff  }
0x203: {  	v13 =	vld.idx.msk [tilespmem:v13+s12+$0x0], $0xffff;
	[tilespmem:s24+$0x3D0] =	vst v11  }
0x204: {  	v15 =	vadd.s32 v0, v22;
	[tilespmem:s24+$0xFFFFFFB0] =	vst v8;
	v8 =	vld.idx.msk [tilespmem:v21+s12+$0x0], $0xffff  }
0x205: {  	v21 =	vmov v29;
	[tilespmem:s26+$0xB0] =	vst v4;
	v29 =	vld [tilespmem:$0x1FF20]  }
0x206: {  	v32 =	vld.idx.msk [tilespmem:v18+s12+$0x0], $0xffff  }
0x207: {  	v20 =	vadd.s32 v0, v60;
	v18 =	vadd.s32 v3, v60;
	v60 =	vld [tilespmem:$0x1FEC0]  }
0x208: {  	v11 =	vadd.s32 v3, v62;
	[tilespmem:s24+$0x160] =	vst v13;
	v13 =	vadd.s32 v3, v59;
	v59 =	vld [tilespmem:$0x1FED0]  }
0x209: {  	[tilespmem:s26+$0x2B0] =	vst v2;
	v2 =	vld.idx.msk [tilespmem:v15+s12+$0x0], $0xffff  }
0x20a: {  	[tilespmem:s26+$0xFFFFFEB0] =	vst v1;
	v1 =	vld.idx.msk [tilespmem:v19+s12+$0x0], $0xffff;
	v19 =	vadd.s32 v3, v25  }
0x20b: {  	v4 =	vadd.s32 v3, v22;
	v10 =	vld.idx.msk [tilespmem:v10+s12+$0x0], $0xffff  }
0x20c: {  	[tilespmem:s26+$0xFFFFFCC0] =	vst v17;
	v20 =	vld.idx.msk [tilespmem:v20+s12+$0x0], $0xffff  }
0x20d: {  	v11 =	vld.idx.msk [tilespmem:v11+s12+$0x0], $0xffff  }
0x20e: {  	v25 =	vld [tilespmem:$0x1FEF0];
	[tilespmem:s24+$0x3E0] =	vst v8  }
0x20f: {  	[tilespmem:s24+$0xFFFFFFC0] =	vst v2;
	v2 =	vld.idx.msk [tilespmem:v19+s12+$0x0], $0xffff  }
0x210: {  	v8 =	vadd.s32 v0, v26;
	[tilespmem:s26+$0x2C0] =	vst v1;
	v1 =	vld.idx.msk [tilespmem:v4+s12+$0x0], $0xffff  }
0x211: {  	v15 =	vadd.s32 v0, v55;
	[tilespmem:s26+$0xFFFFFEC0] =	vst v20;
	v20 =	vld [tilespmem:$0x1FF00]  }
0x212: {  	[tilespmem:s26+$0xC0] =	vst v32;
	v19 =	vadd.s32 v3, v55;
	v55 =	vld [tilespmem:$0x1FF10]  }
0x213: {  	v43 =	vadd.s32 v0, v25;
	[tilespmem:s26+$0xFFFFFCD0] =	vst v11;
	v11 =	vld.idx.msk [tilespmem:v13+s12+$0x0], $0xffff  }
0x214: {  	[tilespmem:s24+$0x170] =	vst v10;
	v10 =	vadd.s32 v0, v27;
	v4 =	vld.idx.msk [tilespmem:v33+s12+$0x0], $0xffff  }
0x215: {  	v8 =	vld.idx.msk [tilespmem:v8+s12+$0x0], $0xffff  }
0x216: {  	v15 =	vld.idx.msk [tilespmem:v15+s12+$0x0], $0xffff;
	v46 =	vadd.s32 v0, v20  }
0x217: {  	v28 =	vmov v14;
	v14 =	vld.idx.msk [tilespmem:v18+s12+$0x0], $0xffff;
	v13 =	vadd.s32 v0, v55  }
0x218: {  	v17 =	vld.idx.msk [tilespmem:v43+s12+$0x0], $0xffff;
	[tilespmem:s26+$0xD0] =	vst v11  }
0x219: {  	[tilespmem:s24+$0x3F0] =	vst v2;
	v2 =	vadd.s32 v3, v26;
	v11 =	vadd.s32 v3, v20;
	v20 =	vmov v9;
	v9 =	vld.idx.msk [tilespmem:v10+s12+$0x0], $0xffff  }
0x21a: {  	v18 =	vadd.s32 v0, v29;
	[tilespmem:s24+$0xFFFFFFD0] =	vst v1;
	v10 =	vadd.s32 v3, v29;
	v29 =	vld [tilespmem:$0x1FF50]  }
0x21b: {  	[tilespmem:s26+$0x2D0] =	vst v4;
	v1 =	vld.idx.msk [tilespmem:v46+s12+$0x0], $0xffff  }
0x21c: {  	v4 =	vld.idx.msk [tilespmem:v13+s12+$0x0], $0xffff  }
0x21d: {  	[tilespmem:s26+$0xFFFFFCE0] =	vst v8;
	v13 =	vadd.s32 v3, v25;
	v25 =	vld [tilespmem:$0x1FF40]  }
0x21e: {  	v2 =	vld.idx.msk [tilespmem:v2+s12+$0x0], $0xffff;
	[tilespmem:s26+$0xFFFFFED0] =	vst v14  }
0x21f: {  	v26 =	vmov v12;
	v8 =	vadd.s32 v3, v55;
	[tilespmem:s24+$0xFFFFFDA0] =	vst v17;
	v12 =	vld.idx.msk [tilespmem:v18+s12+$0x0], $0xffff  }
0x220: {  	[tilespmem:s24+$0xFFFFFFE0] =	vst v1;
	v1 =	vld [tilespmem:$0x1FF60]  }
0x221: {  	[tilespmem:s26+$0x2E0] =	vst v4;
	v4 =	vld.idx.msk [tilespmem:v11+s12+$0x0], $0xffff  }
0x222: {  	[tilespmem:s24+$0x180] =	vst v15;
	v63 =	vadd.s32 v0, v29;
	v13 =	vld.idx.msk [tilespmem:v13+s12+$0x0], $0xffff  }
0x223: {  	v15 =	vadd.s32 v3, v27;
	v62 =	vld.idx.msk [tilespmem:v19+s12+$0x0], $0xffff;
	[tilespmem:s26+$0xE0] =	vst v9  }
0x224: {  	v14 =	vadd.s32 v0, v25;
	[tilespmem:s26+$0xFFFFFEE0] =	vst v12;
	v12 =	vld.idx.msk [tilespmem:v8+s12+$0x0], $0xffff  }
0x225: {  	s29 =	sadd.s32 $0x4, s29;
	[tilespmem:s26+$0xFFFFFCF0] =	vst v2;
	v2 =	vadd.s32 v0, v54;
	v19 =	vld.idx.msk [tilespmem:v10+s12+$0x0], $0xffff  }
0x226: {  	p1 =	slt.u32 s29, $0x1C;
	v51 =	vadd.s32 v3, v6;
	v18 =	vadd.s32 v0, v1;
	[tilespmem:s24+$0xFFFFFFF0] =	vst v4;
	v4 =	vld [tilespmem:$0x1FF70]  }
.Ltmp4:
0x227: {  	v34 =	vimm.s32 $0x5;
	v40 =	vimm.s32 $0x6;
	v41 =	vimm.s32 $0x7;
	v27 =	vmovc v7;
	v7 =	vld.idx.msk [tilespmem:v63+s12+$0x0], $0xffff;
	[tilespmem:s24+$0xFFFFFDB0] =	vst v13;
	(pc) =	sbr.rel @p1 .LBB2_11-.Ltmp4, $4  }
0x228: {  	v39 =	vimm.s32 $0x4;
	v36 =	vimm.s32 $0x1;
	v38 =	vimm.s32 $0x3;
	v47 =	vmovc v50;
	v1 =	vld.idx.msk [tilespmem:v15+s12+$0x0], $0xffff;
	[tilespmem:s24+$0x190] =	vst v62  }
0x229: {  	v37 =	vimm.s32 $0x2;
	v50 =	vmovc v54;
	v22 =	vmovc v16;
	v8 =	vadd.s32 v3, v25;
	v25 =	vmov v6;
	v10 =	vld.idx.msk [tilespmem:v14+s12+$0x0], $0xffff;
	[tilespmem:s26+$0x2F0] =	vst v12  }
0x22a: {  	v35 =	vimm.s32 $0x0;
	v11 =	vadd.s32 v3, v29;
	v12 =	vmovc v5;
	[tilespmem:s26+$0xFFFFFEF0] =	vst v19;
	v5 =	vld.idx.msk [tilespmem:v2+s12+$0x0], $0xffff;
	v2 =	vadd.s32 v3, v58  }
0x22b: {  	s31 =	sadd.s32 $0x200, s31;
	s30 =	sadd.s32 $0x40, s30;
	s28 =	smov.u32 s26;
	v9 =	vld.idx.msk [tilespmem:v18+s12+$0x0], $0xffff;
	v55 =	vadd.s32 v0, v4;
	v54 =	vadd.s32 v3, v4;
	v4 =	vadd.s32 v0, v44  }
0x22c: {  	_ =	sdelay $0x2  }
0x22d: {  	[tilespmem:s26+$0xFFFFFD00] =	vst v7  }
0x22e: {  	v6 =	vld.idx.msk [tilespmem:v11+s12+$0x0], $0xffff;
	[tilespmem:s24+$0x1A0] =	vst v10  }
0x22f: {  	v7 =	vadd.s32 v0, v61;
	v8 =	vld.idx.msk [tilespmem:v8+s12+$0x0], $0xffff  }
0x230: {  	[tilespmem:s24+$0xFFFFFDC0] =	vst v9  }
0x231: {  	v9 =	vadd.s32 v3, v50;
	v10 =	vld.idx.msk [tilespmem:v45+s12+$0x0], $0xffff  }
0x232: {  	v11 =	vadd.s32 v0, v58  }
0x233: {  	[tilespmem:s26+$0xFFFFFD10] =	vst v6  }
0x234: {  	v6 =	vld.idx.msk [tilespmem:v7+s12+$0x0], $0xffff;
	[tilespmem:s24+$0x1B0] =	vst v8  }
0x235: {  	[tilespmem:s26+$0x300] =	vst v5;
	v4 =	vld.idx.msk [tilespmem:v4+s12+$0x0], $0xffff  }
0x236: {  	v8 =	vld.idx.msk [tilespmem:v9+s12+$0x0], $0xffff;
	[tilespmem:s24+$0xFFFFFDD0] =	vst v10  }
0x237: {  	v9 =	vld.idx.msk [tilespmem:v11+s12+$0x0], $0xffff;
	_ =	sdelay $0x1  }
0x238: {  	[tilespmem:s26+$0xFFFFFD20] =	vst v6  }
0x239: {  	[tilespmem:s24+$0x1C0] =	vst v4  }
0x23a: {  	[tilespmem:s26+$0x310] =	vst v8  }
0x23b: {  	v5 =	vadd.s32 v3, v61;
	[tilespmem:s24+$0xFFFFFDE0] =	vst v9  }
0x23c: {  	v7 =	vadd.s32 v3, v44;
	v9 =	vld [tilespmem:$0x1FFC0];
	_ =	sdelay $0x3  }
0x23d: {  	v11 =	vadd.s32 v0, v57;
	v5 =	vld.idx.msk [tilespmem:v5+s12+$0x0], $0xffff  }
0x23e: {  	v4 =	vld.idx.msk [tilespmem:v7+s12+$0x0], $0xffff;
	v7 =	vadd.s32 v0, v9;
	_ =	sdelay $0x3  }
0x23f: {  	v10 =	vadd.s32 v0, v60;
	v8 =	vld.idx.msk [tilespmem:v11+s12+$0x0], $0xffff;
	[tilespmem:s26+$0xF0] =	vst v1  }
0x240: {  	[tilespmem:s26+$0xFFFFFD30] =	vst v5;
	v5 =	vadd.s32 v3, v57;
	v1 =	vld.idx.msk [tilespmem:v7+s12+$0x0], $0xffff;
	_ =	sdelay $0x3  }
0x241: {  	v6 =	vld.idx.msk [tilespmem:v10+s12+$0x0], $0xffff;
	[tilespmem:s28+$0xFFFFFF00] =	vst v8  }
0x242: {  	v5 =	vld.idx.msk [tilespmem:v5+s12+$0x0], $0xffff;
	v7 =	vadd.s32 v3, v9;
	[tilespmem:s28+$0x100] =	vst v1  }
0x243: {  	v10 =	vld [tilespmem:$0x1FFE0]  }
0x244: {  	v8 =	vadd.s32 v0, v47;
	_ =	sdelay $0x2  }
0x245: {  	v1 =	vld.idx.msk [tilespmem:v7+s12+$0x0], $0xffff  }
0x246: {  	[tilespmem:s28+$0xFFFFFF10] =	vst v5;
	v7 =	vadd.s32 v0, v10  }
0x247: {  	v5 =	vadd.s32 v3, v60;
	v8 =	vld.idx.msk [tilespmem:v8+s12+$0x0], $0xffff;
	_ =	sdelay $0x2  }
0x248: {  	v2 =	vld.idx.msk [tilespmem:v2+s12+$0x0], $0xffff;
	[tilespmem:s28+$0x110] =	vst v1  }
0x249: {  	[tilespmem:s26+$0x320] =	vst v6;
	v1 =	vld.idx.msk [tilespmem:v7+s12+$0x0], $0xffff  }
0x24a: {  	v9 =	vadd.s32 v3, v47;
	v5 =	vld.idx.msk [tilespmem:v5+s12+$0x0], $0xffff;
	[tilespmem:s28+$0xFFFFFF20] =	vst v8  }
0x24b: {  	v11 =	vld [tilespmem:$0x1FF90];
	_ =	sdelay $0x1  }
0x24c: {  	v7 =	vadd.s32 v3, v10  }
0x24d: {  	v6 =	vadd.s32 v0, v49  }
0x24e: {  	v8 =	vld.idx.msk [tilespmem:v9+s12+$0x0], $0xffff;
	[tilespmem:s28+$0x120] =	vst v1;
	v1 =	vadd.s32 v0, v59  }
0x24f: {  	v9 =	vadd.s32 v0, v11;
	_ =	sdelay $0x1  }
0x250: {  	[tilespmem:s28+$0x330] =	vst v5;
	v7 =	vld.idx.msk [tilespmem:v7+s12+$0x0], $0xffff  }
0x251: {  	v5 =	vld.idx.msk [tilespmem:v6+s12+$0x0], $0xffff  }
0x252: {  	[tilespmem:s28+$0xFFFFFF30] =	vst v8;
	v1 =	vld.idx.msk [tilespmem:v1+s12+$0x0], $0xffff  }
0x253: {  	v10 =	vadd.s32 v0, v31;
	v8 =	vld.idx.msk [tilespmem:v9+s12+$0x0], $0xffff;
	_ =	sdelay $0x1  }
0x254: {  	[tilespmem:s28+$0x130] =	vst v7  }
0x255: {  	v6 =	vadd.s32 v3, v49;
	[tilespmem:s28+$0x340] =	vst v5  }
0x256: {  	v7 =	vadd.s32 v3, v59;
	[tilespmem:s28+$0xFFFFFD40] =	vst v1  }
0x257: {  	v9 =	vadd.s32 v3, v11;
	v10 =	vld.idx.msk [tilespmem:v10+s12+$0x0], $0xffff;
	[tilespmem:s28+$0xFFFFFF40] =	vst v8  }
0x258: {  	v13 =	vld [tilespmem:$0x1FFA0]  }
0x259: {  	v11 =	vadd.s32 v3, v31;
	v14 =	vld [tilespmem:$0x1FFD0]  }
0x25a: {  	v5 =	vld.idx.msk [tilespmem:v6+s12+$0x0], $0xffff  }
0x25b: {  	v7 =	vld.idx.msk [tilespmem:v7+s12+$0x0], $0xffff  }
0x25c: {  	v6 =	vld.idx.msk [tilespmem:v9+s12+$0x0], $0xffff;
	v9 =	vadd.s32 v0, v48  }
0x25d: {  	[tilespmem:s28+$0x140] =	vst v10;
	v1 =	vadd.s32 v0, v13  }
0x25e: {  	v10 =	vld.idx.msk [tilespmem:v11+s12+$0x0], $0xffff;
	v8 =	vadd.s32 v0, v14  }
0x25f: {  	v11 =	vadd.s32 v0, v30  }
0x260: {  	[tilespmem:s28+$0xFFFFFD50] =	vst v7  }
0x261: {  	[tilespmem:s28+$0x350] =	vst v5;
	v7 =	vld.idx.msk [tilespmem:v9+s12+$0x0], $0xffff  }
0x262: {  	[tilespmem:s28+$0xFFFFFF50] =	vst v6;
	v1 =	vld.idx.msk [tilespmem:v1+s12+$0x0], $0xffff  }
0x263: {  	[tilespmem:s28+$0x150] =	vst v10;
	v6 =	vld.idx.msk [tilespmem:v8+s12+$0x0], $0xffff  }
0x264: {  	v10 =	vld.idx.msk [tilespmem:v11+s12+$0x0], $0xffff;
	_ =	sdelay $0x1  }
0x265: {  	[tilespmem:s28+$0xFFFFFD60] =	vst v7  }
0x266: {  	v5 =	vadd.s32 v3, v13;
	[tilespmem:s28+$0x360] =	vst v1  }
0x267: {  	v8 =	vadd.s32 v3, v14;
	[tilespmem:s28+$0xFFFFFF60] =	vst v6  }
0x268: {  	v9 =	vadd.s32 v3, v48;
	v57 =	vld [tilespmem:$0x1FFF0];
	[tilespmem:s28+$0x160] =	vst v10  }
0x269: {  	v11 =	vadd.s32 v3, v30;
	v58 =	vld [tilespmem:$0x1FFB0];
	_ =	sdelay $0x1  }
0x26a: {  	v1 =	vld.idx.msk [tilespmem:v5+s12+$0x0], $0xffff  }
0x26b: {  	v5 =	vadd.s32 v0, v56;
	v6 =	vld.idx.msk [tilespmem:v8+s12+$0x0], $0xffff  }
0x26c: {  	v7 =	vld.idx.msk [tilespmem:v9+s12+$0x0], $0xffff;
	v8 =	vadd.s32 v0, v57  }
0x26d: {  	v10 =	vld.idx.msk [tilespmem:v11+s12+$0x0], $0xffff;
	v9 =	vadd.s32 v0, v58  }
0x26e: {  	v11 =	vadd.s32 v0, v28  }
0x26f: {  	[tilespmem:s28+$0x370] =	vst v1  }
0x270: {  	[tilespmem:s28+$0xFFFFFF70] =	vst v6;
	v1 =	vld.idx.msk [tilespmem:v5+s12+$0x0], $0xffff  }
0x271: {  	[tilespmem:s28+$0xFFFFFD70] =	vst v7;
	v5 =	vadd.s32 v3, v56;
	v6 =	vld.idx.msk [tilespmem:v8+s12+$0x0], $0xffff  }
0x272: {  	[tilespmem:s28+$0x170] =	vst v10;
	v8 =	vadd.s32 v3, v57;
	v7 =	vld.idx.msk [tilespmem:v9+s12+$0x0], $0xffff  }
0x273: {  	v10 =	vld.idx.msk [tilespmem:v11+s12+$0x0], $0xffff;
	v9 =	vadd.s32 v3, v58  }
0x274: {  	v11 =	vadd.s32 v3, v28  }
0x275: {  	[tilespmem:s28+$0x380] =	vst v1  }
0x276: {  	v1 =	vld.idx.msk [tilespmem:v5+s12+$0x0], $0xffff;
	[tilespmem:s28+$0xFFFFFF80] =	vst v6  }
0x277: {  	v5 =	vadd.s32 v0, v42;
	[tilespmem:s28+$0xFFFFFD80] =	vst v7;
	v6 =	vld.idx.msk [tilespmem:v8+s12+$0x0], $0xffff  }
0x278: {  	[tilespmem:s28+$0x180] =	vst v10;
	v8 =	vadd.s32 v0, v23;
	v7 =	vld.idx.msk [tilespmem:v9+s12+$0x0], $0xffff  }
0x279: {  	v10 =	vld.idx.msk [tilespmem:v11+s12+$0x0], $0xffff;
	v9 =	vadd.s32 v0, v26  }
0x27a: {  	v11 =	vadd.s32 v0, v27  }
0x27b: {  	[tilespmem:s28+$0x390] =	vst v1  }
0x27c: {  	v1 =	vld.idx.msk [tilespmem:v5+s12+$0x0], $0xffff;
	[tilespmem:s28+$0xFFFFFF90] =	vst v6  }
0x27d: {  	v5 =	vadd.s32 v3, v42;
	[tilespmem:s28+$0xFFFFFD90] =	vst v7;
	v6 =	vld.idx.msk [tilespmem:v8+s12+$0x0], $0xffff  }
0x27e: {  	[tilespmem:s28+$0x190] =	vst v10;
	v7 =	vadd.s32 v3, v23;
	v8 =	vld.idx.msk [tilespmem:v9+s12+$0x0], $0xffff  }
0x27f: {  	v10 =	vld.idx.msk [tilespmem:v11+s12+$0x0], $0xffff;
	v9 =	vadd.s32 v3, v26  }
0x280: {  	v11 =	vadd.s32 v3, v27  }
0x281: {  	[tilespmem:s28+$0x3A0] =	vst v1  }
0x282: {  	v1 =	vld.idx.msk [tilespmem:v5+s12+$0x0], $0xffff;
	[tilespmem:s28+$0xFFFFFFA0] =	vst v6  }
0x283: {  	v5 =	vadd.s32 v0, v24;
	v6 =	vld.idx.msk [tilespmem:v7+s12+$0x0], $0xffff;
	[tilespmem:s28+$0xFFFFFDA0] =	vst v8  }
0x284: {  	[tilespmem:s28+$0x1A0] =	vst v10;
	v7 =	vadd.s32 v0, v22;
	v8 =	vld.idx.msk [tilespmem:v9+s12+$0x0], $0xffff  }
0x285: {  	v10 =	vld.idx.msk [tilespmem:v11+s12+$0x0], $0xffff;
	v9 =	vadd.s32 v0, v25  }
0x286: {  	v11 =	vadd.s32 v0, v53  }
0x287: {  	[tilespmem:s28+$0x3B0] =	vst v1  }
0x288: {  	v1 =	vld.idx.msk [tilespmem:v5+s12+$0x0], $0xffff;
	[tilespmem:s28+$0xFFFFFFB0] =	vst v6  }
0x289: {  	v5 =	vadd.s32 v3, v24;
	v6 =	vld.idx.msk [tilespmem:v7+s12+$0x0], $0xffff;
	[tilespmem:s28+$0xFFFFFDB0] =	vst v8  }
0x28a: {  	[tilespmem:s28+$0x1B0] =	vst v10;
	v7 =	vadd.s32 v3, v22;
	v8 =	vld.idx.msk [tilespmem:v9+s12+$0x0], $0xffff  }
0x28b: {  	v9 =	vld.idx.msk [tilespmem:v11+s12+$0x0], $0xffff  }
0x28c: {  	v10 =	vadd.s32 v3, v53  }
0x28d: {  	[tilespmem:s28+$0x3C0] =	vst v1  }
0x28e: {  	v1 =	vld.idx.msk [tilespmem:v5+s12+$0x0], $0xffff;
	[tilespmem:s28+$0xFFFFFFC0] =	vst v6  }
0x28f: {  	v5 =	vadd.s32 v0, v21;
	v6 =	vld.idx.msk [tilespmem:v7+s12+$0x0], $0xffff;
	[tilespmem:s28+$0xFFFFFDC0] =	vst v8  }
0x290: {  	v7 =	vadd.s32 v0, v20;
	[tilespmem:s28+$0x1C0] =	vst v9;
	v8 =	vld.idx.msk [tilespmem:v51+s12+$0x0], $0xffff  }
0x291: {  	v9 =	vadd.s32 v0, v52;
	v10 =	vld.idx.msk [tilespmem:v10+s12+$0x0], $0xffff  }
0x292: {  	[tilespmem:s24+$0x1D0] =	vst v4;
	v4 =	vadd.s32 v0, v12  }
0x293: {  	v11 =	vld.idx.msk [tilespmem:v55+s12+$0x0], $0xffff;
	[tilespmem:s28+$0x3D0] =	vst v1  }
0x294: {  	v1 =	vld.idx.msk [tilespmem:v5+s12+$0x0], $0xffff;
	[tilespmem:s28+$0xFFFFFFD0] =	vst v6  }
0x295: {  	v5 =	vadd.s32 v3, v21;
	v6 =	vld.idx.msk [tilespmem:v7+s12+$0x0], $0xffff;
	[tilespmem:s28+$0xFFFFFDD0] =	vst v8  }
0x296: {  	v7 =	vadd.s32 v3, v20;
	[tilespmem:s28+$0x1D0] =	vst v10;
	v8 =	vld.idx.msk [tilespmem:v9+s12+$0x0], $0xffff  }
0x297: {  	v9 =	vadd.s32 v3, v52;
	v4 =	vld.idx.msk [tilespmem:v4+s12+$0x0], $0xffff  }
0x298: {  	[tilespmem:s24+$0x1E0] =	vst v11;
	v10 =	vadd.s32 v3, v12  }
0x299: {  	v11 =	vld.idx.msk [tilespmem:v54+s12+$0x0], $0xffff;
	[tilespmem:s28+$0x3E0] =	vst v1  }
0x29a: {  	v1 =	vld.idx.msk [tilespmem:v5+s12+$0x0], $0xffff;
	[tilespmem:s28+$0xFFFFFFE0] =	vst v6  }
0x29b: {  	v5 =	vld.idx.msk [tilespmem:v7+s12+$0x0], $0xffff;
	[tilespmem:s28+$0xFFFFFDE0] =	vst v8  }
0x29c: {  	[tilespmem:s28+$0x1E0] =	vst v4;
	v6 =	vld.idx.msk [tilespmem:v9+s12+$0x0], $0xffff  }
0x29d: {  	[tilespmem:s24+$0xFFFFFDF0] =	vst v2;
	v2 =	vld.idx.msk [tilespmem:v10+s12+$0x0], $0xffff  }
0x29e: {  	[tilespmem:s24+$0x1F0] =	vst v11  }
0x29f: {  	s0 =	sshll.u32 s20, $0x5;
	[tilespmem:s28+$0x3F0] =	vst v1  }
0x2a0: {  	s1 =	sshll.u32 s23, $0xB;
	s0 =	sand.u32 $0x60, s0;
	[tilespmem:s28+$0xFFFFFFF0] =	vst v5  }
0x2a1: {  	s2 =	sshll.u32 s22, $0x7;
	s1 =	sand.u32 $0x3FC000, s1;
	s0 =	sadd.s32 s6, s0;
	[tilespmem:s28+$0xFFFFFDF0] =	vst v6  }
0x2a2: {  	s25 =	sand.u32 $0x380, s2;
	s0 =	sadd.s32 s1, s0;
	[tilespmem:s28+$0x1F0] =	vst v2  }
0x2a3: {  	v26 =	vmov s25;
	[hbm4b:s0+s13] =	stream.strided.scatter [tilespmem:s15], [sflag:$0x1], $0x4000, s14, s13, $0x38;
	[tilespmem:$0x18680] =	vst v63  }
0x2a4: {  	s26 =	simm.s32 $0x0;
	s0 =	simm.s32 @!p0 $0x2  }
0x2a5: {  	s3 =	sand.u32 $0xC00, s26;
	_ =	swait.ge @!p0 [sflag:s0], $0x4000  }
0x2a6: {  	s1 =	sand.u32 $0x40, s26;
	s2 =	sadd.s32 s3, s21;
	[sflag:s0] =	ssyncset.done @!p0 $0x0  }
0x2a7: {  	s23 =	sor.u32 s5, s22;
	s10 =	sadd.s32 s1, s2;
	[sflag:s0] =	ssyncadd.s32 @!p0 $0xFFFFC000  }
0x2a8: {  	s25 =	sand.u32 $0x1FF, s23;
	v1 =	vld.idx.msk [tilespmem:v26+s10+$0x0 ss:$0x1], $0xffff  }
0x2a9: {  	s11 =	ssub.s32 $0x0, s25  }
0x2aa: {  	v2 =	vadd.s32 s11, v0  }
0x2ab: {  	vm0 =	vgt.s32 v2, $0xFFFFFFC0  }
0x2ac: {  	v2 =	vnsel vm0, $0xFFFFFFC0, v2  }
0x2ad: {  	s24 =	simm.s32 $0x30;
	vm0 =	vlt.s32 v2, $0x40;
	v1 =	vmul.u32 $0x81, v1  }
0x2ae: {  	s0 =	sand.u32 $0x70, s24;
	v2 =	vnsel vm0, $0x40, v2  }
0x2af: {  	s0 =	sadd.s32 s0, s2;
	v1 =	vadd.s32 v1, v2  }
0x2b0: {  	v2 =	vld.idx.msk [tilespmem:v26+s0+$0x0 ss:$0x1], $0xffff;
	v1 =	vadd.s32 $0x40, v1  }
0x2b1: {  	s26 =	ssub.s32 $0x30, s25;
	v21 =	vshll.u32 v1, $0x5  }
0x2b2: {  	v1 =	vadd.s32 s26, v0;
	v4 =	vperm.xlane v21, v35  }
0x2b3: {  	vm9 =	vgt.s32 v1, $0xFFFFFFC0  }
0x2b4: {  	v1 =	vnsel vm9, $0xFFFFFFC0, v1;
	v5 =	vadd.s32 v0, v4  }
0x2b5: {  	s1 =	simm.s32 $0x10;
	vm0 =	vlt.s32 v1, $0x40;
	v2 =	vmul.u32 $0x81, v2  }
0x2b6: {  	s0 =	sand.u32 $0x50, s1;
	v1 =	vnsel vm0, $0x40, v1  }
0x2b7: {  	s0 =	sadd.s32 s0, s2;
	v1 =	vadd.s32 v2, v1  }
0x2b8: {  	v2 =	vld.idx.msk [tilespmem:v26+s0+$0x0 ss:$0x1], $0xffff;
	v1 =	vshll.u32 v1, $0x5  }
0x2b9: {  	s3 =	ssub.s32 $0x10, s25;
	v19 =	vadd.s32 $0x800, v1;
	v1 =	vld.idx.msk [tilespmem:v5+s12+$0x0], $0xffff  }
0x2ba: {  	v6 =	vadd.s32 s3, v0;
	s10 =	simm.s32 $0x20;
	v4 =	vadd.s32 v3, v4;
	v5 =	vperm.xlane v19, v35  }
0x2bb: {  	vm10 =	vgt.s32 v6, $0xFFFFFFC0;
	s11 =	sand.u32 $0x60, s10  }
0x2bc: {  	v6 =	vnsel vm10, $0xFFFFFFC0, v6;
	s0 =	sadd.s32 s11, s2;
	v7 =	vadd.s32 v0, v5  }
0x2bd: {  	s24 =	simm.s32 $0x14A80;
	vm0 =	vlt.s32 v6, $0x40;
	v8 =	vld.idx.msk [tilespmem:v26+s0+$0x0 ss:$0x1], $0xffff;
	v2 =	vmul.u32 $0x81, v2  }
0x2be: {  	s26 =	ssub.s32 $0x20, s25;
	v9 =	vperm.xlane v21, v36;
	[tilespmem:s24+$0xFFFFFC00] =	vst v1;
	v1 =	vnsel vm0, $0x40, v6  }
0x2bf: {  	v6 =	vadd.s32 s26, v0;
	v4 =	vld.idx.msk [tilespmem:v4+s12+$0x0], $0xffff;
	v1 =	vadd.s32 v2, v1  }
0x2c0: {  	v2 =	vadd.s32 v0, v9;
	vm11 =	vgt.s32 v6, $0xFFFFFFC0;
	v1 =	vshll.u32 v1, $0x5  }
0x2c1: {  	v7 =	vld.idx.msk [tilespmem:v7+s12+$0x0], $0xffff;
	v6 =	vnsel vm11, $0xFFFFFFC0, v6;
	v20 =	vadd.s32 $0x800, v1;
	v1 =	vadd.s32 v3, v5  }
0x2c2: {  	vm0 =	vlt.s32 v6, $0x40;
	v5 =	vmul.u32 $0x81, v8;
	v8 =	vperm.xlane v20, v35  }
0x2c3: {  	v6 =	vnsel vm0, $0x40, v6  }
0x2c4: {  	[tilespmem:s24+$0xFFFFFC10] =	vst v4;
	v4 =	vadd.s32 v5, v6;
	v5 =	vadd.s32 v0, v8  }
0x2c5: {  	v2 =	vld.idx.msk [tilespmem:v2+s12+$0x0], $0xffff;
	v4 =	vshll.u32 v4, $0x5  }
0x2c6: {  	v6 =	vperm.xlane v19, v36;
	[tilespmem:s24+$0x200] =	vst v7;
	v7 =	vadd.s32 v3, v9;
	v22 =	vadd.s32 $0x800, v4  }
0x2c7: {  	v1 =	vld.idx.msk [tilespmem:v1+s12+$0x0], $0xffff;
	v4 =	vperm.xlane v22, v35  }
0x2c8: {  	v9 =	vadd.s32 v0, v6  }
0x2c9: {  	v11 =	vadd.s32 v0, v4;
	v5 =	vld.idx.msk [tilespmem:v5+s12+$0x0], $0xffff  }
0x2ca: {  	v10 =	vperm.xlane v21, v37;
	[tilespmem:s24+$0xFFFFFC20] =	vst v2;
	v2 =	vadd.s32 v3, v8  }
0x2cb: {  	v7 =	vld.idx.msk [tilespmem:v7+s12+$0x0], $0xffff  }
0x2cc: {  	[tilespmem:s24+$0x210] =	vst v1;
	v1 =	vadd.s32 v0, v10  }
0x2cd: {  	v8 =	vld.idx.msk [tilespmem:v9+s12+$0x0], $0xffff  }
0x2ce: {  	v6 =	vadd.s32 v3, v6;
	v9 =	vperm.xlane v20, v36;
	v11 =	vld.idx.msk [tilespmem:v11+s12+$0x0], $0xffff;
	[tilespmem:s24+$0xFFFFFE00] =	vst v5  }
0x2cf: {  	v4 =	vadd.s32 v3, v4;
	v2 =	vld.idx.msk [tilespmem:v2+s12+$0x0], $0xffff  }
0x2d0: {  	v5 =	vadd.s32 v0, v9;
	[tilespmem:s24+$0xFFFFFC30] =	vst v7  }
0x2d1: {  	v1 =	vld.idx.msk [tilespmem:v1+s12+$0x0], $0xffff  }
0x2d2: {  	v7 =	vperm.xlane v19, v37;
	[tilespmem:s24+$0x220] =	vst v8;
	v8 =	vadd.s32 v3, v10  }
0x2d3: {  	v10 =	vperm.xlane v22, v36;
	v6 =	vld.idx.msk [tilespmem:v6+s12+$0x0], $0xffff;
	[tilespmem:s24+$0x0] =	vst v11  }
0x2d4: {  	v11 =	vadd.s32 v0, v7;
	v4 =	vld.idx.msk [tilespmem:v4+s12+$0x0], $0xffff;
	[tilespmem:s24+$0xFFFFFE10] =	vst v2  }
0x2d5: {  	v59 =	vadd.s32 v0, v10;
	v5 =	vld.idx.msk [tilespmem:v5+s12+$0x0], $0xffff  }
0x2d6: {  	v2 =	vperm.xlane v21, v38;
	[tilespmem:s24+$0xFFFFFC40] =	vst v1;
	v1 =	vadd.s32 v3, v9  }
0x2d7: {  	v8 =	vld.idx.msk [tilespmem:v8+s12+$0x0], $0xffff  }
0x2d8: {  	[tilespmem:s24+$0x230] =	vst v6;
	v6 =	vadd.s32 v0, v2  }
0x2d9: {  	v9 =	vld.idx.msk [tilespmem:v11+s12+$0x0], $0xffff;
	[tilespmem:s24+$0x10] =	vst v4  }
0x2da: {  	v4 =	vadd.s32 v3, v7;
	v7 =	vperm.xlane v20, v37;
	v11 =	vld.idx.msk [tilespmem:v59+s12+$0x0], $0xffff;
	[tilespmem:s24+$0xFFFFFE20] =	vst v5  }
0x2db: {  	v5 =	vadd.s32 v3, v10;
	v1 =	vld.idx.msk [tilespmem:v1+s12+$0x0], $0xffff  }
0x2dc: {  	[tilespmem:s24+$0xFFFFFC50] =	vst v8;
	v8 =	vadd.s32 v0, v7  }
0x2dd: {  	v6 =	vld.idx.msk [tilespmem:v6+s12+$0x0], $0xffff  }
0x2de: {  	v2 =	vadd.s32 v3, v2;
	v10 =	vperm.xlane v19, v38;
	[tilespmem:s24+$0x240] =	vst v9  }
0x2df: {  	v9 =	vperm.xlane v22, v37;
	v4 =	vld.idx.msk [tilespmem:v4+s12+$0x0], $0xffff;
	[tilespmem:s24+$0x20] =	vst v11  }
0x2e0: {  	v11 =	vadd.s32 v0, v10;
	v5 =	vld.idx.msk [tilespmem:v5+s12+$0x0], $0xffff;
	[tilespmem:s24+$0xFFFFFE30] =	vst v1  }
0x2e1: {  	v60 =	vadd.s32 v0, v9;
	v8 =	vld.idx.msk [tilespmem:v8+s12+$0x0], $0xffff  }
0x2e2: {  	v1 =	vperm.xlane v21, v39;
	[tilespmem:s24+$0xFFFFFC60] =	vst v6;
	v6 =	vadd.s32 v3, v7  }
0x2e3: {  	v2 =	vld.idx.msk [tilespmem:v2+s12+$0x0], $0xffff  }
0x2e4: {  	[tilespmem:s24+$0x250] =	vst v4;
	v4 =	vadd.s32 v0, v1  }
0x2e5: {  	v7 =	vld.idx.msk [tilespmem:v11+s12+$0x0], $0xffff;
	[tilespmem:s24+$0x30] =	vst v5  }
0x2e6: {  	v5 =	vadd.s32 v3, v10;
	v10 =	vperm.xlane v20, v38;
	v11 =	vld.idx.msk [tilespmem:v60+s12+$0x0], $0xffff;
	[tilespmem:s24+$0xFFFFFE40] =	vst v8  }
0x2e7: {  	v8 =	vadd.s32 v3, v9;
	v6 =	vld.idx.msk [tilespmem:v6+s12+$0x0], $0xffff  }
0x2e8: {  	[tilespmem:s24+$0xFFFFFC70] =	vst v2;
	v2 =	vadd.s32 v0, v10  }
0x2e9: {  	v4 =	vld.idx.msk [tilespmem:v4+s12+$0x0], $0xffff  }
0x2ea: {  	v1 =	vadd.s32 v3, v1;
	v9 =	vperm.xlane v19, v39;
	[tilespmem:s24+$0x260] =	vst v7  }
0x2eb: {  	v7 =	vperm.xlane v22, v38;
	v5 =	vld.idx.msk [tilespmem:v5+s12+$0x0], $0xffff;
	[tilespmem:s24+$0x40] =	vst v11  }
0x2ec: {  	v11 =	vadd.s32 v0, v9;
	v8 =	vld.idx.msk [tilespmem:v8+s12+$0x0], $0xffff;
	[tilespmem:s24+$0xFFFFFE50] =	vst v6  }
0x2ed: {  	v61 =	vadd.s32 v0, v7;
	v2 =	vld.idx.msk [tilespmem:v2+s12+$0x0], $0xffff  }
0x2ee: {  	v6 =	vperm.xlane v21, v34;
	[tilespmem:s24+$0xFFFFFC80] =	vst v4;
	v4 =	vadd.s32 v3, v10  }
0x2ef: {  	v1 =	vld.idx.msk [tilespmem:v1+s12+$0x0], $0xffff  }
0x2f0: {  	[tilespmem:s24+$0x270] =	vst v5;
	v5 =	vadd.s32 v0, v6  }
0x2f1: {  	v10 =	vld.idx.msk [tilespmem:v11+s12+$0x0], $0xffff;
	[tilespmem:s24+$0x50] =	vst v8  }
0x2f2: {  	v8 =	vadd.s32 v3, v9;
	v9 =	vperm.xlane v20, v39;
	v11 =	vld.idx.msk [tilespmem:v61+s12+$0x0], $0xffff;
	[tilespmem:s24+$0xFFFFFE60] =	vst v2  }
0x2f3: {  	v2 =	vadd.s32 v3, v7;
	v4 =	vld.idx.msk [tilespmem:v4+s12+$0x0], $0xffff  }
0x2f4: {  	[tilespmem:s24+$0xFFFFFC90] =	vst v1;
	v1 =	vadd.s32 v0, v9  }
0x2f5: {  	v5 =	vld.idx.msk [tilespmem:v5+s12+$0x0], $0xffff  }
0x2f6: {  	v6 =	vadd.s32 v3, v6;
	v7 =	vperm.xlane v19, v34;
	[tilespmem:s24+$0x280] =	vst v10  }
0x2f7: {  	v10 =	vperm.xlane v22, v39;
	v8 =	vld.idx.msk [tilespmem:v8+s12+$0x0], $0xffff;
	[tilespmem:s24+$0x60] =	vst v11  }
0x2f8: {  	v11 =	vadd.s32 v0, v7;
	v2 =	vld.idx.msk [tilespmem:v2+s12+$0x0], $0xffff;
	[tilespmem:s24+$0xFFFFFE70] =	vst v4  }
0x2f9: {  	v62 =	vadd.s32 v0, v10;
	v1 =	vld.idx.msk [tilespmem:v1+s12+$0x0], $0xffff  }
0x2fa: {  	v4 =	vperm.xlane v21, v40;
	[tilespmem:s24+$0xFFFFFCA0] =	vst v5;
	v5 =	vadd.s32 v3, v9  }
0x2fb: {  	v6 =	vld.idx.msk [tilespmem:v6+s12+$0x0], $0xffff  }
0x2fc: {  	[tilespmem:s24+$0x290] =	vst v8;
	v8 =	vadd.s32 v0, v4  }
0x2fd: {  	v9 =	vld.idx.msk [tilespmem:v11+s12+$0x0], $0xffff;
	[tilespmem:s24+$0x70] =	vst v2  }
0x2fe: {  	v2 =	vadd.s32 v3, v7;
	v7 =	vperm.xlane v20, v34;
	v11 =	vld.idx.msk [tilespmem:v62+s12+$0x0], $0xffff;
	[tilespmem:s24+$0xFFFFFE80] =	vst v1  }
0x2ff: {  	v1 =	vadd.s32 v3, v10;
	v5 =	vld.idx.msk [tilespmem:v5+s12+$0x0], $0xffff  }
0x300: {  	[tilespmem:s24+$0xFFFFFCB0] =	vst v6;
	v6 =	vadd.s32 v0, v7  }
0x301: {  	v8 =	vld.idx.msk [tilespmem:v8+s12+$0x0], $0xffff  }
0x302: {  	v4 =	vadd.s32 v3, v4;
	v10 =	vperm.xlane v19, v40;
	[tilespmem:s24+$0x2A0] =	vst v9  }
0x303: {  	v9 =	vperm.xlane v22, v34;
	v2 =	vld.idx.msk [tilespmem:v2+s12+$0x0], $0xffff;
	[tilespmem:s24+$0x80] =	vst v11  }
0x304: {  	v11 =	vadd.s32 v0, v10;
	v1 =	vld.idx.msk [tilespmem:v1+s12+$0x0], $0xffff;
	[tilespmem:s24+$0xFFFFFE90] =	vst v5  }
0x305: {  	v63 =	vadd.s32 v0, v9;
	v6 =	vld.idx.msk [tilespmem:v6+s12+$0x0], $0xffff  }
0x306: {  	v7 =	vadd.s32 v3, v7;
	v5 =	vperm.xlane v21, v41;
	[tilespmem:s24+$0xFFFFFCC0] =	vst v8  }
0x307: {  	v4 =	vld.idx.msk [tilespmem:v4+s12+$0x0], $0xffff  }
0x308: {  	[tilespmem:s24+$0x2B0] =	vst v2;
	v2 =	vadd.s32 v0, v5  }
0x309: {  	v8 =	vld.idx.msk [tilespmem:v11+s12+$0x0], $0xffff;
	[tilespmem:s24+$0x90] =	vst v1  }
0x30a: {  	v1 =	vadd.s32 v3, v10;
	v10 =	vperm.xlane v20, v40;
	v11 =	vld.idx.msk [tilespmem:v63+s12+$0x0], $0xffff;
	[tilespmem:s24+$0xFFFFFEA0] =	vst v6  }
0x30b: {  	v6 =	vadd.s32 v3, v9;
	v7 =	vld.idx.msk [tilespmem:v7+s12+$0x0], $0xffff  }
0x30c: {  	[tilespmem:s24+$0xFFFFFCD0] =	vst v4;
	v4 =	vadd.s32 v0, v10  }
0x30d: {  	v2 =	vld.idx.msk [tilespmem:v2+s12+$0x0], $0xffff  }
0x30e: {  	v5 =	vadd.s32 v3, v5;
	v9 =	vperm.xlane v19, v41;
	[tilespmem:s24+$0x2C0] =	vst v8  }
0x30f: {  	v8 =	vperm.xlane v22, v40;
	v1 =	vld.idx.msk [tilespmem:v1+s12+$0x0], $0xffff;
	[tilespmem:s24+$0xA0] =	vst v11  }
0x310: {  	v11 =	vadd.s32 v0, v9;
	v6 =	vld.idx.msk [tilespmem:v6+s12+$0x0], $0xffff;
	[tilespmem:s24+$0xFFFFFEB0] =	vst v7  }
0x311: {  	v42 =	vimm.s32 $0x8;
	v32 =	vadd.s32 v0, v8;
	v4 =	vld.idx.msk [tilespmem:v4+s12+$0x0], $0xffff  }
0x312: {  	v7 =	vperm.xlane v21, v42;
	[tilespmem:s24+$0xFFFFFCE0] =	vst v2;
	v2 =	vadd.s32 v3, v10  }
0x313: {  	v5 =	vld.idx.msk [tilespmem:v5+s12+$0x0], $0xffff  }
0x314: {  	[tilespmem:s24+$0x2D0] =	vst v1;
	v1 =	vadd.s32 v0, v7  }
0x315: {  	v10 =	vld.idx.msk [tilespmem:v11+s12+$0x0], $0xffff;
	[tilespmem:s24+$0xB0] =	vst v6  }
0x316: {  	v6 =	vadd.s32 v3, v9;
	v9 =	vperm.xlane v20, v41;
	v11 =	vld.idx.msk [tilespmem:v32+s12+$0x0], $0xffff;
	[tilespmem:s24+$0xFFFFFEC0] =	vst v4  }
0x317: {  	v4 =	vadd.s32 v3, v8;
	v2 =	vld.idx.msk [tilespmem:v2+s12+$0x0], $0xffff  }
0x318: {  	[tilespmem:s24+$0xFFFFFCF0] =	vst v5;
	v5 =	vadd.s32 v0, v9  }
0x319: {  	s10 =	ssub.s32 $0x50, s25;
	v1 =	vld.idx.msk [tilespmem:v1+s12+$0x0], $0xffff  }
0x31a: {  	v16 =	vadd.s32 s10, v0;
	s1 =	simm.s32 $0x200;
	v7 =	vadd.s32 v3, v7;
	v8 =	vperm.xlane v19, v42;
	[tilespmem:s24+$0x2E0] =	vst v10  }
0x31b: {  	v47 =	vimm.s32 $0xA;
	v51 =	vimm.s32 $0x9;
	s3 =	simm.s32 $0x40;
	vm13 =	vgt.s32 v16, $0xFFFFFFC0;
	s2 =	ssub.s32 $0x40, s25;
	s0 =	sand.u32 $0xC00, s1;
	v6 =	vld.idx.msk [tilespmem:v6+s12+$0x0], $0xffff;
	[tilespmem:s24+$0xC0] =	vst v11  }
0x31c: {  	s0 =	sadd.s32 s0, s21;
	v43 =	vperm.xlane v19, v51;
	v11 =	vadd.s32 v0, v8;
	v4 =	vld.idx.msk [tilespmem:v4+s12+$0x0], $0xffff;
	[tilespmem:s24+$0xFFFFFED0] =	vst v2;
	v2 =	vadd.s32 s2, v0;
	s2 =	sand.u32 $0x40, s3  }
0x31d: {  	v16 =	vnsel vm13, $0xFFFFFFC0, v16;
	v33 =	vperm.xlane v21, v51;
	v45 =	vperm.xlane v21, v47;
	s26 =	simm.s32 $0x70;
	v5 =	vld.idx.msk [tilespmem:v5+s12+$0x0], $0xffff;
	s11 =	sadd.s32 s2, s0  }
0x31e: {  	v46 =	vadd.s32 v0, v43;
	v15 =	vperm.xlane v20, v42;
	vm0 =	vlt.s32 v16, $0x40;
	s2 =	sand.u32 $0x70, s26;
	[tilespmem:s24+$0xFFFFFD00] =	vst v1;
	v17 =	vld.idx.msk [tilespmem:v26+s11+$0x0 ss:$0x1], $0xffff  }
0x31f: {  	v16 =	vnsel vm0, $0x40, v16;
	v9 =	vadd.s32 v3, v9;
	v10 =	vperm.xlane v22, v41;
	s3 =	simm.s32 $0x50;
	s1 =	sadd.s32 s2, s0;
	v7 =	vld.idx.msk [tilespmem:v7+s12+$0x0], $0xffff  }
0x320: {  	s10 =	simm.s32 $0x60;
	v8 =	vadd.s32 v3, v8;
	vm12 =	vgt.s32 v2, $0xFFFFFFC0;
	s3 =	sand.u32 $0x50, s3;
	s26 =	ssub.s32 $0x70, s25;
	[tilespmem:s24+$0x2F0] =	vst v6;
	v6 =	vadd.s32 v0, v33;
	v24 =	vld.idx.msk [tilespmem:v26+s1+$0x0 ss:$0x1], $0xffff  }
0x321: {  	s10 =	sand.u32 $0x60, s10;
	v1 =	vadd.s32 v0, v10;
	v2 =	vnsel vm12, $0xFFFFFFC0, v2;
	s11 =	ssub.s32 $0x60, s25;
	s3 =	sadd.s32 s3, s0;
	v18 =	vadd.s32 s26, v0;
	v11 =	vld.idx.msk [tilespmem:v11+s12+$0x0], $0xffff  }
0x322: {  	s0 =	sadd.s32 s10, s0;
	v10 =	vadd.s32 v3, v10;
	v23 =	vadd.s32 s11, v0;
	vm14 =	vgt.s32 v18, $0xFFFFFFC0;
	v25 =	vld.idx.msk [tilespmem:v26+s3+$0x0 ss:$0x1], $0xffff;
	[tilespmem:$0x1FDC0] =	vst v26  }
0x323: {  	vm1 =	vlt.s32 v2, $0x40;
	vm15 =	vgt.s32 v23, $0xFFFFFFC0;
	v18 =	vnsel vm14, $0xFFFFFFC0, v18;
	v26 =	vld.idx.msk [tilespmem:v26+s0+$0x0 ss:$0x1], $0xffff  }
0x324: {  	v23 =	vnsel vm15, $0xFFFFFFC0, v23;
	vm0 =	vlt.s32 v18, $0x40;
	[tilespmem:s24+$0xFFFFFD10] =	vst v7;
	v7 =	vmul.u32 $0x81, v17  }
0x325: {  	v2 =	vnsel vm1, $0x40, v2;
	vm1 =	vlt.s32 v23, $0x40;
	v17 =	vnsel vm0, $0x40, v18;
	v6 =	vld.idx.msk [tilespmem:v6+s12+$0x0], $0xffff  }
0x326: {  	[tilespmem:s24+$0x300] =	vst v11;
	v11 =	vadd.s32 v3, v33;
	v2 =	vadd.s32 v7, v2;
	v7 =	vmul.u32 $0x81, v24  }
0x327: {  	[tilespmem:s24+$0xD0] =	vst v4;
	v18 =	vnsel vm1, $0x40, v23;
	v4 =	vld.idx.msk [tilespmem:v8+s12+$0x0], $0xffff;
	v8 =	vmul.u32 $0x81, v25;
	v2 =	vadd.s32 $0x40, v2  }
0x328: {  	[tilespmem:s24+$0xFFFFFEE0] =	vst v5;
	v1 =	vld.idx.msk [tilespmem:v1+s12+$0x0], $0xffff;
	v24 =	vshll.u32 v2, $0x5;
	v2 =	vmul.u32 $0x81, v26;
	v5 =	vadd.s32 v7, v17  }
0x329: {  	v7 =	vld.idx.msk [tilespmem:v9+s12+$0x0], $0xffff;
	v8 =	vadd.s32 v8, v16;
	v9 =	vperm.xlane v24, v35;
	v5 =	vshll.u32 v5, $0x5  }
0x32a: {  	v16 =	vadd.s32 v0, v15;
	[tilespmem:s24+$0xFFFFFD20] =	vst v6;
	v6 =	vshll.u32 v8, $0x5;
	v23 =	vadd.s32 $0x800, v5  }
0x32b: {  	v2 =	vadd.s32 v2, v18;
	v5 =	vld.idx.msk [tilespmem:v11+s12+$0x0], $0xffff;
	v8 =	vadd.s32 v0, v9;
	v11 =	vperm.xlane v23, v35  }
0x32c: {  	v17 =	vadd.s32 v0, v45;
	v32 =	vadd.s32 $0x800, v6;
	[tilespmem:s24+$0x310] =	vst v4;
	v2 =	vshll.u32 v2, $0x5  }
0x32d: {  	[tilespmem:s24+$0xE0] =	vst v1;
	v1 =	vperm.xlane v32, v35;
	v6 =	vld.idx.msk [tilespmem:v46+s12+$0x0], $0xffff;
	v54 =	vadd.s32 $0x800, v2;
	v4 =	vadd.s32 v0, v11  }
0x32e: {  	v2 =	vld.idx.msk [tilespmem:v10+s12+$0x0], $0xffff;
	[tilespmem:s24+$0xFFFFFEF0] =	vst v7;
	v7 =	vadd.s32 v3, v43;
	v10 =	vperm.xlane v54, v35  }
0x32f: {  	v48 =	vld.idx.msk [tilespmem:v16+s12+$0x0], $0xffff;
	v49 =	vadd.s32 v0, v1  }
0x330: {  	v8 =	vld.idx.msk [tilespmem:v8+s12+$0x0], $0xffff;
	[tilespmem:s24+$0xFFFFFD30] =	vst v5;
	v5 =	vadd.s32 v0, v10  }
0x331: {  	v9 =	vadd.s32 v3, v9;
	v16 =	vld.idx.msk [tilespmem:v17+s12+$0x0], $0xffff  }
0x332: {  	[tilespmem:s24+$0x320] =	vst v6;
	v6 =	vadd.s32 v3, v15;
	v4 =	vld.idx.msk [tilespmem:v4+s12+$0x0], $0xffff  }
0x333: {  	v14 =	vadd.s32 v3, v45;
	[tilespmem:s24+$0xF0] =	vst v2;
	v2 =	vld.idx.msk [tilespmem:v7+s12+$0x0], $0xffff  }
0x334: {  	s26 =	simm.s32 $0x15280;
	v7 =	vadd.s32 v3, v11;
	v11 =	vld.idx.msk [tilespmem:v49+s12+$0x0], $0xffff;
	[tilespmem:s24+$0xFFFFFF00] =	vst v48  }
0x335: {  	v50 =	vperm.xlane v24, v36;
	v1 =	vadd.s32 v3, v1;
	[tilespmem:s26+$0xFFFFFC00] =	vst v8;
	v5 =	vld.idx.msk [tilespmem:v5+s12+$0x0], $0xffff  }
0x336: {  	v53 =	vimm.s32 $0xB;
	v52 =	vperm.xlane v19, v47;
	v10 =	vadd.s32 v3, v10;
	v9 =	vld.idx.msk [tilespmem:v9+s12+$0x0], $0xffff;
	[tilespmem:s24+$0xFFFFFD40] =	vst v16  }
0x337: {  	v15 =	vadd.s32 v0, v50;
	v8 =	vperm.xlane v21, v53;
	v6 =	vld.idx.msk [tilespmem:v6+s12+$0x0], $0xffff;
	[tilespmem:s26+$0x200] =	vst v4  }
0x338: {  	v14 =	vld.idx.msk [tilespmem:v14+s12+$0x0], $0xffff;
	v4 =	vperm.xlane v20, v51;
	[tilespmem:s24+$0x330] =	vst v2;
	v2 =	vadd.s32 v0, v52  }
0x339: {  	v17 =	vperm.xlane v23, v36;
	v16 =	vadd.s32 v0, v8;
	[tilespmem:s26+$0xFFFFFE00] =	vst v11;
	v7 =	vld.idx.msk [tilespmem:v7+s12+$0x0], $0xffff  }
0x33a: {  	v18 =	vperm.xlane v32, v36;
	v11 =	vadd.s32 v0, v4;
	v1 =	vld.idx.msk [tilespmem:v1+s12+$0x0], $0xffff;
	[tilespmem:s26+$0x0] =	vst v5  }
0x33b: {  	v25 =	vadd.s32 v0, v17;
	v5 =	vperm.xlane v54, v36;
	[tilespmem:s26+$0xFFFFFC10] =	vst v9;
	v9 =	vld.idx.msk [tilespmem:v10+s12+$0x0], $0xffff  }
0x33c: {  	v10 =	vld.idx.msk [tilespmem:v15+s12+$0x0], $0xffff;
	v15 =	vadd.s32 v0, v18  }
0x33d: {  	[tilespmem:s24+$0xFFFFFD50] =	vst v14;
	v55 =	vadd.s32 v0, v5;
	v2 =	vld.idx.msk [tilespmem:v2+s12+$0x0], $0xffff  }
0x33e: {  	[tilespmem:s24+$0xFFFFFF10] =	vst v6;
	v6 =	vadd.s32 v3, v50;
	v16 =	vld.idx.msk [tilespmem:v16+s12+$0x0], $0xffff  }
0x33f: {  	[tilespmem:s26+$0x210] =	vst v7;
	v7 =	vadd.s32 v3, v8;
	v8 =	vld.idx.msk [tilespmem:v11+s12+$0x0], $0xffff  }
0x340: {  	[tilespmem:s26+$0xFFFFFE10] =	vst v1;
	v1 =	vadd.s32 v3, v52;
	v11 =	vld.idx.msk [tilespmem:v25+s12+$0x0], $0xffff  }
0x341: {  	v4 =	vadd.s32 v3, v4;
	[tilespmem:s26+$0x10] =	vst v9;
	v9 =	vld.idx.msk [tilespmem:v15+s12+$0x0], $0xffff  }
0x342: {  	[tilespmem:s26+$0xFFFFFC20] =	vst v10;
	v10 =	vadd.s32 v3, v17;
	v56 =	vld.idx.msk [tilespmem:v55+s12+$0x0], $0xffff  }
0x343: {  	v33 =	vimm.s32 $0xC;
	v57 =	vperm.xlane v24, v37;
	v58 =	vadd.s32 v3, v18;
	[tilespmem:s24+$0xFFFFFD60] =	vst v16;
	v6 =	vld.idx.msk [tilespmem:v6+s12+$0x0], $0xffff  }
0x344: {  	v5 =	vadd.s32 v3, v5;
	[tilespmem:s24+$0x340] =	vst v2;
	v2 =	vperm.xlane v21, v33;
	v7 =	vld.idx.msk [tilespmem:v7+s12+$0x0], $0xffff  }
0x345: {  	v15 =	vadd.s32 v0, v57;
	[tilespmem:s24+$0xFFFFFF20] =	vst v8;
	v8 =	vperm.xlane v19, v53;
	v1 =	vld.idx.msk [tilespmem:v1+s12+$0x0], $0xffff  }
0x346: {  	[tilespmem:s26+$0x220] =	vst v11;
	v11 =	vperm.xlane v20, v47;
	v16 =	vadd.s32 v0, v2;
	v4 =	vld.idx.msk [tilespmem:v4+s12+$0x0], $0xffff  }
0x347: {  	v17 =	vadd.s32 v0, v8;
	[tilespmem:s26+$0xFFFFFE20] =	vst v9;
	v9 =	vperm.xlane v23, v37;
	v10 =	vld.idx.msk [tilespmem:v10+s12+$0x0], $0xffff  }
0x348: {  	v59 =	vperm.xlane v32, v37;
	v18 =	vadd.s32 v0, v11;
	[tilespmem:s26+$0x20] =	vst v56;
	v14 =	vld.idx.msk [tilespmem:v58+s12+$0x0], $0xffff  }
0x349: {  	[tilespmem:s26+$0xFFFFFC30] =	vst v6;
	v6 =	vperm.xlane v54, v37;
	v5 =	vld.idx.msk [tilespmem:v5+s12+$0x0], $0xffff;
	v25 =	vadd.s32 v0, v9  }
0x34a: {  	[tilespmem:s24+$0xFFFFFD70] =	vst v7;
	v7 =	vld.idx.msk [tilespmem:v15+s12+$0x0], $0xffff;
	v15 =	vadd.s32 v0, v59  }
0x34b: {  	[tilespmem:s24+$0x350] =	vst v1;
	v1 =	vadd.s32 v0, v6;
	v16 =	vld.idx.msk [tilespmem:v16+s12+$0x0], $0xffff  }
0x34c: {  	[tilespmem:s24+$0xFFFFFF30] =	vst v4;
	v4 =	vadd.s32 v3, v57;
	v60 =	vld.idx.msk [tilespmem:v17+s12+$0x0], $0xffff  }
0x34d: {  	v2 =	vadd.s32 v3, v2;
	[tilespmem:s26+$0x230] =	vst v10;
	v10 =	vld.idx.msk [tilespmem:v18+s12+$0x0], $0xffff  }
0x34e: {  	v8 =	vadd.s32 v3, v8;
	[tilespmem:s26+$0xFFFFFE30] =	vst v14;
	v61 =	vld.idx.msk [tilespmem:v25+s12+$0x0], $0xffff  }
0x34f: {  	v11 =	vadd.s32 v3, v11;
	[tilespmem:s26+$0x30] =	vst v5;
	v5 =	vld.idx.msk [tilespmem:v15+s12+$0x0], $0xffff  }
0x350: {  	v62 =	vperm.xlane v22, v42;
	[tilespmem:s26+$0xFFFFFC40] =	vst v7;
	v7 =	vadd.s32 v3, v9;
	v1 =	vld.idx.msk [tilespmem:v1+s12+$0x0], $0xffff  }
0x351: {  	v12 =	vadd.s32 v3, v59;
	[tilespmem:s24+$0xFFFFFD80] =	vst v16;
	v4 =	vld.idx.msk [tilespmem:v4+s12+$0x0], $0xffff  }
0x352: {  	v9 =	vperm.xlane v24, v38;
	v16 =	vadd.s32 v0, v62;
	[tilespmem:s24+$0x360] =	vst v60;
	v2 =	vld.idx.msk [tilespmem:v2+s12+$0x0], $0xffff  }
0x353: {  	v6 =	vadd.s32 v3, v6;
	[tilespmem:s24+$0xFFFFFF40] =	vst v10;
	v8 =	vld.idx.msk [tilespmem:v8+s12+$0x0], $0xffff  }
0x354: {  	v15 =	vadd.s32 v0, v9;
	v10 =	vperm.xlane v19, v33;
	v11 =	vld.idx.msk [tilespmem:v11+s12+$0x0], $0xffff;
	[tilespmem:s26+$0x240] =	vst v61  }
0x355: {  	v63 =	vperm.xlane v20, v53;
	[tilespmem:s26+$0xFFFFFE40] =	vst v5;
	v7 =	vld.idx.msk [tilespmem:v7+s12+$0x0], $0xffff  }
0x356: {  	v5 =	vperm.xlane v23, v38;
	v17 =	vadd.s32 v0, v10;
	[tilespmem:s26+$0x40] =	vst v1;
	v12 =	vld.idx.msk [tilespmem:v12+s12+$0x0], $0xffff  }
0x357: {  	v18 =	vadd.s32 v0, v63;
	v1 =	vperm.xlane v32, v38;
	[tilespmem:s26+$0xFFFFFC50] =	vst v4;
	v16 =	vld.idx.msk [tilespmem:v16+s12+$0x0], $0xffff  }
0x358: {  	v4 =	vperm.xlane v54, v38;
	v6 =	vld.idx.msk [tilespmem:v6+s12+$0x0], $0xffff;
	v25 =	vadd.s32 v0, v5;
	[tilespmem:s24+$0xFFFFFD90] =	vst v2  }
0x359: {  	v2 =	vld.idx.msk [tilespmem:v15+s12+$0x0], $0xffff;
	v15 =	vadd.s32 v0, v1;
	[tilespmem:s24+$0x370] =	vst v8  }
0x35a: {  	v8 =	vadd.s32 v0, v4;
	[tilespmem:s24+$0xFFFFFF50] =	vst v11  }
0x35b: {  	v9 =	vadd.s32 v3, v9;
	v11 =	vld.idx.msk [tilespmem:v17+s12+$0x0], $0xffff;
	[tilespmem:s26+$0x250] =	vst v7  }
0x35c: {  	v43 =	vld.idx.msk [tilespmem:v18+s12+$0x0], $0xffff;
	v7 =	vadd.s32 v3, v62;
	[tilespmem:s26+$0xFFFFFE50] =	vst v12  }
0x35d: {  	v10 =	vadd.s32 v3, v10;
	[tilespmem:s24+$0x100] =	vst v16;
	v44 =	vld.idx.msk [tilespmem:v25+s12+$0x0], $0xffff  }
0x35e: {  	v14 =	vadd.s32 v3, v63;
	[tilespmem:s26+$0x50] =	vst v6;
	v6 =	vld.idx.msk [tilespmem:v15+s12+$0x0], $0xffff  }
0x35f: {  	v5 =	vadd.s32 v3, v5;
	[tilespmem:s26+$0xFFFFFC60] =	vst v2;
	v2 =	vld.idx.msk [tilespmem:v8+s12+$0x0], $0xffff  }
0x360: {  	v1 =	vadd.s32 v3, v1;
	v8 =	vperm.xlane v24, v39;
	v9 =	vld.idx.msk [tilespmem:v9+s12+$0x0], $0xffff;
	[tilespmem:s24+$0x380] =	vst v11  }
0x361: {  	v55 =	vimm.s32 $0xD;
	v4 =	vadd.s32 v3, v4;
	v11 =	vperm.xlane v22, v51;
	[tilespmem:s24+$0xFFFFFF60] =	vst v43;
	v7 =	vld.idx.msk [tilespmem:v7+s12+$0x0], $0xffff  }
0x362: {  	v45 =	vperm.xlane v19, v55;
	v15 =	vadd.s32 v0, v8;
	v10 =	vld.idx.msk [tilespmem:v10+s12+$0x0], $0xffff;
	[tilespmem:s26+$0x260] =	vst v44  }
0x363: {  	v46 =	vperm.xlane v20, v33;
	v14 =	vld.idx.msk [tilespmem:v14+s12+$0x0], $0xffff;
	v16 =	vadd.s32 v0, v11;
	[tilespmem:s26+$0xFFFFFE60] =	vst v6  }
0x364: {  	v17 =	vadd.s32 v0, v45;
	v6 =	vperm.xlane v23, v39;
	v5 =	vld.idx.msk [tilespmem:v5+s12+$0x0], $0xffff;
	[tilespmem:s26+$0x60] =	vst v2  }
0x365: {  	v18 =	vadd.s32 v0, v46;
	v2 =	vperm.xlane v32, v39;
	[tilespmem:s26+$0xFFFFFC70] =	vst v9;
	v1 =	vld.idx.msk [tilespmem:v1+s12+$0x0], $0xffff  }
0x366: {  	v9 =	vperm.xlane v54, v39;
	v4 =	vld.idx.msk [tilespmem:v4+s12+$0x0], $0xffff;
	v25 =	vadd.s32 v0, v6;
	[tilespmem:s24+$0x110] =	vst v7  }
0x367: {  	v7 =	vld.idx.msk [tilespmem:v15+s12+$0x0], $0xffff;
	v15 =	vadd.s32 v0, v2;
	[tilespmem:s24+$0x390] =	vst v10  }
0x368: {  	v10 =	vadd.s32 v0, v9;
	[tilespmem:s24+$0xFFFFFF70] =	vst v14;
	v16 =	vld.idx.msk [tilespmem:v16+s12+$0x0], $0xffff  }
0x369: {  	v8 =	vadd.s32 v3, v8;
	v48 =	vld.idx.msk [tilespmem:v17+s12+$0x0], $0xffff;
	[tilespmem:s26+$0x270] =	vst v5  }
0x36a: {  	v11 =	vadd.s32 v3, v11;
	v17 =	vld.idx.msk [tilespmem:v18+s12+$0x0], $0xffff;
	[tilespmem:s26+$0xFFFFFE70] =	vst v1  }
0x36b: {  	v13 =	vadd.s32 v3, v45;
	v12 =	vadd.s32 v3, v46;
	v43 =	vimm.s32 $0xE;
	[tilespmem:s26+$0x70] =	vst v4;
	v1 =	vld.idx.msk [tilespmem:v25+s12+$0x0], $0xffff  }
0x36c: {  	v49 =	vperm.xlane v20, v43;
	v6 =	vadd.s32 v3, v6;
	v4 =	vld.idx.msk [tilespmem:v15+s12+$0x0], $0xffff;
	[tilespmem:s26+$0xFFFFFC80] =	vst v7  }
0x36d: {  	v9 =	vadd.s32 v3, v9;
	v18 =	vperm.xlane v20, v55;
	v10 =	vld.idx.msk [tilespmem:v10+s12+$0x0], $0xffff;
	[tilespmem:s24+$0x120] =	vst v16  }
0x36e: {  	v15 =	vperm.xlane v24, v34;
	v8 =	vld.idx.msk [tilespmem:v8+s12+$0x0], $0xffff;
	v16 =	vadd.s32 v3, v2;
	[tilespmem:s24+$0x3A0] =	vst v48  }
0x36f: {  	v56 =	vimm.s32 $0xF;
	v5 =	vperm.xlane v22, v47;
	v25 =	vperm.xlane v19, v43;
	[tilespmem:s24+$0xFFFFFF80] =	vst v17;
	v11 =	vld.idx.msk [tilespmem:v11+s12+$0x0], $0xffff  }
0x370: {  	v17 =	vperm.xlane v19, v56;
	v19 =	vadd.s32 v0, v15;
	v12 =	vld.idx.msk [tilespmem:v12+s12+$0x0], $0xffff;
	[tilespmem:s26+$0x280] =	vst v1  }
0x371: {  	v26 =	vadd.s32 v0, v18;
	v2 =	vperm.xlane v20, v56;
	v13 =	vld.idx.msk [tilespmem:v13+s12+$0x0], $0xffff;
	[tilespmem:s26+$0xFFFFFE80] =	vst v4  }
0x372: {  	v20 =	vperm.xlane v23, v34;
	v1 =	vadd.s32 v0, v5;
	v4 =	vld.idx.msk [tilespmem:v6+s12+$0x0], $0xffff;
	[tilespmem:s26+$0x80] =	vst v10  }
0x373: {  	v6 =	vadd.s32 v0, v25;
	v10 =	vperm.xlane v32, v34;
	v16 =	vld.idx.msk [tilespmem:v16+s12+$0x0], $0xffff;
	[tilespmem:s26+$0xFFFFFC90] =	vst v8  }
0x374: {  	v27 =	vadd.s32 v0, v20;
	v8 =	vperm.xlane v54, v34;
	v9 =	vld.idx.msk [tilespmem:v9+s12+$0x0], $0xffff;
	[tilespmem:s24+$0x130] =	vst v11  }
0x375: {  	v19 =	vld.idx.msk [tilespmem:v19+s12+$0x0], $0xffff;
	v28 =	vadd.s32 v0, v10;
	[tilespmem:s24+$0xFFFFFF90] =	vst v12  }
0x376: {  	v58 =	vperm.xlane v21, v56;
	[tilespmem:s24+$0x3B0] =	vst v13;
	v29 =	vadd.s32 v0, v8;
	v26 =	vld.idx.msk [tilespmem:v26+s12+$0x0], $0xffff  }
0x377: {  	v57 =	vperm.xlane v22, v43;
	v50 =	vadd.s32 v3, v15;
	v30 =	vld.idx.msk [tilespmem:v1+s12+$0x0], $0xffff;
	[tilespmem:s26+$0x290] =	vst v4  }
0x378: {  	v18 =	vadd.s32 v3, v18;
	v7 =	vperm.xlane v22, v53;
	v6 =	vld.idx.msk [tilespmem:v6+s12+$0x0], $0xffff;
	[tilespmem:s26+$0xFFFFFE90] =	vst v16  }
0x379: {  	v15 =	vadd.s32 v3, v5;
	v20 =	vadd.s32 v3, v20;
	v16 =	vld.idx.msk [tilespmem:v27+s12+$0x0], $0xffff;
	[tilespmem:s26+$0x90] =	vst v9  }
0x37a: {  	v5 =	vperm.xlane v22, v56;
	v25 =	vadd.s32 v3, v25;
	v9 =	vld.idx.msk [tilespmem:v28+s12+$0x0], $0xffff;
	[tilespmem:s26+$0xFFFFFCA0] =	vst v19  }
0x37b: {  	v13 =	vperm.xlane v21, v55;
	v10 =	vadd.s32 v3, v10;
	v19 =	vld.idx.msk [tilespmem:v29+s12+$0x0], $0xffff;
	[tilespmem:s24+$0xFFFFFFA0] =	vst v26  }
0x37c: {  	v4 =	vperm.xlane v21, v43;
	v21 =	vperm.xlane v24, v40;
	v12 =	vld.idx.msk [tilespmem:v50+s12+$0x0], $0xffff;
	[tilespmem:s24+$0x140] =	vst v30  }
0x37d: {  	v11 =	vperm.xlane v22, v33;
	v18 =	vld.idx.msk [tilespmem:v18+s12+$0x0], $0xffff;
	[tilespmem:s24+$0x3C0] =	vst v6;
	v6 =	vadd.s32 v3, v8  }
0x37e: {  	v1 =	vperm.xlane v22, v55;
	v22 =	vadd.s32 v0, v21;
	v8 =	vld.idx.msk [tilespmem:v15+s12+$0x0], $0xffff;
	[tilespmem:s26+$0x2A0] =	vst v16  }
0x37f: {  	v26 =	vadd.s32 v0, v7;
	v25 =	vld.idx.msk [tilespmem:v25+s12+$0x0], $0xffff;
	[tilespmem:s26+$0xFFFFFEA0] =	vst v9  }
0x380: {  	v27 =	vadd.s32 v0, v17;
	v16 =	vperm.xlane v32, v40;
	v20 =	vld.idx.msk [tilespmem:v20+s12+$0x0], $0xffff;
	[tilespmem:s26+$0xA0] =	vst v19  }
0x381: {  	v28 =	vadd.s32 v0, v49;
	v9 =	vperm.xlane v23, v40;
	v10 =	vld.idx.msk [tilespmem:v10+s12+$0x0], $0xffff;
	[tilespmem:s26+$0xFFFFFCB0] =	vst v12  }
0x382: {  	v30 =	vadd.s32 v0, v16;
	[tilespmem:s24+$0xFFFFFFB0] =	vst v18;
	v6 =	vld.idx.msk [tilespmem:v6+s12+$0x0], $0xffff  }
0x383: {  	v15 =	vperm.xlane v54, v40;
	v29 =	vadd.s32 v0, v9;
	v22 =	vld.idx.msk [tilespmem:v22+s12+$0x0], $0xffff;
	[tilespmem:s24+$0x150] =	vst v8  }
0x384: {  	[tilespmem:s24+$0x3D0] =	vst v25;
	v26 =	vld.idx.msk [tilespmem:v26+s12+$0x0], $0xffff  }
0x385: {  	v31 =	vadd.s32 v0, v15;
	v27 =	vld.idx.msk [tilespmem:v27+s12+$0x0], $0xffff;
	[tilespmem:s26+$0x2B0] =	vst v20  }
0x386: {  	v21 =	vadd.s32 v3, v21;
	v20 =	vld.idx.msk [tilespmem:v28+s12+$0x0], $0xffff;
	[tilespmem:s26+$0xFFFFFEB0] =	vst v10  }
0x387: {  	v7 =	vadd.s32 v3, v7;
	[tilespmem:s26+$0xB0] =	vst v6;
	v6 =	vld.idx.msk [tilespmem:v30+s12+$0x0], $0xffff  }
0x388: {  	v17 =	vadd.s32 v3, v17;
	v10 =	vld.idx.msk [tilespmem:v29+s12+$0x0], $0xffff;
	[tilespmem:s26+$0xFFFFFCC0] =	vst v22  }
0x389: {  	v14 =	vadd.s32 v3, v49;
	[tilespmem:s24+$0x160] =	vst v26  }
0x38a: {  	v22 =	vld.idx.msk [tilespmem:v31+s12+$0x0], $0xffff;
	[tilespmem:s24+$0x3E0] =	vst v27  }
0x38b: {  	v21 =	vld.idx.msk [tilespmem:v21+s12+$0x0], $0xffff;
	[tilespmem:s24+$0xFFFFFFC0] =	vst v20  }
0x38c: {  	v9 =	vadd.s32 v3, v9;
	v7 =	vld.idx.msk [tilespmem:v7+s12+$0x0], $0xffff;
	[tilespmem:s26+$0xFFFFFEC0] =	vst v6;
	v6 =	vperm.xlane v32, v47  }
0x38d: {  	v17 =	vld.idx.msk [tilespmem:v17+s12+$0x0], $0xffff;
	[tilespmem:s26+$0x2C0] =	vst v10  }
0x38e: {  	v14 =	vld.idx.msk [tilespmem:v14+s12+$0x0], $0xffff;
	[tilespmem:$0x1FDD0] =	vst v6  }
0x38f: {  	v16 =	vadd.s32 v3, v16;
	[tilespmem:s26+$0xC0] =	vst v22;
	v22 =	vperm.xlane v23, v53;
	_ =	sdelay $0x1  }
0x390: {  	v52 =	vperm.xlane v23, v33;
	v6 =	vld.idx.msk [tilespmem:v9+s12+$0x0], $0xffff;
	[tilespmem:$0x1FDE0] =	vst v22  }
0x391: {  	v59 =	vperm.xlane v32, v42;
	v15 =	vadd.s32 v3, v15;
	[tilespmem:s26+$0xFFFFFCD0] =	vst v21;
	v21 =	vperm.xlane v24, v33  }
0x392: {  	v60 =	vperm.xlane v23, v51;
	v19 =	vperm.xlane v24, v41  }
0x393: {  	v61 =	vperm.xlane v24, v53;
	v45 =	vperm.xlane v32, v33;
	v16 =	vld.idx.msk [tilespmem:v16+s12+$0x0], $0xffff;
	[tilespmem:$0x1FDF0] =	vst v21  }
0x394: {  	v46 =	vperm.xlane v24, v51;
	v20 =	vadd.s32 v0, v19;
	[tilespmem:s24+$0x170] =	vst v7;
	v7 =	vperm.xlane v54, v42  }
0x395: {  	v62 =	vperm.xlane v23, v42;
	v48 =	vperm.xlane v24, v47;
	v44 =	vadd.s32 v3, v4  }
0x396: {  	v49 =	vperm.xlane v32, v51;
	v10 =	vadd.s32 v0, v11;
	v15 =	vld.idx.msk [tilespmem:v15+s12+$0x0], $0xffff;
	[tilespmem:$0x1FE00] =	vst v7  }
0x397: {  	v25 =	vperm.xlane v23, v41;
	v9 =	vadd.s32 v0, v13;
	[tilespmem:s24+$0x3F0] =	vst v17;
	v17 =	vperm.xlane v32, v53  }
0x398: {  	v50 =	vperm.xlane v23, v47;
	v8 =	vperm.xlane v32, v41;
	v22 =	vadd.s32 v0, v2  }
0x399: {  	v12 =	vperm.xlane v54, v41;
	v21 =	vadd.s32 v0, v25;
	v7 =	vld.idx.msk [tilespmem:v20+s12+$0x0], $0xffff;
	[tilespmem:$0x1FE10] =	vst v17  }
0x39a: {  	v18 =	vperm.xlane v24, v42;
	v63 =	vadd.s32 v3, v19;
	v20 =	vadd.s32 v0, v8;
	[tilespmem:s24+$0xFFFFFFD0] =	vst v14  }
0x39b: {  	v28 =	vperm.xlane v54, v33;
	v29 =	vperm.xlane v32, v55;
	v10 =	vld.idx.msk [tilespmem:v10+s12+$0x0], $0xffff;
	[tilespmem:$0x1FE20] =	vst v52  }
0x39c: {  	v30 =	vperm.xlane v54, v53;
	v17 =	vadd.s32 v0, v12;
	v9 =	vld.idx.msk [tilespmem:v9+s12+$0x0], $0xffff;
	[tilespmem:s26+$0x2D0] =	vst v6  }
0x39d: {  	v31 =	vperm.xlane v54, v47;
	v6 =	vadd.s32 v3, v11;
	v11 =	vld.idx.msk [tilespmem:v22+s12+$0x0], $0xffff;
	[tilespmem:s26+$0xFFFFFED0] =	vst v16  }
0x39e: {  	v26 =	vperm.xlane v23, v43;
	v13 =	vadd.s32 v3, v13;
	[tilespmem:s26+$0xD0] =	vst v15;
	v16 =	vld.idx.msk [tilespmem:v21+s12+$0x0], $0xffff  }
0x39f: {  	v27 =	vperm.xlane v54, v55;
	v2 =	vadd.s32 v3, v2;
	[tilespmem:s26+$0xFFFFFCE0] =	vst v7;
	v15 =	vld.idx.msk [tilespmem:v20+s12+$0x0], $0xffff  }
0x3a0: {  	v19 =	vperm.xlane v54, v56;
	v14 =	vld.idx.msk [tilespmem:v63+s12+$0x0], $0xffff;
	[tilespmem:s24+$0x180] =	vst v10;
	v10 =	vadd.s32 v3, v25  }
0x3a1: {  	v33 =	vperm.xlane v54, v43;
	v8 =	vadd.s32 v3, v8;
	v7 =	vld.idx.msk [tilespmem:v17+s12+$0x0], $0xffff;
	[tilespmem:s24+$0xFFFFFDA0] =	vst v9  }
0x3a2: {  	v52 =	vperm.xlane v54, v51;
	v51 =	vadd.s32 v0, v18;
	v6 =	vld.idx.msk [tilespmem:v6+s12+$0x0], $0xffff;
	[tilespmem:s24+$0xFFFFFFE0] =	vst v11  }
0x3a3: {  	v42 =	vperm.xlane v23, v55;
	v9 =	vadd.s32 v3, v12;
	v11 =	vld.idx.msk [tilespmem:v13+s12+$0x0], $0xffff;
	[tilespmem:s26+$0x2E0] =	vst v16  }
0x3a4: {  	v53 =	vadd.s32 v0, v1;
	v54 =	vadd.s32 v3, v5;
	[tilespmem:s26+$0xFFFFFEE0] =	vst v15;
	v2 =	vld.idx.msk [tilespmem:v2+s12+$0x0], $0xffff  }
0x3a5: {  	v22 =	vperm.xlane v23, v56;
	v16 =	vadd.s32 v0, v4;
	[tilespmem:s26+$0xFFFFFCF0] =	vst v14;
	v15 =	vld.idx.msk [tilespmem:v10+s12+$0x0], $0xffff  }
0x3a6: {  	v23 =	vperm.xlane v24, v43;
	v17 =	vadd.s32 v0, v62;
	[tilespmem:s26+$0xE0] =	vst v7;
	v63 =	vld.idx.msk [tilespmem:v8+s12+$0x0], $0xffff  }
0x3a7: {  	v21 =	vperm.xlane v32, v43;
	v20 =	vperm.xlane v32, v56;
	v7 =	vld.idx.msk [tilespmem:v51+s12+$0x0], $0xffff;
	[tilespmem:s24+$0x190] =	vst v6  }
0x3a8: {  	v32 =	vadd.s32 v3, v23;
	v25 =	vperm.xlane v24, v55;
	v8 =	vld.idx.msk [tilespmem:v9+s12+$0x0], $0xffff;
	[tilespmem:s24+$0xFFFFFDB0] =	vst v11  }
0x3a9: {  	v24 =	vperm.xlane v24, v56;
	v55 =	vadd.s32 v0, v5;
	v9 =	vld.idx.msk [tilespmem:v53+s12+$0x0], $0xffff;
	[tilespmem:s24+$0xFFFFFFF0] =	vst v2  }
0x3aa: {  	s29 =	simm.s32 $0x4;
	v56 =	vadd.s32 v3, v58;
	v4 =	vadd.s32 v3, v1;
	v2 =	vld.idx.msk [tilespmem:v16+s12+$0x0], $0xffff;
	[tilespmem:s26+$0x2F0] =	vst v15  }
0x3ab: {  	s30 =	simm.s32 $0x80;
	s31 =	simm.s32 $0x400;
	s28 =	simm.s32 $0x15280;
	v1 =	vadd.s32 v0, v57;
	v10 =	vadd.s32 v3, v18;
	[tilespmem:s26+$0xFFFFFEF0] =	vst v63;
	v16 =	vmov v57;
	v5 =	vld.idx.msk [tilespmem:v17+s12+$0x0], $0xffff  }
.LBB2_13:
0x3ac: {  	[tilespmem:$0x1FCD0] =	vst v21;
	v21 =	vld [tilespmem:$0x1FDC0]  }
0x3ad: {  	[tilespmem:$0x1FC80] =	vst v26  }
0x3ae: {  	[tilespmem:$0x1FD30] =	vst v25;
	v15 =	vmov v24  }
0x3af: {  	v18 =	vmov v32;
	[tilespmem:$0x1FD70] =	vst v15  }
0x3b0: {  	s0 =	sand.u32 $0xC00, s31;
	s1 =	ssub.s32 s30, s25;
	s2 =	sadd.s32 $0x10, s30;
	v6 =	vadd.s32 v3, v61;
	v11 =	vadd.s32 v0, v58;
	[tilespmem:$0x1FC70] =	vst v18  }
0x3b1: {  	v12 =	vadd.s32 v3, v16;
	s3 =	sadd.s32 $0x20, s30;
	v14 =	vadd.s32 v0, v61;
	s10 =	sand.u32 $0x40, s30;
	v17 =	vadd.s32 v3, v62;
	s0 =	sadd.s32 s0, s21;
	[tilespmem:s26+$0xFFFFFD00] =	vst v7  }
0x3b2: {  	v25 =	vadd.s32 v3, v48;
	v26 =	vadd.s32 v3, v60;
	v53 =	vadd.s32 s1, v0;
	s11 =	ssub.s32 s2, s25;
	s1 =	sand.u32 $0x60, s3;
	s3 =	ssub.s32 s3, s25;
	v10 =	vld.idx.msk [tilespmem:v10+s12+$0x0], $0xffff;
	[tilespmem:s24+$0x1A0] =	vst v9  }
0x3b3: {  	vm0 =	vgt.s32 v53, $0xFFFFFFC0;
	v15 =	vadd.s32 s11, v0;
	s10 =	sadd.s32 s10, s0;
	v18 =	vadd.s32 s3, v0;
	[tilespmem:s24+$0xFFFFFDC0] =	vst v2;
	v2 =	vld.idx.msk [tilespmem:v4+s12+$0x0], $0xffff  }
0x3b4: {  	[tilespmem:$0x1FCC0] =	vst v22;
	s2 =	sand.u32 $0x50, s2;
	s11 =	sadd.s32 $0x30, s30;
	vm13 =	vgt.s32 v15, $0xFFFFFFC0;
	vm15 =	vgt.s32 v18, $0xFFFFFFC0;
	v9 =	vnsel vm0, $0xFFFFFFC0, v53;
	v4 =	vld.idx.msk [tilespmem:v21+s10+$0x0 ss:$0x1], $0xffff  }
0x3b5: {  	s2 =	sadd.s32 s2, s0;
	v57 =	vadd.s32 v0, v46;
	v15 =	vnsel vm13, $0xFFFFFFC0, v15;
	[tilespmem:s26+$0x300] =	vst v5;
	v18 =	vnsel vm15, $0xFFFFFFC0, v18;
	v5 =	vld.idx.msk [tilespmem:v44+s12+$0x0], $0xffff;
	s10 =	sand.u32 $0x70, s11;
	s11 =	ssub.s32 s11, s25  }
0x3b6: {  	[tilespmem:$0x1FD40] =	vst v20;
	s1 =	sadd.s32 s1, s0;
	v32 =	vadd.s32 v0, v59;
	v43 =	vadd.s32 v3, v59;
	v22 =	vld.idx.msk [tilespmem:v21+s2+$0x0 ss:$0x1], $0xffff;
	s0 =	sadd.s32 s10, s0;
	v16 =	vadd.s32 s11, v0  }
0x3b7: {  	[tilespmem:$0x1FDA0] =	vst v23;
	vm1 =	vlt.s32 v9, $0x40;
	vm0 =	vlt.s32 v15, $0x40;
	v20 =	vld.idx.msk [tilespmem:v21+s0+$0x0 ss:$0x1], $0xffff;
	vm14 =	vgt.s32 v16, $0xFFFFFFC0  }
0x3b8: {  	v13 =	vmovc v33;
	v9 =	vnsel vm1, $0x40, v9;
	v15 =	vnsel vm0, $0x40, v15;
	v24 =	vld.idx.msk [tilespmem:v21+s1+$0x0 ss:$0x1], $0xffff;
	[tilespmem:s24+$0x1B0] =	vst v2;
	v23 =	vnsel vm14, $0xFFFFFFC0, v16  }
0x3b9: {  	[tilespmem:$0x1FC60] =	vst v13;
	vm1 =	vlt.s32 v18, $0x40;
	v1 =	vld.idx.msk [tilespmem:v1+s12+$0x0], $0xffff;
	vm0 =	vlt.s32 v23, $0x40;
	v2 =	vmul.u32 $0x81, v4  }
0x3ba: {  	[tilespmem:s26+$0xFFFFFD10] =	vst v10;
	v21 =	vadd.s32 v0, v49;
	v16 =	vadd.s32 v3, v49;
	v10 =	vnsel vm0, $0x40, v23  }
0x3bb: {  	v13 =	vld.idx.msk [tilespmem:v57+s12+$0x0], $0xffff;
	[tilespmem:s24+$0xFFFFFDD0] =	vst v5;
	v4 =	vnsel vm1, $0x40, v18;
	v23 =	vadd.s32 v3, v46;
	v2 =	vadd.s32 v2, v9  }
0x3bc: {  	[tilespmem:$0x1FD10] =	vst v28;
	v11 =	vld.idx.msk [tilespmem:v11+s12+$0x0], $0xffff;
	v9 =	vmul.u32 $0x81, v20;
	v20 =	vmul.u32 $0x81, v22;
	v2 =	vadd.s32 $0x40, v2  }
0x3bd: {  	[tilespmem:$0x1FD80] =	vst v27;
	v17 =	vld.idx.msk [tilespmem:v17+s12+$0x0], $0xffff;
	v18 =	vadd.s32 v0, v48;
	v22 =	vadd.s32 v0, v60;
	v5 =	vshll.u32 v2, $0x5  }
0x3be: {  	[tilespmem:s24+$0x1C0] =	vst v1;
	v2 =	vmul.u32 $0x81, v24;
	v9 =	vadd.s32 v9, v10;
	v15 =	vadd.s32 v20, v15  }
0x3bf: {  	[tilespmem:$0x1FDB0] =	vst v19;
	v46 =	vld.idx.msk [tilespmem:v12+s12+$0x0], $0xffff;
	v10 =	vperm.xlane v5, v35;
	v9 =	vshll.u32 v9, $0x5;
	v24 =	vperm.xlane v5, v36  }
0x3c0: {  	[tilespmem:s26+$0xFFFFFD20] =	vst v13;
	v58 =	vshll.u32 v15, $0x5;
	v59 =	vperm.xlane v5, v41;
	v2 =	vadd.s32 v2, v4  }
0x3c1: {  	v23 =	vld.idx.msk [tilespmem:v23+s12+$0x0], $0xffff;
	[tilespmem:s24+$0xFFFFFDE0] =	vst v11;
	v9 =	vadd.s32 $0x800, v9;
	v1 =	vadd.s32 v0, v10;
	v2 =	vshll.u32 v2, $0x5  }
0x3c2: {  	[tilespmem:s26+$0x310] =	vst v17;
	v12 =	vadd.s32 $0x800, v58;
	v44 =	vperm.xlane v9, v35;
	v15 =	vadd.s32 $0x800, v2;
	v2 =	vld.idx.msk [tilespmem:v56+s12+$0x0], $0xffff  }
0x3c3: {  	[tilespmem:s26+$0xF0] =	vst v8;
	v11 =	vld.idx.msk [tilespmem:v32+s12+$0x0], $0xffff;
	v47 =	vperm.xlane v12, v35;
	v60 =	vperm.xlane v15, v35  }
0x3c4: {  	v62 =	vmov v45;
	v45 =	vperm.xlane v9, v36;
	v33 =	vld.idx.msk [tilespmem:v22+s12+$0x0], $0xffff;
	v4 =	vadd.s32 v0, v44;
	[tilespmem:s24+$0x1D0] =	vst v46  }
0x3c5: {  	[tilespmem:$0x1FD20] =	vst v59;
	v61 =	vadd.s32 v0, v47;
	v55 =	vld.idx.msk [tilespmem:v55+s12+$0x0], $0xffff;
	v63 =	vadd.s32 v0, v60  }
0x3c6: {  	v48 =	vadd.s32 v3, v60;
	v60 =	vperm.xlane v15, v41;
	v1 =	vld.idx.msk [tilespmem:v1+s12+$0x0], $0xffff;
	[tilespmem:s26+$0xFFFFFD30] =	vst v23  }
0x3c7: {  	v22 =	vperm.xlane v12, v36;
	v27 =	vperm.xlane v15, v36;
	v36 =	vld.idx.msk [tilespmem:v18+s12+$0x0], $0xffff;
	[tilespmem:s24+$0xFFFFFDF0] =	vst v2  }
0x3c8: {  	v20 =	vperm.xlane v5, v37;
	v58 =	vmov v52;
	v52 =	vperm.xlane v9, v37;
	[tilespmem:$0x1FD60] =	vst v60  }
0x3c9: {  	v53 =	vperm.xlane v15, v37;
	v2 =	vperm.xlane v5, v40;
	v57 =	vld.idx.msk [tilespmem:v4+s12+$0x0], $0xffff;
	[tilespmem:s26+$0x320] =	vst v33  }
0x3ca: {  	v23 =	vperm.xlane v12, v37;
	v37 =	vadd.s32 v3, v10;
	v49 =	vld.idx.msk [tilespmem:v61+s12+$0x0], $0xffff;
	[tilespmem:s28+$0xFFFFFF00] =	vst v11  }
0x3cb: {  	v61 =	vperm.xlane v12, v41;
	[tilespmem:$0x1FCA0] =	vst v2  }
0x3cc: {  	v19 =	vadd.s32 v0, v50;
	v7 =	vadd.s32 v3, v50;
	v50 =	vld.idx.msk [tilespmem:v63+s12+$0x0], $0xffff;
	[tilespmem:s24+$0x1E0] =	vst v55  }
0x3cd: {  	s26 =	sadd.s32 $0x800, s26;
	[tilespmem:$0x1FD50] =	vst v61  }
0x3ce: {  	v26 =	vld.idx.msk [tilespmem:v26+s12+$0x0], $0xffff;
	v55 =	vperm.xlane v12, v40;
	[tilespmem:s26+$0xFFFFFC00] =	vst v1  }
0x3cf: {  	v46 =	vld.idx.msk [tilespmem:v37+s12+$0x0], $0xffff;
	[tilespmem:s28+$0xFFFFFD40] =	vst v36  }
0x3d0: {  	v51 =	vperm.xlane v5, v38;
	v32 =	vperm.xlane v9, v38;
	v47 =	vadd.s32 v3, v47;
	[tilespmem:$0x1FCF0] =	vst v55  }
0x3d1: {  	v17 =	vperm.xlane v15, v38;
	v18 =	vperm.xlane v12, v38;
	v38 =	vimm.s32 $0x9;
	[tilespmem:s26+$0x200] =	vst v57  }
0x3d2: {  	v43 =	vld.idx.msk [tilespmem:v43+s12+$0x0], $0xffff;
	v37 =	vperm.xlane v5, v38;
	[tilespmem:s26+$0xFFFFFE00] =	vst v49  }
0x3d3: {  	v13 =	vperm.xlane v5, v39;
	v44 =	vadd.s32 v3, v44;
	v54 =	vld.idx.msk [tilespmem:v54+s12+$0x0], $0xffff;
	[tilespmem:s28+$0x330] =	vst v26  }
0x3d4: {  	v8 =	vperm.xlane v15, v39;
	v25 =	vld.idx.msk [tilespmem:v25+s12+$0x0], $0xffff;
	v57 =	vperm.xlane v9, v40;
	[tilespmem:$0x1FC90] =	vst v37  }
0x3d5: {  	v10 =	vperm.xlane v12, v39;
	v26 =	vperm.xlane v15, v40;
	v47 =	vld.idx.msk [tilespmem:v47+s12+$0x0], $0xffff;
	[tilespmem:s26+$0x0] =	vst v50  }
0x3d6: {  	v11 =	vperm.xlane v9, v39;
	v39 =	vadd.s32 v0, v24;
	[tilespmem:$0x1FCE0] =	vst v57;
	v19 =	vld.idx.msk [tilespmem:v19+s12+$0x0], $0xffff  }
0x3d7: {  	v57 =	vld [tilespmem:$0x1FDE0];
	[tilespmem:$0x1FD00] =	vst v26  }
0x3d8: {  	v48 =	vld.idx.msk [tilespmem:v48+s12+$0x0], $0xffff;
	[tilespmem:s24+$0x1F0] =	vst v54  }
0x3d9: {  	v26 =	vld.idx.msk [tilespmem:v44+s12+$0x0], $0xffff;
	s24 =	smov.u32 s28;
	[tilespmem:s26+$0xFFFFFC10] =	vst v46  }
0x3da: {  	v28 =	vadd.s32 v0, v45;
	v33 =	vimm.s32 $0x8;
	v44 =	vld [tilespmem:$0x1FDF0];
	[tilespmem:s24+$0xFFFFFF10] =	vst v43  }
0x3db: {  	v46 =	vmov v29;
	v29 =	vadd.s32 v0, v22;
	v50 =	vld.idx.msk [tilespmem:v39+s12+$0x0], $0xffff;
	[tilespmem:s28+$0xFFFFFD50] =	vst v25;
	v39 =	vperm.xlane v12, v33  }
0x3dc: {  	v25 =	vadd.s32 v0, v27;
	v21 =	vld.idx.msk [tilespmem:v21+s12+$0x0], $0xffff;
	[tilespmem:s26+$0xFFFFFE10] =	vst v47  }
0x3dd: {  	v14 =	vld.idx.msk [tilespmem:v14+s12+$0x0], $0xffff;
	[tilespmem:$0x1FCB0] =	vst v39  }
0x3de: {  	v24 =	vadd.s32 v3, v24;
	v47 =	vld [tilespmem:$0x1FDD0];
	[tilespmem:s26+$0x210] =	vst v26  }
0x3df: {  	[tilespmem:s26+$0x10] =	vst v48;
	v26 =	vld.idx.msk [tilespmem:v28+s12+$0x0], $0xffff  }
0x3e0: {  	v29 =	vld.idx.msk [tilespmem:v29+s12+$0x0], $0xffff;
	[tilespmem:s24+$0x340] =	vst v19  }
0x3e1: {  	v56 =	vperm.xlane v9, v41;
	v28 =	vadd.s32 v3, v45;
	[tilespmem:s26+$0xFFFFFC20] =	vst v50;
	v25 =	vld.idx.msk [tilespmem:v25+s12+$0x0], $0xffff  }
0x3e2: {  	v4 =	vperm.xlane v5, v34;
	v22 =	vadd.s32 v3, v22;
	[tilespmem:s24+$0xFFFFFF20] =	vst v21;
	v7 =	vld.idx.msk [tilespmem:v7+s12+$0x0], $0xffff  }
0x3e3: {  	v2 =	vperm.xlane v9, v34;
	v27 =	vadd.s32 v3, v27;
	v24 =	vld.idx.msk [tilespmem:v24+s12+$0x0], $0xffff;
	[tilespmem:s24+$0xFFFFFD60] =	vst v14  }
0x3e4: {  	v63 =	vperm.xlane v15, v34;
	v48 =	vmov v31;
	v31 =	vadd.s32 v0, v57;
	v16 =	vld.idx.msk [tilespmem:v16+s12+$0x0], $0xffff;
	[tilespmem:s26+$0x220] =	vst v26  }
0x3e5: {  	v1 =	vperm.xlane v12, v34;
	v19 =	vadd.s32 v0, v20;
	v6 =	vld.idx.msk [tilespmem:v6+s12+$0x0], $0xffff;
	[tilespmem:s26+$0xFFFFFE20] =	vst v29  }
0x3e6: {  	v40 =	vimm.s32 $0xA;
	v37 =	vadd.s32 v0, v23;
	v34 =	vadd.s32 v0, v47;
	v28 =	vld.idx.msk [tilespmem:v28+s12+$0x0], $0xffff;
	[tilespmem:s26+$0x20] =	vst v25  }
0x3e7: {  	v41 =	vimm.s32 $0xC;
	v55 =	vperm.xlane v5, v40;
	v26 =	vadd.s32 v0, v44;
	v22 =	vld.idx.msk [tilespmem:v22+s12+$0x0], $0xffff;
	[tilespmem:s24+$0x350] =	vst v7  }
0x3e8: {  	v21 =	vperm.xlane v5, v41;
	v29 =	vadd.s32 v0, v52;
	[tilespmem:s26+$0xFFFFFC30] =	vst v24;
	v27 =	vld.idx.msk [tilespmem:v27+s12+$0x0], $0xffff  }
0x3e9: {  	v50 =	vperm.xlane v9, v40;
	v14 =	vperm.xlane v12, v40;
	[tilespmem:s24+$0xFFFFFF30] =	vst v16;
	v31 =	vld.idx.msk [tilespmem:v31+s12+$0x0], $0xffff  }
0x3ea: {  	v24 =	vperm.xlane v15, v40;
	v40 =	vmov v21;
	v19 =	vld.idx.msk [tilespmem:v19+s12+$0x0], $0xffff;
	[tilespmem:s24+$0xFFFFFD70] =	vst v6;
	v6 =	vadd.s32 v0, v53  }
0x3eb: {  	v45 =	vmov v42;
	v42 =	vimm.s32 $0xB;
	v34 =	vld.idx.msk [tilespmem:v34+s12+$0x0], $0xffff;
	[tilespmem:$0x1FDF0] =	vst v40;
	v40 =	vadd.s32 v3, v57  }
0x3ec: {  	v59 =	vmov v30;
	v30 =	vperm.xlane v9, v42;
	v7 =	vadd.s32 v3, v20;
	v39 =	vld.idx.msk [tilespmem:v26+s12+$0x0], $0xffff;
	[tilespmem:s26+$0x230] =	vst v28  }
0x3ed: {  	[tilespmem:s26+$0xFFFFFE30] =	vst v22;
	v29 =	vld.idx.msk [tilespmem:v29+s12+$0x0], $0xffff  }
0x3ee: {  	v20 =	vmov v30;
	v28 =	vadd.s32 v3, v44;
	v30 =	vld.idx.msk [tilespmem:v37+s12+$0x0], $0xffff;
	[tilespmem:s26+$0x30] =	vst v27  }
0x3ef: {  	v36 =	vperm.xlane v5, v33;
	v27 =	vadd.s32 v3, v47;
	[tilespmem:s24+$0x360] =	vst v31;
	v6 =	vld.idx.msk [tilespmem:v6+s12+$0x0], $0xffff  }
0x3f0: {  	v52 =	vadd.s32 v3, v52;
	[tilespmem:s26+$0xFFFFFC40] =	vst v19;
	v40 =	vld.idx.msk [tilespmem:v40+s12+$0x0], $0xffff  }
0x3f1: {  	v60 =	vperm.xlane v9, v38;
	[tilespmem:$0x1FD90] =	vst v36;
	v7 =	vld.idx.msk [tilespmem:v7+s12+$0x0], $0xffff  }
0x3f2: {  	v49 =	vperm.xlane v9, v33;
	v36 =	vperm.xlane v9, v41;
	[tilespmem:s24+$0xFFFFFD80] =	vst v39;
	v39 =	vadd.s32 v3, v53;
	v53 =	vld [tilespmem:$0x1FE00]  }
0x3f3: {  	v23 =	vadd.s32 v3, v23;
	v54 =	vperm.xlane v12, v38;
	[tilespmem:s24+$0xFFFFFF40] =	vst v34;
	v28 =	vld.idx.msk [tilespmem:v28+s12+$0x0], $0xffff  }
0x3f4: {  	v38 =	vperm.xlane v15, v38;
	v31 =	vadd.s32 v0, v51;
	[tilespmem:s26+$0x240] =	vst v29;
	v27 =	vld.idx.msk [tilespmem:v27+s12+$0x0], $0xffff  }
0x3f5: {  	v33 =	vperm.xlane v15, v33;
	v61 =	vperm.xlane v5, v42;
	[tilespmem:$0x1FDE0] =	vst v20;
	v29 =	vld.idx.msk [tilespmem:v52+s12+$0x0], $0xffff  }
0x3f6: {  	v43 =	vimm.s32 $0xD;
	v35 =	vperm.xlane v12, v42;
	v25 =	vperm.xlane v12, v41;
	[tilespmem:s26+$0xFFFFFE40] =	vst v30;
	v52 =	vld [tilespmem:$0x1FE20]  }
0x3f7: {  	v21 =	vperm.xlane v12, v43;
	[tilespmem:s26+$0x40] =	vst v6;
	v34 =	vadd.s32 v0, v53;
	v30 =	vadd.s32 v3, v53;
	v53 =	vld [tilespmem:$0x1FE10]  }
0x3f8: {  	v16 =	vmov v14;
	v20 =	vperm.xlane v15, v42;
	v14 =	vperm.xlane v15, v41;
	[tilespmem:s26+$0xFFFFFC50] =	vst v7;
	v39 =	vld.idx.msk [tilespmem:v39+s12+$0x0], $0xffff  }
0x3f9: {  	v41 =	vadd.s32 v0, v32;
	v31 =	vld.idx.msk [tilespmem:v31+s12+$0x0], $0xffff;
	[tilespmem:s24+$0xFFFFFD90] =	vst v28;
	v28 =	vadd.s32 v0, v17  }
0x3fa: {  	v42 =	vadd.s32 v0, v18;
	v57 =	vimm.s32 $0xE;
	[tilespmem:s24+$0x370] =	vst v40;
	v40 =	vadd.s32 v3, v51  }
0x3fb: {  	[tilespmem:$0x1FDD0] =	vst v16;
	v16 =	vperm.xlane v12, v57;
	v47 =	vmov v33;
	v37 =	vadd.s32 v0, v52  }
0x3fc: {  	v26 =	vperm.xlane v9, v43;
	v44 =	vimm.s32 $0xF;
	[tilespmem:$0x1FE00] =	vst v47;
	v23 =	vld.idx.msk [tilespmem:v23+s12+$0x0], $0xffff;
	v33 =	vadd.s32 v0, v53  }
0x3fd: {  	v22 =	vperm.xlane v9, v57;
	v19 =	vperm.xlane v9, v44;
	v34 =	vld.idx.msk [tilespmem:v34+s12+$0x0], $0xffff;
	[tilespmem:s26+$0x50] =	vst v39  }
0x3fe: {  	v9 =	vperm.xlane v12, v44;
	v12 =	vperm.xlane v5, v43;
	[tilespmem:s26+$0xFFFFFC60] =	vst v31;
	v28 =	vld.idx.msk [tilespmem:v28+s12+$0x0], $0xffff  }
0x3ff: {  	v6 =	vperm.xlane v5, v57;
	[tilespmem:s24+$0xFFFFFF50] =	vst v27;
	v31 =	vadd.s32 v3, v32;
	v32 =	vld.idx.msk [tilespmem:v40+s12+$0x0], $0xffff  }
0x400: {  	v57 =	vperm.xlane v15, v57;
	v7 =	vperm.xlane v15, v43;
	v27 =	vld.idx.msk [tilespmem:v37+s12+$0x0], $0xffff;
	[tilespmem:s26+$0x250] =	vst v29  }
0x401: {  	v43 =	vperm.xlane v5, v44;
	v5 =	vperm.xlane v15, v44;
	v15 =	vld.idx.msk [tilespmem:v33+s12+$0x0], $0xffff;
	[tilespmem:s26+$0xFFFFFE50] =	vst v23  }
0x402: {  	v17 =	vadd.s32 v3, v17;
	v23 =	vld.idx.msk [tilespmem:v41+s12+$0x0], $0xffff;
	v33 =	vadd.s32 v3, v52;
	v52 =	vmov v36;
	[tilespmem:s24+$0x100] =	vst v34  }
0x403: {  	[tilespmem:$0x1FE20] =	vst v52;
	v36 =	vld.idx.msk [tilespmem:v42+s12+$0x0], $0xffff  }
0x404: {  	v52 =	vadd.s32 v3, v53;
	v30 =	vld.idx.msk [tilespmem:v30+s12+$0x0], $0xffff;
	[tilespmem:s26+$0x60] =	vst v28  }
0x405: {  	v47 =	vld [tilespmem:$0x1FC60];
	[tilespmem:s26+$0xFFFFFC70] =	vst v32  }
0x406: {  	v18 =	vadd.s32 v3, v18;
	v44 =	vld [tilespmem:$0x1FC70];
	[tilespmem:s24+$0x380] =	vst v27  }
0x407: {  	v29 =	vadd.s32 v0, v58;
	v17 =	vld.idx.msk [tilespmem:v17+s12+$0x0], $0xffff;
	[tilespmem:s24+$0xFFFFFF60] =	vst v15  }
0x408: {  	v27 =	vadd.s32 v0, v13;
	v15 =	vld.idx.msk [tilespmem:v33+s12+$0x0], $0xffff;
	[tilespmem:s26+$0x260] =	vst v23  }
0x409: {  	v42 =	vadd.s32 v0, v45;
	v23 =	vld.idx.msk [tilespmem:v52+s12+$0x0], $0xffff;
	[tilespmem:s26+$0xFFFFFE60] =	vst v36  }
0x40a: {  	v53 =	vmov v35;
	v31 =	vld.idx.msk [tilespmem:v31+s12+$0x0], $0xffff;
	[tilespmem:s24+$0x110] =	vst v30;
	v30 =	vadd.s32 v0, v8  }
0x40b: {  	v28 =	vadd.s32 v0, v62;
	[tilespmem:$0x1FE10] =	vst v53;
	v18 =	vld.idx.msk [tilespmem:v18+s12+$0x0], $0xffff  }
0x40c: {  	v53 =	vadd.s32 v0, v11;
	v29 =	vld.idx.msk [tilespmem:v29+s12+$0x0], $0xffff;
	[tilespmem:s26+$0x70] =	vst v17  }
0x40d: {  	v27 =	vld.idx.msk [tilespmem:v27+s12+$0x0], $0xffff;
	[tilespmem:s24+$0x390] =	vst v15  }
0x40e: {  	v33 =	vadd.s32 v3, v58;
	v58 =	vadd.s32 v0, v10;
	[tilespmem:s24+$0xFFFFFF70] =	vst v23;
	v15 =	vld.idx.msk [tilespmem:v42+s12+$0x0], $0xffff  }
0x40f: {  	[tilespmem:s26+$0x270] =	vst v31;
	v31 =	vadd.s32 v3, v45;
	v45 =	vmov v25;
	v25 =	vld.idx.msk [tilespmem:v30+s12+$0x0], $0xffff  }
0x410: {  	v23 =	vld.idx.msk [tilespmem:v28+s12+$0x0], $0xffff  }
0x411: {  	v13 =	vadd.s32 v3, v13;
	[tilespmem:s26+$0xFFFFFE70] =	vst v18;
	v18 =	vld.idx.msk [tilespmem:v53+s12+$0x0], $0xffff  }
0x412: {  	[tilespmem:s24+$0x120] =	vst v29;
	v29 =	vld [tilespmem:$0x1FC80]  }
0x413: {  	v8 =	vadd.s32 v3, v8;
	v42 =	vmov v26;
	v26 =	vld.idx.msk [tilespmem:v58+s12+$0x0], $0xffff  }
0x414: {  	[tilespmem:s26+$0xFFFFFC80] =	vst v27;
	v27 =	vld.idx.msk [tilespmem:v33+s12+$0x0], $0xffff  }
0x415: {  	v17 =	vadd.s32 v3, v62;
	v33 =	vmov v57;
	v57 =	vld [tilespmem:$0x1FCF0];
	[tilespmem:s24+$0x3A0] =	vst v15  }
0x416: {  	v11 =	vadd.s32 v3, v11;
	v13 =	vld.idx.msk [tilespmem:v13+s12+$0x0], $0xffff;
	[tilespmem:s26+$0x80] =	vst v25  }
0x417: {  	v10 =	vadd.s32 v3, v10;
	[tilespmem:s24+$0xFFFFFF80] =	vst v23;
	v23 =	vld.idx.msk [tilespmem:v31+s12+$0x0], $0xffff  }
0x418: {  	v28 =	vadd.s32 v0, v48;
	v8 =	vld.idx.msk [tilespmem:v8+s12+$0x0], $0xffff  }
0x419: {  	v15 =	vadd.s32 v0, v4;
	[tilespmem:s26+$0x280] =	vst v18;
	v18 =	vadd.s32 v3, v48;
	v48 =	vmov v55;
	v55 =	vld [tilespmem:$0x1FCE0]  }
0x41a: {  	v17 =	vld.idx.msk [tilespmem:v17+s12+$0x0], $0xffff  }
0x41b: {  	[tilespmem:s26+$0xFFFFFE80] =	vst v26;
	v11 =	vld.idx.msk [tilespmem:v11+s12+$0x0], $0xffff;
	v26 =	vadd.s32 v0, v29  }
0x41c: {  	v31 =	vmov v24;
	v24 =	vadd.s32 v0, v46;
	[tilespmem:s24+$0x130] =	vst v27;
	v10 =	vld.idx.msk [tilespmem:v10+s12+$0x0], $0xffff  }
0x41d: {  	v53 =	vadd.s32 v0, v2;
	[tilespmem:s26+$0xFFFFFC90] =	vst v13;
	v28 =	vld.idx.msk [tilespmem:v28+s12+$0x0], $0xffff  }
0x41e: {  	v15 =	vld.idx.msk [tilespmem:v15+s12+$0x0], $0xffff;
	[tilespmem:s24+$0x3B0] =	vst v23  }
0x41f: {  	v25 =	vadd.s32 v0, v1;
	[tilespmem:s26+$0x90] =	vst v8;
	v8 =	vadd.s32 v3, v46;
	v46 =	vld [tilespmem:$0x1FC90]  }
0x420: {  	[tilespmem:s24+$0xFFFFFF90] =	vst v17;
	v17 =	vld.idx.msk [tilespmem:v26+s12+$0x0], $0xffff  }
0x421: {  	v27 =	vadd.s32 v0, v63;
	[tilespmem:s26+$0x290] =	vst v11;
	v11 =	vld.idx.msk [tilespmem:v24+s12+$0x0], $0xffff  }
0x422: {  	[tilespmem:s26+$0xFFFFFE90] =	vst v10;
	v10 =	vld.idx.msk [tilespmem:v53+s12+$0x0], $0xffff  }
0x423: {  	v53 =	vld [tilespmem:$0x1FD50]  }
0x424: {  	v4 =	vadd.s32 v3, v4;
	v26 =	vmov v22;
	v22 =	vld.idx.msk [tilespmem:v25+s12+$0x0], $0xffff  }
0x425: {  	v25 =	vld [tilespmem:$0x1FCC0]  }
0x426: {  	v23 =	vadd.s32 v3, v29;
	[tilespmem:s26+$0xFFFFFCA0] =	vst v15;
	v15 =	vld.idx.msk [tilespmem:v27+s12+$0x0], $0xffff  }
0x427: {  	v27 =	vld [tilespmem:$0x1FCA0]  }
0x428: {  	[tilespmem:s24+$0x140] =	vst v28;
	v28 =	vld [tilespmem:$0x1FD00]  }
0x429: {  	v4 =	vld.idx.msk [tilespmem:v4+s12+$0x0], $0xffff  }
0x42a: {  	v62 =	vmov v49;
	v2 =	vadd.s32 v3, v2;
	v18 =	vld.idx.msk [tilespmem:v18+s12+$0x0], $0xffff;
	[tilespmem:s24+$0x3C0] =	vst v17  }
0x42b: {  	v49 =	vmov v54;
	v54 =	vadd.s32 v0, v59;
	v1 =	vadd.s32 v3, v1;
	[tilespmem:s24+$0xFFFFFFA0] =	vst v11;
	v11 =	vld.idx.msk [tilespmem:v23+s12+$0x0], $0xffff  }
0x42c: {  	v29 =	vmov v21;
	v21 =	vadd.s32 v3, v63;
	[tilespmem:s26+$0x2A0] =	vst v10;
	v10 =	vadd.s32 v3, v59;
	v59 =	vld [tilespmem:$0x1FCB0]  }
0x42d: {  	v23 =	vld [tilespmem:$0x1FCD0]  }
0x42e: {  	v8 =	vld.idx.msk [tilespmem:v8+s12+$0x0], $0xffff;
	[tilespmem:s26+$0xFFFFFEA0] =	vst v22  }
0x42f: {  	v2 =	vld.idx.msk [tilespmem:v2+s12+$0x0], $0xffff;
	v22 =	vadd.s32 v0, v25;
	[tilespmem:s26+$0xA0] =	vst v15  }
0x430: {  	v17 =	vadd.s32 v0, v27;
	v1 =	vld.idx.msk [tilespmem:v1+s12+$0x0], $0xffff;
	[tilespmem:s26+$0xFFFFFCB0] =	vst v4  }
0x431: {  	v4 =	vld.idx.msk [tilespmem:v21+s12+$0x0], $0xffff;
	[tilespmem:s24+$0x150] =	vst v18  }
0x432: {  	v13 =	vld.idx.msk [tilespmem:v54+s12+$0x0], $0xffff;
	v15 =	vadd.s32 v0, v23  }
0x433: {  	v30 =	vmov v20;
	v20 =	vadd.s32 v0, v55;
	[tilespmem:s24+$0x3D0] =	vst v11;
	v11 =	vadd.s32 v3, v27;
	v27 =	vld [tilespmem:$0x1FD10]  }
0x434: {  	[tilespmem:s24+$0xFFFFFFB0] =	vst v8;
	v8 =	vld.idx.msk [tilespmem:v22+s12+$0x0], $0xffff  }
0x435: {  	v21 =	vadd.s32 v0, v57;
	v17 =	vld.idx.msk [tilespmem:v17+s12+$0x0], $0xffff  }
0x436: {  	v18 =	vadd.s32 v0, v28;
	[tilespmem:s26+$0xB0] =	vst v4;
	v4 =	vadd.s32 v3, v23;
	v23 =	vld [tilespmem:$0x1FD30]  }
0x437: {  	[tilespmem:s26+$0x2B0] =	vst v2;
	v2 =	vld.idx.msk [tilespmem:v15+s12+$0x0], $0xffff  }
0x438: {  	[tilespmem:s26+$0xFFFFFEB0] =	vst v1;
	v1 =	vld.idx.msk [tilespmem:v20+s12+$0x0], $0xffff  }
0x439: {  	v20 =	vadd.s32 v3, v25;
	v25 =	vld [tilespmem:$0x1FD20]  }
0x43a: {  	v22 =	vmov v19;
	v19 =	vld.idx.msk [tilespmem:v21+s12+$0x0], $0xffff  }
0x43b: {  	v21 =	vmov v16;
	v16 =	vld.idx.msk [tilespmem:v18+s12+$0x0], $0xffff;
	[tilespmem:s24+$0x160] =	vst v13  }
0x43c: {  	[tilespmem:s26+$0xFFFFFCC0] =	vst v17;
	v10 =	vld.idx.msk [tilespmem:v10+s12+$0x0], $0xffff  }
0x43d: {  	[tilespmem:s24+$0x3E0] =	vst v8;
	v17 =	vadd.s32 v3, v55;
	v11 =	vld.idx.msk [tilespmem:v11+s12+$0x0], $0xffff  }
0x43e: {  	v18 =	vadd.s32 v3, v57;
	[tilespmem:s24+$0xFFFFFFC0] =	vst v2;
	v2 =	vld.idx.msk [tilespmem:v20+s12+$0x0], $0xffff  }
0x43f: {  	v20 =	vld [tilespmem:$0x1FD40]  }
0x440: {  	v58 =	vadd.s32 v3, v28;
	[tilespmem:s26+$0x2C0] =	vst v1;
	v1 =	vld.idx.msk [tilespmem:v4+s12+$0x0], $0xffff  }
0x441: {  	v15 =	vadd.s32 v0, v27;
	[tilespmem:s26+$0xFFFFFEC0] =	vst v19;
	v19 =	vadd.s32 v3, v27;
	v27 =	vld [tilespmem:$0x1FD60]  }
0x442: {  	v8 =	vadd.s32 v0, v25;
	v4 =	vld.idx.msk [tilespmem:v17+s12+$0x0], $0xffff  }
0x443: {  	v51 =	vadd.s32 v3, v6;
	[tilespmem:s26+$0xC0] =	vst v16;
	v17 =	vadd.s32 v0, v23;
	v63 =	vld.idx.msk [tilespmem:v18+s12+$0x0], $0xffff  }
0x444: {  	v32 =	vmov v51;
	v51 =	vadd.s32 v0, v56;
	v54 =	vadd.s32 v3, v23;
	v23 =	vld [tilespmem:$0x1FD80];
	[tilespmem:s26+$0xFFFFFCD0] =	vst v11  }
0x445: {  	v11 =	vld.idx.msk [tilespmem:v58+s12+$0x0], $0xffff;
	[tilespmem:s24+$0x170] =	vst v10;
	v16 =	vadd.s32 v0, v20  }
0x446: {  	v18 =	vadd.s32 v0, v53;
	v15 =	vld.idx.msk [tilespmem:v15+s12+$0x0], $0xffff  }
0x447: {  	v8 =	vld.idx.msk [tilespmem:v8+s12+$0x0], $0xffff;
	[tilespmem:s24+$0x3F0] =	vst v2;
	v10 =	vadd.s32 v0, v27  }
0x448: {  	v2 =	vadd.s32 v3, v25;
	v17 =	vld.idx.msk [tilespmem:v17+s12+$0x0], $0xffff;
	[tilespmem:s26+$0x2D0] =	vst v4  }
0x449: {  	[tilespmem:s24+$0xFFFFFFD0] =	vst v1;
	v4 =	vld.idx.msk [tilespmem:v51+s12+$0x0], $0xffff  }
0x44a: {  	v1 =	vld.idx.msk [tilespmem:v16+s12+$0x0], $0xffff;
	[tilespmem:s26+$0xFFFFFED0] =	vst v63  }
0x44b: {  	[tilespmem:s26+$0xD0] =	vst v11;
	v57 =	vld.idx.msk [tilespmem:v18+s12+$0x0], $0xffff  }
0x44c: {  	v11 =	vadd.s32 v3, v20;
	[tilespmem:s26+$0xFFFFFCE0] =	vst v8;
	v8 =	vld.idx.msk [tilespmem:v10+s12+$0x0], $0xffff  }
0x44d: {  	v2 =	vld.idx.msk [tilespmem:v2+s12+$0x0], $0xffff;
	[tilespmem:s24+$0x180] =	vst v15  }
0x44e: {  	v20 =	vmov v9;
	v9 =	vadd.s32 v3, v56;
	v16 =	vld.idx.msk [tilespmem:v19+s12+$0x0], $0xffff  }
0x44f: {  	v19 =	vld [tilespmem:$0x1FD90];
	[tilespmem:s26+$0x2E0] =	vst v4  }
0x450: {  	v10 =	vadd.s32 v3, v53;
	v4 =	vld [tilespmem:$0x1FDA0];
	[tilespmem:s24+$0xFFFFFFE0] =	vst v1  }
0x451: {  	v1 =	vld.idx.msk [tilespmem:v11+s12+$0x0], $0xffff  }
0x452: {  	v58 =	vld [tilespmem:$0x1FD70];
	v15 =	vadd.s32 v3, v27;
	[tilespmem:s24+$0xFFFFFDA0] =	vst v17  }
0x453: {  	v55 =	vadd.s32 v0, v23;
	[tilespmem:s26+$0xFFFFFEE0] =	vst v57;
	v11 =	vld.idx.msk [tilespmem:v9+s12+$0x0], $0xffff  }
0x454: {  	v13 =	vld.idx.msk [tilespmem:v54+s12+$0x0], $0xffff;
	[tilespmem:s26+$0xE0] =	vst v8;
	v17 =	vadd.s32 v0, v19  }
0x455: {  	s29 =	sadd.s32 $0x4, s29;
	[tilespmem:s26+$0xFFFFFCF0] =	vst v2;
	v18 =	vld.idx.msk [tilespmem:v10+s12+$0x0], $0xffff;
	v63 =	vadd.s32 v0, v4  }
0x456: {  	p0 =	slt.u32 s29, $0x1C;
	v4 =	vadd.s32 v3, v23;
	v23 =	vmov v6;
	v6 =	vadd.s32 v0, v62;
	[tilespmem:s24+$0xFFFFFFF0] =	vst v1;
	v1 =	vld [tilespmem:$0x1FDB0]  }
.Ltmp5:
0x457: {  	v39 =	vimm.s32 $0x4;
	v40 =	vimm.s32 $0x6;
	v37 =	vimm.s32 $0x2;
	v8 =	vld.idx.msk [tilespmem:v15+s12+$0x0], $0xffff;
	[tilespmem:s24+$0x190] =	vst v16;
	(pc) =	sbr.rel @p0 .LBB2_13-.Ltmp5, $4  }
0x458: {  	v41 =	vimm.s32 $0x7;
	v34 =	vimm.s32 $0x5;
	v35 =	vimm.s32 $0x0;
	v52 =	vmovc v38;
	v9 =	vld.idx.msk [tilespmem:v55+s12+$0x0], $0xffff;
	[tilespmem:s26+$0x2F0] =	vst v11  }
0x459: {  	v36 =	vimm.s32 $0x1;
	v24 =	vmovc v43;
	v28 =	vmovc v14;
	v56 =	vadd.s32 v3, v58;
	v27 =	vmov v7;
	v7 =	vld.idx.msk [tilespmem:v17+s12+$0x0], $0xffff;
	[tilespmem:s24+$0xFFFFFDB0] =	vst v13  }
0x45a: {  	v38 =	vimm.s32 $0x3;
	v25 =	vmovc v12;
	v10 =	vadd.s32 v3, v19;
	v19 =	vmovc v5;
	v16 =	vmov v47;
	[tilespmem:s26+$0xFFFFFEF0] =	vst v18;
	v2 =	vld.idx.msk [tilespmem:v63+s12+$0x0], $0xffff  }
0x45b: {  	s31 =	sadd.s32 $0x200, s31;
	s30 =	sadd.s32 $0x40, s30;
	s28 =	smov.u32 s26;
	v5 =	vld.idx.msk [tilespmem:v6+s12+$0x0], $0xffff;
	v55 =	vadd.s32 v0, v1;
	v54 =	vadd.s32 v3, v1;
	v1 =	vadd.s32 v0, v47  }
0x45c: {  	v6 =	vadd.s32 v0, v59;
	v13 =	vld [tilespmem:$0x1FE00];
	_ =	sdelay $0x3  }
0x45d: {  	v12 =	vadd.s32 v3, v62  }
0x45e: {  	v11 =	vadd.s32 v0, v13;
	v6 =	vld.idx.msk [tilespmem:v6+s12+$0x0], $0xffff  }
0x45f: {  	v63 =	vadd.s32 v3, v59  }
0x460: {  	[tilespmem:s26+$0xFFFFFD00] =	vst v7  }
0x461: {  	v43 =	vld.idx.msk [tilespmem:v10+s12+$0x0], $0xffff;
	[tilespmem:s26+$0x300] =	vst v5  }
0x462: {  	[tilespmem:s26+$0xF0] =	vst v8;
	v51 =	vadd.s32 v0, v46;
	v5 =	vld.idx.msk [tilespmem:v12+s12+$0x0], $0xffff  }
0x463: {  	v17 =	vadd.s32 v0, v60;
	v11 =	vld.idx.msk [tilespmem:v11+s12+$0x0], $0xffff;
	[tilespmem:s28+$0xFFFFFF00] =	vst v6  }
0x464: {  	v13 =	vadd.s32 v3, v13;
	v18 =	vld.idx.msk [tilespmem:v63+s12+$0x0], $0xffff  }
0x465: {  	v47 =	vadd.s32 v0, v49  }
0x466: {  	[tilespmem:s26+$0xFFFFFD10] =	vst v43  }
0x467: {  	v62 =	vld.idx.msk [tilespmem:v51+s12+$0x0], $0xffff;
	[tilespmem:s26+$0x310] =	vst v5  }
0x468: {  	v5 =	vld.idx.msk [tilespmem:v17+s12+$0x0], $0xffff;
	[tilespmem:s28+$0x100] =	vst v11  }
0x469: {  	v53 =	vld.idx.msk [tilespmem:v13+s12+$0x0], $0xffff;
	[tilespmem:s28+$0xFFFFFF10] =	vst v18  }
0x46a: {  	v7 =	vld.idx.msk [tilespmem:v47+s12+$0x0], $0xffff;
	_ =	sdelay $0x1  }
0x46b: {  	v59 =	vadd.s32 v3, v60;
	[tilespmem:s26+$0xFFFFFD20] =	vst v62  }
0x46c: {  	v63 =	vadd.s32 v3, v46;
	[tilespmem:s26+$0x320] =	vst v5  }
0x46d: {  	v57 =	vadd.s32 v0, v52;
	[tilespmem:s28+$0x110] =	vst v53  }
0x46e: {  	v60 =	vadd.s32 v3, v49;
	[tilespmem:s28+$0xFFFFFF20] =	vst v7  }
0x46f: {  	v14 =	vld [tilespmem:$0x1FDD0]  }
0x470: {  	v5 =	vld.idx.msk [tilespmem:v59+s12+$0x0], $0xffff  }
0x471: {  	v18 =	vadd.s32 v0, v50;
	v43 =	vld.idx.msk [tilespmem:v63+s12+$0x0], $0xffff  }
0x472: {  	v47 =	vadd.s32 v0, v48;
	v12 =	vld.idx.msk [tilespmem:v57+s12+$0x0], $0xffff  }
0x473: {  	v17 =	vadd.s32 v3, v52;
	v7 =	vld.idx.msk [tilespmem:v60+s12+$0x0], $0xffff  }
0x474: {  	v46 =	vadd.s32 v0, v14  }
0x475: {  	[tilespmem:s28+$0x330] =	vst v5  }
0x476: {  	[tilespmem:s26+$0xFFFFFD30] =	vst v43;
	v5 =	vld.idx.msk [tilespmem:v18+s12+$0x0], $0xffff  }
0x477: {  	v8 =	vld.idx.msk [tilespmem:v47+s12+$0x0], $0xffff;
	[tilespmem:s28+$0x120] =	vst v12  }
0x478: {  	v12 =	vld.idx.msk [tilespmem:v17+s12+$0x0], $0xffff;
	[tilespmem:s28+$0xFFFFFF30] =	vst v7  }
0x479: {  	v49 =	vadd.s32 v0, v31;
	v7 =	vld.idx.msk [tilespmem:v46+s12+$0x0], $0xffff;
	_ =	sdelay $0x1  }
0x47a: {  	[tilespmem:s28+$0x340] =	vst v5  }
0x47b: {  	[tilespmem:s28+$0xFFFFFD40] =	vst v8  }
0x47c: {  	v52 =	vadd.s32 v3, v48;
	[tilespmem:s28+$0x130] =	vst v12  }
0x47d: {  	v50 =	vadd.s32 v3, v50;
	v12 =	vld.idx.msk [tilespmem:v49+s12+$0x0], $0xffff;
	[tilespmem:s28+$0xFFFFFF40] =	vst v7  }
0x47e: {  	v51 =	vadd.s32 v3, v14;
	v57 =	vld [tilespmem:$0x1FDE0]  }
0x47f: {  	v15 =	vld [tilespmem:$0x1FE10]  }
0x480: {  	v53 =	vadd.s32 v3, v31  }
0x481: {  	v8 =	vld.idx.msk [tilespmem:v52+s12+$0x0], $0xffff  }
0x482: {  	v62 =	vadd.s32 v0, v61;
	v5 =	vld.idx.msk [tilespmem:v50+s12+$0x0], $0xffff  }
0x483: {  	v7 =	vld.idx.msk [tilespmem:v51+s12+$0x0], $0xffff;
	v59 =	vadd.s32 v0, v57  }
0x484: {  	[tilespmem:s28+$0x140] =	vst v12;
	v60 =	vadd.s32 v0, v15  }
0x485: {  	v12 =	vld.idx.msk [tilespmem:v53+s12+$0x0], $0xffff  }
0x486: {  	v63 =	vadd.s32 v0, v30;
	[tilespmem:s28+$0xFFFFFD50] =	vst v8  }
0x487: {  	[tilespmem:s28+$0x350] =	vst v5;
	v8 =	vld.idx.msk [tilespmem:v62+s12+$0x0], $0xffff  }
0x488: {  	[tilespmem:s28+$0xFFFFFF50] =	vst v7;
	v5 =	vld.idx.msk [tilespmem:v59+s12+$0x0], $0xffff  }
0x489: {  	v7 =	vld.idx.msk [tilespmem:v60+s12+$0x0], $0xffff  }
0x48a: {  	[tilespmem:s28+$0x150] =	vst v12  }
0x48b: {  	v18 =	vadd.s32 v3, v15;
	v12 =	vld.idx.msk [tilespmem:v63+s12+$0x0], $0xffff  }
0x48c: {  	[tilespmem:s28+$0xFFFFFD60] =	vst v8  }
0x48d: {  	[tilespmem:s28+$0x360] =	vst v5  }
0x48e: {  	v46 =	vadd.s32 v3, v30;
	[tilespmem:s28+$0xFFFFFF60] =	vst v7  }
0x48f: {  	v17 =	vadd.s32 v3, v57;
	v47 =	vld [tilespmem:$0x1FE20]  }
0x490: {  	v43 =	vadd.s32 v3, v61;
	v7 =	vld.idx.msk [tilespmem:v18+s12+$0x0], $0xffff;
	[tilespmem:s28+$0x160] =	vst v12  }
0x491: {  	v50 =	vld [tilespmem:$0x1FDF0]  }
0x492: {  	v49 =	vadd.s32 v0, v45  }
0x493: {  	v12 =	vld.idx.msk [tilespmem:v46+s12+$0x0], $0xffff  }
0x494: {  	v52 =	vadd.s32 v0, v28;
	v5 =	vld.idx.msk [tilespmem:v17+s12+$0x0], $0xffff  }
0x495: {  	v8 =	vld.idx.msk [tilespmem:v43+s12+$0x0], $0xffff;
	v48 =	vadd.s32 v0, v47  }
0x496: {  	[tilespmem:s28+$0xFFFFFF70] =	vst v7;
	v51 =	vadd.s32 v0, v50  }
0x497: {  	v7 =	vld.idx.msk [tilespmem:v49+s12+$0x0], $0xffff  }
0x498: {  	v57 =	vadd.s32 v3, v45;
	[tilespmem:s28+$0x170] =	vst v12  }
0x499: {  	[tilespmem:s28+$0x370] =	vst v5;
	v12 =	vld.idx.msk [tilespmem:v52+s12+$0x0], $0xffff  }
0x49a: {  	v60 =	vadd.s32 v3, v28;
	[tilespmem:s28+$0xFFFFFD70] =	vst v8;
	v5 =	vld.idx.msk [tilespmem:v48+s12+$0x0], $0xffff  }
0x49b: {  	v53 =	vadd.s32 v3, v47;
	v8 =	vld.idx.msk [tilespmem:v51+s12+$0x0], $0xffff  }
0x49c: {  	v59 =	vadd.s32 v3, v50;
	[tilespmem:s28+$0xFFFFFF80] =	vst v7  }
0x49d: {  	v7 =	vld.idx.msk [tilespmem:v57+s12+$0x0], $0xffff  }
0x49e: {  	v62 =	vadd.s32 v0, v29;
	[tilespmem:s28+$0x180] =	vst v12  }
0x49f: {  	v12 =	vld.idx.msk [tilespmem:v60+s12+$0x0], $0xffff;
	[tilespmem:s28+$0x380] =	vst v5  }
0x4a0: {  	v17 =	vadd.s32 v0, v27;
	v5 =	vld.idx.msk [tilespmem:v53+s12+$0x0], $0xffff;
	[tilespmem:s28+$0xFFFFFD80] =	vst v8  }
0x4a1: {  	v61 =	vadd.s32 v0, v42;
	v8 =	vld.idx.msk [tilespmem:v59+s12+$0x0], $0xffff  }
0x4a2: {  	v63 =	vadd.s32 v0, v25;
	[tilespmem:s28+$0xFFFFFF90] =	vst v7  }
0x4a3: {  	[tilespmem:s24+$0x1A0] =	vst v9;
	v7 =	vld.idx.msk [tilespmem:v62+s12+$0x0], $0xffff  }
0x4a4: {  	v18 =	vadd.s32 v3, v42;
	v42 =	vadd.s32 v3, v29;
	v4 =	vld.idx.msk [tilespmem:v4+s12+$0x0], $0xffff;
	[tilespmem:s28+$0x190] =	vst v12  }
0x4a5: {  	v12 =	vld.idx.msk [tilespmem:v17+s12+$0x0], $0xffff;
	[tilespmem:s28+$0x390] =	vst v5  }
0x4a6: {  	v46 =	vadd.s32 v3, v27;
	v5 =	vld.idx.msk [tilespmem:v61+s12+$0x0], $0xffff;
	[tilespmem:s28+$0xFFFFFD90] =	vst v8  }
0x4a7: {  	v43 =	vld.idx.msk [tilespmem:v63+s12+$0x0], $0xffff  }
0x4a8: {  	v45 =	vadd.s32 v3, v25;
	[tilespmem:s28+$0xFFFFFFA0] =	vst v7  }
0x4a9: {  	[tilespmem:s24+$0x1B0] =	vst v4;
	v7 =	vld.idx.msk [tilespmem:v42+s12+$0x0], $0xffff  }
0x4aa: {  	v48 =	vadd.s32 v0, v21;
	[tilespmem:s28+$0x1A0] =	vst v12  }
0x4ab: {  	v9 =	vld.idx.msk [tilespmem:v46+s12+$0x0], $0xffff;
	[tilespmem:s28+$0x3A0] =	vst v5  }
0x4ac: {  	v4 =	vadd.s32 v0, v33;
	v5 =	vld.idx.msk [tilespmem:v18+s12+$0x0], $0xffff;
	[tilespmem:s28+$0xFFFFFDA0] =	vst v43  }
0x4ad: {  	v47 =	vadd.s32 v0, v26;
	v10 =	vld.idx.msk [tilespmem:v45+s12+$0x0], $0xffff  }
0x4ae: {  	v49 =	vadd.s32 v0, v23;
	[tilespmem:s28+$0xFFFFFFB0] =	vst v7  }
0x4af: {  	[tilespmem:s24+$0xFFFFFDC0] =	vst v2;
	v8 =	vld.idx.msk [tilespmem:v48+s12+$0x0], $0xffff  }
0x4b0: {  	v1 =	vld.idx.msk [tilespmem:v1+s12+$0x0], $0xffff;
	v51 =	vadd.s32 v3, v21;
	[tilespmem:s28+$0x1B0] =	vst v9  }
0x4b1: {  	v2 =	vld.idx.msk [tilespmem:v4+s12+$0x0], $0xffff;
	[tilespmem:s28+$0x3B0] =	vst v5;
	v5 =	vadd.s32 v3, v16  }
0x4b2: {  	v6 =	vld.idx.msk [tilespmem:v47+s12+$0x0], $0xffff;
	[tilespmem:s28+$0xFFFFFDB0] =	vst v10  }
0x4b3: {  	v50 =	vadd.s32 v3, v26;
	v11 =	vld.idx.msk [tilespmem:v49+s12+$0x0], $0xffff  }
0x4b4: {  	v4 =	vld.idx.msk [tilespmem:v44+s12+$0x0], $0xffff;
	[tilespmem:s28+$0xFFFFFFC0] =	vst v8  }
0x4b5: {  	[tilespmem:s24+$0x1C0] =	vst v1;
	v1 =	vadd.s32 v3, v33;
	v8 =	vld.idx.msk [tilespmem:v51+s12+$0x0], $0xffff  }
0x4b6: {  	v52 =	vadd.s32 v0, v58;
	[tilespmem:s28+$0x1C0] =	vst v2;
	v5 =	vld.idx.msk [tilespmem:v5+s12+$0x0], $0xffff  }
0x4b7: {  	v57 =	vadd.s32 v0, v20;
	[tilespmem:s28+$0x3C0] =	vst v6  }
0x4b8: {  	v6 =	vld.idx.msk [tilespmem:v50+s12+$0x0], $0xffff;
	[tilespmem:s28+$0xFFFFFDC0] =	vst v11  }
0x4b9: {  	v53 =	vadd.s32 v0, v22;
	[tilespmem:s24+$0xFFFFFDD0] =	vst v4;
	v11 =	vld.idx.msk [tilespmem:v32+s12+$0x0], $0xffff  }
0x4ba: {  	v2 =	vadd.s32 v0, v24;
	v1 =	vld.idx.msk [tilespmem:v1+s12+$0x0], $0xffff;
	[tilespmem:s28+$0xFFFFFFD0] =	vst v8  }
0x4bb: {  	v4 =	vld.idx.msk [tilespmem:v52+s12+$0x0], $0xffff;
	[tilespmem:s24+$0x1D0] =	vst v5;
	v5 =	vadd.s32 v0, v19  }
0x4bc: {  	v8 =	vld.idx.msk [tilespmem:v57+s12+$0x0], $0xffff  }
0x4bd: {  	v60 =	vadd.s32 v3, v20;
	v58 =	vld.idx.msk [tilespmem:v55+s12+$0x0], $0xffff;
	[tilespmem:s28+$0x3D0] =	vst v6  }
0x4be: {  	v6 =	vld.idx.msk [tilespmem:v53+s12+$0x0], $0xffff;
	[tilespmem:s28+$0xFFFFFDD0] =	vst v11  }
0x4bf: {  	v59 =	vadd.s32 v3, v22;
	[tilespmem:s28+$0x1D0] =	vst v1;
	v2 =	vld.idx.msk [tilespmem:v2+s12+$0x0], $0xffff  }
0x4c0: {  	[tilespmem:s24+$0xFFFFFDE0] =	vst v4;
	v1 =	vadd.s32 v3, v24;
	v4 =	vld.idx.msk [tilespmem:v5+s12+$0x0], $0xffff  }
0x4c1: {  	v61 =	vadd.s32 v3, v19;
	[tilespmem:s28+$0xFFFFFFE0] =	vst v8;
	v5 =	vld.idx.msk [tilespmem:v56+s12+$0x0], $0xffff  }
0x4c2: {  	v63 =	vld.idx.msk [tilespmem:v60+s12+$0x0], $0xffff;
	[tilespmem:s24+$0x1E0] =	vst v58  }
0x4c3: {  	v62 =	vld.idx.msk [tilespmem:v54+s12+$0x0], $0xffff;
	[tilespmem:s28+$0x3E0] =	vst v6  }
0x4c4: {  	v6 =	vld.idx.msk [tilespmem:v59+s12+$0x0], $0xffff;
	[tilespmem:s28+$0xFFFFFDE0] =	vst v2  }
0x4c5: {  	v1 =	vld.idx.msk [tilespmem:v1+s12+$0x0], $0xffff;
	[tilespmem:s28+$0x1E0] =	vst v4  }
0x4c6: {  	s20 =	sadd.s32 $0x1, s20;
	[tilespmem:s24+$0xFFFFFDF0] =	vst v5;
	v2 =	vld.idx.msk [tilespmem:v61+s12+$0x0], $0xffff  }
0x4c7: {  	p0 =	sne.s32 s20, $0x20;
	[tilespmem:s28+$0xFFFFFFF0] =	vst v63  }
.Ltmp6:
0x4c8: {  	s0 =	sshll.u32 s22, $0x4;
	[tilespmem:s24+$0x1F0] =	vst v62;
	(pc) =	sbr.rel @p0 .LBB2_10-.Ltmp6, $4  }
0x4c9: {  	s1 =	sshll.u32 s23, $0xB;
	s0 =	sand.u32 $0x70, s0;
	[tilespmem:s28+$0x3F0] =	vst v6  }
0x4ca: {  	s1 =	sand.u32 $0x3FC000, s1;
	s0 =	sadd.s32 s6, s0;
	v31 =	vimm.s32 $0xA;
	[tilespmem:s28+$0xFFFFFDF0] =	vst v1  }
0x4cb: {  	s0 =	sadd.s32 s1, s0;
	v27 =	vimm.s32 $0x9;
	v46 =	vimm.s32 $0xF;
	v43 =	vimm.s32 $0xE;
	[tilespmem:s28+$0x1F0] =	vst v2  }
0x4cc: {  	v51 =	vimm.s32 $0xB;
	v55 =	vimm.s32 $0xD;
	v53 =	vimm.s32 $0xC;
	[hbm4b:s0+s13] =	stream.strided.scatter [tilespmem:s16], [sflag:$0x2], $0x4000, s14, s13, $0x38;
	[tilespmem:$0x18680] =	vst v63  }
0x4cd: {  	s19 =	sadd.s32 $0x1, s19  }
0x4ce: {  	_ =	swait.ge [sflag:s17], $0x4000;
	p0 =	sne.s32 s19, s8  }
.Ltmp7:
0x4cf: {  	[sflag:s17] =	ssyncset.done $0x0;
	(pc) =	sbr.rel @p0 .LBB2_1-.Ltmp7, $4  }
0x4d0: {  	[sflag:s17] =	ssyncadd.s32 $0xFFFFC000  }
0x4d1: {  	_ =	swait.ge [sflag:s18], $0x4000  }
0x4d2: {  	[sflag:s18] =	ssyncset.done $0x0  }
0x4d3: {  	[sflag:s18] =	ssyncadd.s32 $0xFFFFC000  }
0x4d4: {  	_ =	sfence.sel $0x180000  }
0x4d5: {  	[bflag:$0x0] =	sbarrier.arrive $0xFFFF  }
0x4d6: {  	_ =	strace $0x90000047  }
0x4d7: {  	s0 =	stileid.u32;
	[bflag:$0x2] =	sbarrier.arrive $0xFFFF  }
0x4d8: {  	p0 =	sne.s32 s0, $0x0;
	s0 =	rddreg [dreg:$0x4]  }
0x4d9: {  	s0 =	sadd.s32 @!p0 $0x100000, s0  }
0x4da: {  	[sflag:s0] =	ssyncadd.tile.s32 @!p0 $0x1;
	_ =	shalt  }
.Lfunc_end2:
_tile_overlayer_lowered:
.L_overlay_start_2:
0x4db: {  	(tag) =	ssettag $0x2  }
0x4dc: {  	s0 =	rddreg [dreg:$0x0];
	s2 =	stileid.u32  }
0x4dd: {  	s1 =	rddreg [dreg:$0x1];
	p0 =	sne.s32 s2, $0x0  }
0x4de: {  	s3 =	rddreg [dreg:$0x2];
	[bflag:$0x3] =	sbarrier.arrive $0xFFFF;
	s2 =	simm.s32 @!p0 $0x1C03  }
0x4df: {  	[timem:s3], [sflag:s2] =	dma.local @!p0 [hbm:s0], s1  }
0x4e0: {  	s0 =	simm.s32 @!p0 $0x3  }
0x4e1: {  	_ =	swait.ge @!p0 [sflag:s0], s1  }
0x4e2: {  	s1 =	ssub.s32 @!p0 $0x0, s1;
	[sflag:s0] =	ssyncset.done @!p0 $0x0  }
0x4e3: {  	[sflag:s0] =	ssyncadd.s32 @!p0 s1  }
0x4e4: {  	[bflag:$0x3] =	sbarrier.arrive $0xFFFF  }
0x4e5: {  	_ =	shalt  }

// kernel: sparse-core-data-format-call.cloned.1.call-start
scs
called_computation_lowered:
.L_overlay_start_0:
0x0: {  	s2 =	sld [smem:$0x3FD9]  }
0x1: {  	s3 =	sld [smem:$0x3FFE];
	_ =	sdelay $0x1  }
0x2: {  	s1 =	srdreg.scid  }
0x3: {  	s0 =	sand.u32 $0x1, s1  }
0x4: {  	s18 =	sshll.u32 s0, $0xA;
	s2 =	sadd.s32 s3, s2  }
0x5: {  	s2 =	sadd.s32 s2, s18  }
0x6: {  	[smem:$0x3FC5] =	sst s2  }
0x7: {  	_ = 	snop  }
0x8: {  	s2 =	sld [smem:$0x3FD0];
	(tm) =	ssettm $0x1  }
0x9: {  	s19 =	sld [smem:$0x3FFB];
	_ =	sdelay $0x3  }
0xa: {  	_ =	strace s19  }
0xb: {  	s3 =	sld [smem:$0x3FFC];
	_ =	sdelay $0x3  }
0xc: {  	_ =	strace s3  }
0xd: {  	s3 =	sld [smem:$0x3FFD];
	_ =	sdelay $0x3  }
0xe: {  	_ =	strace s3  }
0xf: {  	_ =	strace $0x8FFFFFFF  }
0x10: {  	s20 =	sld [smem:$0x3FDB];
	_ =	sdelay $0x1  }
0x11: {  	s4 =	simm.s32 $_scs_section_size  }
0x12: {  	s5 =	simm.s32 $_size__tile_overlayer_lowered;
	s6 =	simm.s32 $_tile_overlayer_lowered  }
0x13: {  	s23 =	simm.s32 $0x1BFF;
	s22 =	sshll.u32 s6, $0x1;
	s3 =	sadd.s32 s4, s20  }
0x14: {  	s7 =	simm.s32 $0x0;
	s21 =	sshll.u32 s5, $0x1;
	s5 =	sadd.s32 s22, s3  }
0x15: {  	[timem:s7], [sflag:s23] =	dma.local [hbm:s5], s21  }
0x16: {  	_ =	swait.ge [sflag:s23], s21  }
0x17: {  	s4 =	ssub.s32 $0x0, s21;
	[sflag:s23] =	ssyncset.done $0x0  }
0x18: {  	[sflag:s23] =	ssyncadd.s32 s4;
	_ =	sdelay $0x1  }
0x19: {  	s24 =	simm.s32 $0x1B8B  }
0x1a: {  	_ =	swait.ge [sflag:s24], $0x1  }
0x1b: {  	[sflag:s24] =	ssyncset.done $0x0  }
0x1c: {  	s26 =	simm.s32 $0x1B8E;
	s25 =	sld [smem:$0x3FFE];
	[sflag:s24] =	ssyncadd.s32 $0xFFFFFFFF  }
0x1d: {  	s27 =	simm.s32 $execute0_lowered;
	[smem:$0x3FD2] =	sst s26  }
0x1e: {  	s5 =	sshll.u32 s27, $0x1;
	_ =	strace $0x80000049;
	[dreg:$0x1] =	wrdreg $0xFFFFFFFF  }
0x1f: {  	s28 =	simm.s32 $_size_execute0_lowered;
	s3 =	sadd.s32 s3, s5;
	[dreg:$0x0] =	wrdreg $0x0  }
0x20: {  	s5 =	sshll.u32 s28, $0x1;
	[dreg:$0x2] =	wrdreg s3  }
0x21: {  	[dreg:$0x3] =	wrdreg s5  }
0x22: {  	[dreg:$0x4] =	wrdreg $0xC0  }
0x23: {  	_ =	task [dreg:s7], $0x5FFFF  }
0x24: {  	[dreg:$0x1] =	wrdreg $0xFFFFFFFF  }
0x25: {  	[dreg:$0x0] =	wrdreg $0x60  }
0x26: {  	[dreg:$0x2] =	wrdreg s25  }
0x27: {  	[dreg:$0x3] =	wrdreg s2  }
0x28: {  	[dreg:$0x4] =	wrdreg $0x9  }
0x29: {  	_ =	task.clear_ibuf [dreg:s7], $0x5FFFF;
	_ =	strace $0x90000049  }
0x2a: {  	s29 =	simm.s32 $0x9;
	_ =	strace $0x8000004B  }
0x2b: {  	_ =	swait.ge [sflag:s29], $0x1  }
0x2c: {  	[sflag:s29] =	ssyncadd.s32 $0xFFFFFFFF  }
0x2d: {  	_ =	strace $0x9000004B  }
0x2e: {  	_ =	sfence  }
0x2f: {  	s30 =	sld [smem:$0x0];
	_ =	sdelay $0x2  }
0x30: {  	s31 =	sshll.u32 s1, $0xD;
	s1 =	sshrl.u32 s1, $0x2  }
0x31: {  	s3 =	sand.u32 $0x4000, s31;
	s1 =	sadd.s32 s1, s30  }
0x32: {  	s0 =	sor.u32 s3, s0;
	s1 =	sshll.u32 s1, $0x11  }
0x33: {  	s0 =	sor.u32 s1, s0  }
0x34: {  	s0 =	sadd.s32 $0x8F2B, s0  }
0x35: {  	[sflag:s0] =	ssyncadd.remote.s32 $0x1  }
0x36: {  	_ =	sfence.sel $0xFFFF  }
0x37: {  	[dreg:$0x0] =	wrdreg $0xFFFFFFFF;
	(pc) =	sbr.abs _section_cstart, $3  }
0x38: {  	[dreg:$0x1] =	wrdreg $0xFFFFFFFF  }
0x39: {  	_ =	task.clear_ibuf [dreg:s7], $0x2FFFF;
	_ =	strace $0x9FFFFFFF  }
0x3a: {  	(tm) =	ssettm $0x7FFFFFFF  }
0x3b: {  	_ =	shalt  }
tec
execute0_lowered:
.L_overlay_start_1:
0x0: {  	(tag) =	ssettag $0x1  }
0x1: {  	s4 =	rddreg [dreg:$0x0]  }
0x2: {  	s2 =	rddreg [dreg:$0x1]  }
0x3: {  	s0 =	stileid.u32;
	s1 =	rddreg [dreg:$0x2];
	_ =	strace $0x8000004A  }
0x4: {  	s6 =	srdreg.scid;
	s31 =	simm.s32 $0x2;
	s15 =	simm.s32 $0x0  }
0x5: {  	s17 =	simm.s32 $0x0;
	s18 =	simm.s32 $0x0;
	s16 =	simm.s32 $0x0  }
0x6: {  	s10 =	simm.s32 $0x0;
	s11 =	simm.s32 $0x0;
	s3 =	sshll.u32 s0, $0x7  }
0x7: {  	s14 =	simm.s32 $0x0;
	s6 =	sshll.u32 s6, $0x4;
	s3 =	sand.u32 $0x180, s3  }
0x8: {  	s4 =	sadd.s32 $0x800, s4;
	s6 =	sand.u32 $0x10, s6;
	s5 =	ssub.s32 $0x200, s3  }
0x9: {  	s7 =	sand.u32 $0x180, s5;
	s8 =	sshrl.u32 s5, $0x9;
	s5 =	simm.s32 $0x1  }
.Ltmp0:
0xa: {  	p0 =	sne.s32 s7, $0x0;
	s7 =	simm.s32 $0x1;
	(pc) =	sbr.rel .LBB1_1-.Ltmp0, $4  }
0xb: {  	s9 =	sor.u32 s0, s6;
	[sflag:s5] =	ssyncpa.u1 $0x0;
	s7 =	simm.s32 @!p0 $0x0  }
0xc: {  	s13 =	smov.u32 s3;
	[sflag:s31] =	ssyncpa.u1 $0x0;
	s30 =	sadd.s32 s7, s8  }
0xd: {  	p0 =	por $0x0, $0x0;
	s7 =	sshrl.u32 s9, $0x2;
	s6 =	sshll.u32 s30, $0x6  }
0xe: {  	s9 =	simm.s32 $0x4000;
	s12 =	smov.u32 s7;
	s8 =	sor.u32 $0x1, s6  }
.LBB1_4:
0xf: {  	v5 =	vld [tilespmem:s21+$0xFFFFFFD0];
	[tilespmem:s22+$0x2040 ss:$0x81] =	vst.msk $0xffff, v1  }
0x10: {  	v58 =	vld [tilespmem:s21+$0xFFFFFFE0];
	[tilespmem:s22+$0x2850 ss:$0x81] =	vst.msk $0xffff, v2  }
0x11: {  	s23 =	sshra.s32 s23, $0x2;
	v59 =	vld [tilespmem:s21+$0xFFFFFFF0];
	[tilespmem:s22+$0x3060 ss:$0x81] =	vst.msk $0xffff, v3  }
0x12: {  	v60 =	vld [tilespmem:s21+$0x0];
	[tilespmem:s22+$0x0 ss:$0x81] =	vst.msk $0xffff, v0;
	s20 =	sadd.s32 s23, s20  }
0x13: {  	v61 =	vld [tilespmem:s21+$0x10];
	s25 =	sand.u32 $0x78, s16;
	s26 =	sshll.u32 s18, $0x9;
	s24 =	sshll.u32 s16, $0x3;
	[tilespmem:s20+$0x3870 ss:$0x81] =	vst.msk $0xffff, v4  }
0x14: {  	v62 =	vld [tilespmem:s21+$0x20];
	s27 =	sshll.u32 s18, $0x7;
	s17 =	sshll.u32 s17, $0x14;
	s15 =	sshll.u32 s15, $0xB;
	[tilespmem:s20+$0x810 ss:$0x81] =	vst.msk $0xffff, v5  }
0x15: {  	v63 =	vld [tilespmem:s21+$0xFFFFFFC0];
	s30 =	sand.u32 $0x7, s16;
	s23 =	sand.u32 $0x3000, s26;
	s24 =	sand.u32 $0x3C00, s24;
	[tilespmem:s20+$0x1020 ss:$0x81] =	vst.msk $0xffff, v58  }
0x16: {  	s29 =	sand.u32 $0x200, s27;
	s18 =	sand.u32 $0x180, s27;
	s28 =	sadd.s32 s24, s23;
	[tilespmem:s20+$0x1830 ss:$0x81] =	vst.msk $0xffff, v59  }
0x17: {  	s17 =	sadd.s32 s2, s17;
	s18 =	sor.u32 s25, s18;
	s21 =	sor.u32 s29, s28;
	[tilespmem:s20+$0x2040 ss:$0x81] =	vst.msk $0xffff, v60  }
0x18: {  	s15 =	sadd.s32 s15, s17;
	s18 =	sshrl.u32 s18, $0x3;
	s21 =	sshrl.u32 s21, $0x3;
	[tilespmem:s20+$0x2850 ss:$0x81] =	vst.msk $0xffff, v61  }
0x19: {  	s16 =	sshll.u32 s30, $0x12;
	s15 =	sadd.s32 s18, s15;
	[tilespmem:s20+$0x3060 ss:$0x81] =	vst.msk $0xffff, v62;
	s31 =	sand.u32 $0x7C0, s21  }
0x1a: {  	s16 =	sor.u32 $0x80, s16;
	[tilespmem:s20+$0x0 ss:$0x81] =	vst.msk $0xffff, v63;
	s15 =	sadd.s32 s31, s15  }
0x1b: {  	[hbm4b:s15+s16] =	stream.strided.scatter [tilespmem:s19], [sflag:$0x2], $0x4000, s9, s16, $0x20;
	[tilespmem:$0x10100] =	vst v63  }
.LBB1_5:
0x1c: {  	s19 =	sadd.s32 $0x80, s10  }
0x1d: {  	s15 =	simm.s32 $0x1;
	p2 =	sgt.s32 s19, $0x1FF  }
0x1e: {  	s15 =	simm.s32 @!p2 $0x0  }
0x1f: {  	s20 =	sadd.s32 s15, s11  }
0x20: {  	s21 =	smov.u32 s12;
	s15 =	sadd.s32 $0x8, s12;
	p3 =	sgt.s32 s20, $0x3  }
0x21: {  	s21 =	smov.u32 @p3 s15  }
0x22: {  	s22 =	smov.u32 s13;
	s15 =	sadd.s32 $0x200, s13;
	p4 =	sgt.s32 s21, $0x1F  }
0x23: {  	p1 =	slt.u32 s14, $0x2;
	s22 =	smov.u32 @p4 s15  }
0x24: {  	s17 =	smov.u32 s11;
	s19 =	simm.s32 @p2 $0x0;
	p2 =	sgt.s32 s22, $0x1FF  }
0x25: {  	s23 =	simm.s32 @!p1 $0x2;
	s22 =	smov.u32 @p2 s3;
	p2 =	sne.s32 s14, s8  }
.Ltmp1:
0x26: {  	s18 =	smov.u32 s12;
	_ =	swait.ge @!p1 [sflag:s23], $0x4000;
	(pc) =	sbr.rel @!p2 .LBB1_6-.Ltmp1, $4  }
0x27: {  	s16 =	smov.u32 s13;
	[sflag:s23] =	ssyncset.done @!p1 $0x0;
	s20 =	simm.s32 @p3 $0x0  }
0x28: {  	p0 =	por !p0, !p0;
	[sflag:s23] =	ssyncadd.s32 @!p1 $0xFFFFC000;
	s11 =	smov.u32 s20  }
0x29: {  	s21 =	smov.u32 @p4 s7;
	s15 =	smov.u32 s10;
	s10 =	smov.u32 s19  }
0x2a: {  	s12 =	smov.u32 s21;
	s14 =	sadd.s32 $0x1, s14;
	s13 =	smov.u32 s22  }
.LBB1_1:
0x2b: {  	p1 =	sge.u32 s14, s6  }
0x2c: {  	s31 =	sadd.s32 $0xFFFFFFFF, s14;
	s19 =	sxor.u32 @!p1 $0xFFFFFFFF, s14;
	s20 =	sshll.u32 @!p1 s11, $0x7  }
0x2d: {  	s21 =	sand.u32 @!p1 $0x78, s10;
	s22 =	sshll.u32 @!p1 s12, $0x8;
	s20 =	sand.u32 @!p1 $0x180, s20  }
0x2e: {  	s23 =	sshrl.u32 @!p1 s10, $0x1;
	s20 =	sor.u32 @!p1 s21, s20;
	s21 =	sshll.u32 @!p1 s13, $0xD  }
0x2f: {  	s19 =	sshll.u32 @!p1 s19, $0xE;
	s23 =	sand.u32 @!p1 $0xC0, s23;
	s21 =	sadd.s32 @!p1 s4, s21  }
0x30: {  	s19 =	sand.u32 @!p1 $0x4000, s19;
	s21 =	sadd.s32 @!p1 s22, s21;
	s22 =	sand.u32 @!p1 $0x7, s10  }
0x31: {  	s20 =	sshrl.u32 @!p1 s20, $0x3;
	s21 =	sadd.s32 @!p1 s23, s21;
	s22 =	sshll.u32 @!p1 s22, $0x12  }
0x32: {  	s20 =	sadd.s32 @!p1 s20, s21;
	s21 =	sor.u32 @!p1 $0x80, s22;
	s22 =	simm.s32 @!p1 $0x10000  }
0x33: {  	[tilespmem:s19], [sflag:$0x1] =	stream.strided.gather @!p1 [hbm4b:s20+s21], $0x4000, s22, s21, $0x38;
	[tilespmem:$0x10100] =	vst v63  }
0x34: {  	p1 =	sge.u32 s31, s6  }
.Ltmp2:
0x35: {  	_ = 	snop;
	(pc) =	sbr.rel @p1 .LBB1_5-.Ltmp2, $1  }
0x36: {  	_ =	sdelay $0x3  }
0x37: {  	s19 =	simm.s32 $0x1  }
0x38: {  	_ =	swait.ge [sflag:s5], $0x4000;
	s19 =	simm.s32 @!p0 $0x0  }
0x39: {  	[sflag:s5] =	ssyncset.done $0x0;
	s20 =	sshll.u32 s19, $0xE  }
0x3a: {  	[sflag:s5] =	ssyncadd.s32 $0xFFFFC000;
	s21 =	sor.u32 $0x40, s20  }
0x3b: {  	s19 =	smul.u32 $0x10200, s19;
	v0 =	vld [tilespmem:s21+$0x30]  }
0x3c: {  	v3 =	vld [tilespmem:s21+$0xFFFFFFD0]  }
0x3d: {  	s19 =	sshrl.u32 s19, $0x2;
	v4 =	vld [tilespmem:s21+$0xFFFFFFE0]  }
0x3e: {  	v5 =	vld [tilespmem:s21+$0xFFFFFFF0];
	s20 =	sor.u32 $0x8000, s19  }
0x3f: {  	s31 =	sand.u32 $0x1, s14;
	v1 =	vld [tilespmem:s21+$0x0];
	s22 =	sadd.s32 $0x0, s20  }
0x40: {  	v2 =	vld [tilespmem:s21+$0x10];
	s19 =	smul.u32 $0x10200, s31;
	[tilespmem:s22+$0x3870 ss:$0x81] =	vst.msk $0xffff, v0  }
0x41: {  	[tilespmem:s22+$0x810 ss:$0x81] =	vst.msk $0xffff, v3;
	v3 =	vld [tilespmem:s21+$0x20]  }
0x42: {  	s19 =	sshrl.u32 s19, $0x2;
	v0 =	vld [tilespmem:s21+$0xFFFFFFC0];
	[tilespmem:s22+$0x1020 ss:$0x81] =	vst.msk $0xffff, v4;
	s21 =	sadd.s32 $0x80, s21  }
0x43: {  	s23 =	simm.s32 $0x4;
	s24 =	simm.s32 $0x8;
	s19 =	sor.u32 $0x8000, s19;
	[tilespmem:s22+$0x1830 ss:$0x81] =	vst.msk $0xffff, v5;
	v4 =	vld [tilespmem:s21+$0x30]  }
.LBB1_3:
0x44: {  	p1 =	sne.s32 s24, $0x1FC;
	v5 =	vld [tilespmem:s21+$0xFFFFFFD0];
	[tilespmem:s22+$0x2040 ss:$0x81] =	vst.msk $0xffff, v1  }
0x45: {  	v6 =	vld [tilespmem:s21+$0xFFFFFFE0];
	[tilespmem:s22+$0x2850 ss:$0x81] =	vst.msk $0xffff, v2  }
0x46: {  	s25 =	sshra.s32 s23, $0x2;
	s23 =	smov.u32 s24;
	v7 =	vld [tilespmem:s21+$0xFFFFFFF0];
	[tilespmem:s22+$0x3060 ss:$0x81] =	vst.msk $0xffff, v3  }
.Ltmp3:
0x47: {  	v1 =	vld [tilespmem:s21+$0x0];
	[tilespmem:s22+$0x0 ss:$0x81] =	vst.msk $0xffff, v0;
	s22 =	sadd.s32 s25, s20;
	(pc) =	sbr.rel @p1 .LBB1_3-.Ltmp3, $4  }
0x48: {  	v2 =	vld [tilespmem:s21+$0x10];
	[tilespmem:s22+$0x3870 ss:$0x81] =	vst.msk $0xffff, v4  }
0x49: {  	[tilespmem:s22+$0x810 ss:$0x81] =	vst.msk $0xffff, v5;
	v3 =	vld [tilespmem:s21+$0x20]  }
0x4a: {  	v0 =	vld [tilespmem:s21+$0xFFFFFFC0];
	[tilespmem:s22+$0x1020 ss:$0x81] =	vst.msk $0xffff, v6;
	s21 =	sadd.s32 $0x80, s21  }
0x4b: {  	s24 =	sadd.s32 $0x4, s24;
	v4 =	vld [tilespmem:s21+$0x30];
	[tilespmem:s22+$0x1830 ss:$0x81] =	vst.msk $0xffff, v7  }
.Ltmp4:
0x4c: {  	_ = 	snop;
	(pc) =	sbr.rel .LBB1_4-.Ltmp4, $1  }
0x4d: {  	_ =	sdelay $0x3  }
.LBB1_6:
0x4e: {  	_ =	sfence.sel $0x180000  }
0x4f: {  	s2 =	simm.s32 $0x1;
	[bflag:$0x0] =	sbarrier.arrive $0xFFFF  }
0x50: {  	s31 =	simm.s32 $0x2;
	[sflag:s2] =	ssyncpa.u1 $0x1  }
0x51: {  	[sflag:s31] =	ssyncpa.u1 $0x1  }
0x52: {  	p0 =	sne.s32 s0, $0x0;
	_ =	strace $0x9000004A  }
0x53: {  	s0 =	sadd.s32 @!p0 $0x100000, s1;
	[bflag:$0x2] =	sbarrier.arrive $0xFFFF  }
0x54: {  	[sflag:s0] =	ssyncadd.tile.s32 @!p0 $0x1;
	_ =	shalt  }
.Lfunc_end1:
_tile_overlayer_lowered:
.L_overlay_start_2:
0x55: {  	(tag) =	ssettag $0x2  }
0x56: {  	s0 =	rddreg [dreg:$0x0];
	s2 =	stileid.u32  }
0x57: {  	s1 =	rddreg [dreg:$0x1];
	p0 =	sne.s32 s2, $0x0  }
0x58: {  	s3 =	rddreg [dreg:$0x2];
	[bflag:$0x3] =	sbarrier.arrive $0xFFFF;
	s2 =	simm.s32 @!p0 $0x1C01  }
0x59: {  	[timem:s3], [sflag:s2] =	dma.local @!p0 [hbm:s0], s1  }
0x5a: {  	s0 =	simm.s32 @!p0 $0x1  }
0x5b: {  	_ =	swait.ge @!p0 [sflag:s0], s1  }
0x5c: {  	s1 =	ssub.s32 @!p0 $0x0, s1;
	[sflag:s0] =	ssyncset.done @!p0 $0x0  }
0x5d: {  	[sflag:s0] =	ssyncadd.s32 @!p0 s1  }
0x5e: {  	[bflag:$0x3] =	sbarrier.arrive $0xFFFF  }
0x5f: {  	_ =	shalt  }

</sc_bundles>
